<compile_context>
chip_gen: v7x
topology: tpu7x:2x2x1
jax: 0.10.2.dev20260603
libtpu: 0.0.44.dev20260713+nightly
codegen_flags: <defaults>
</compile_context>

<pallas_src>
import functools

import jax
import jax.numpy as jnp
from jax import lax
from jax.experimental import pallas as pl
from jax.experimental.pallas import tpu as pltpu
from jax.experimental.pallas import tpu_sc as plsc

NC = 2
NS = 16
NW = NC * NS
CH = 128

G = 64


def _mesh():
    return plsc.VectorSubcoreMesh(
        core_axis_name="c", subcore_axis_name="s", num_cores=NC, num_subcores=NS
    )



def _make_deg(np_, nch, rpt):

    @functools.partial(
        pl.kernel,
        out_type=jax.ShapeDtypeStruct((NC, np_, 16), jnp.float32),
        mesh=_mesh(),
        scratch_types=[
            pltpu.VMEM((nch, CH), jnp.int32),
            pltpu.VMEM((CH, 16), jnp.float32),
            pltpu.VMEM_SHARED((np_, 16), jnp.float32),
        ],
    )
    def deg_kernel(dst_hbm, z_hbm, out_hbm, dst_v, ones_v, acc):
        cid = lax.axis_index("c")
        sid = lax.axis_index("s")
        wid = sid * NC + cid
        pltpu.sync_copy(z_hbm, acc.at[pl.ds(sid * rpt, rpt)])
        pltpu.sync_copy(dst_hbm.at[wid], dst_v)

        def init_ones(i, _):
            ones_v[i, :] = jnp.ones((16,), jnp.float32)
            return 0

        lax.fori_loop(0, CH, init_ones, 0)
        plsc.subcore_barrier()

        def body(j, _):
            pltpu.sync_copy(ones_v, acc.at[dst_v.at[j]], add=True)
            return 0

        lax.fori_loop(0, nch, body, 0)
        plsc.subcore_barrier()
        pltpu.sync_copy(acc.at[pl.ds(sid * rpt, rpt)],
                        out_hbm.at[cid, pl.ds(sid * rpt, rpt)])

    return deg_kernel


def _make_prop(np_, nch, rpt, d):

    @functools.partial(
        pl.kernel,
        out_type=jax.ShapeDtypeStruct((NC, np_, d), jnp.float32),
        mesh=_mesh(),
        scratch_types=[
            pltpu.VMEM((nch, CH), jnp.int32),
            pltpu.VMEM((nch, CH), jnp.int32),
            [pltpu.VMEM((CH, d), jnp.float32) for _ in range(2)],
            pltpu.VMEM_SHARED((np_, d), jnp.float32),
            pltpu.SemaphoreType.DMA,
        ],
    )
    def prop_kernel(src_hbm, dst_hbm, s_hbm, z_hbm, out_hbm,
                    src_v, dst_v, rows, acc, sem):
        cid = lax.axis_index("c")
        sid = lax.axis_index("s")
        wid = sid * NC + cid
        pltpu.sync_copy(z_hbm, acc.at[pl.ds(sid * rpt, rpt)])
        pltpu.sync_copy(src_hbm.at[wid], src_v)
        pltpu.sync_copy(dst_hbm.at[wid], dst_v)
        plsc.subcore_barrier()

        def body(k, _):
            jj = 2 * k
            descs = [
                pltpu.async_copy(s_hbm.at[src_v.at[jj + b]], rows[b], sem)
                for b in range(2)
            ]
            for b in range(2):
                descs[b].wait()
            for b in range(2):
                pltpu.sync_copy(rows[b], acc.at[dst_v.at[jj + b]], add=True)
            return 0

        lax.fori_loop(0, nch // 2, body, 0)
        plsc.subcore_barrier()
        pltpu.sync_copy(acc.at[pl.ds(sid * rpt, rpt)],
                        out_hbm.at[cid, pl.ds(sid * rpt, rpt)])

    return prop_kernel



def _elu(z):
    return jnp.where(z > 0, z, jnp.exp(z) - 1.0)


def _full(shape):
    return pl.BlockSpec(shape, lambda *i: (0,) * len(shape))


def _rows(shape):
    return pl.BlockSpec(shape, lambda i: (i,) + (0,) * (len(shape) - 1))


def _tc0(x, w1, da, db, bn, wpad):
    np_, din = x.shape
    dout = w1.shape[1]

    def body(x_ref, w_ref, da_ref, db_ref, s_ref, dv_ref):
        deg = 1.0 + da_ref[:, :1] + db_ref[:, :1]
        dinv = lax.rsqrt(deg)
        s = dinv * jnp.dot(x_ref[...], w_ref[...],
                           preferred_element_type=jnp.float32)
        s_ref[...] = jnp.concatenate(
            [s, jnp.zeros((bn, wpad - dout), jnp.float32)], axis=1)
        dv_ref[...] = dinv

    return pl.pallas_call(
        body,
        grid=(np_ // bn,),
        in_specs=[_rows((bn, din)), _full(w1.shape), _rows((bn, 16)),
                  _rows((bn, 16))],
        out_specs=[_rows((bn, wpad)), _rows((bn, 1))],
        out_shape=[jax.ShapeDtypeStruct((np_, wpad), jnp.float32),
                   jax.ShapeDtypeStruct((np_, 1), jnp.float32)],
    )(x, w1, da, db)


def _tc_layer1(ea, eb, s1, dinv, b1, bn):
    np_, wpad = s1.shape
    d = b1.shape[1]

    def body(ea_ref, eb_ref, s_ref, dv_ref, b_ref, o_ref):
        dinv_ = dv_ref[...]
        agg = (ea_ref[:, :d] + eb_ref[:, :d] + s_ref[:, :d])
        z = dinv_ * agg + b_ref[...]
        s2 = dinv_ * _elu(z)
        o_ref[...] = jnp.concatenate(
            [s2, jnp.zeros((bn, wpad - d), jnp.float32)], axis=1)

    return pl.pallas_call(
        body,
        grid=(np_ // bn,),
        in_specs=[_rows((bn, wpad)), _rows((bn, wpad)), _rows((bn, wpad)),
                  _rows((bn, 1)), _full(b1.shape)],
        out_specs=_rows((bn, wpad)),
        out_shape=jax.ShapeDtypeStruct((np_, wpad), jnp.float32),
    )(ea, eb, s1, dinv, b1)


def _tc_layer(ea, eb, s, dinv, w, b, bn, scale_out, wpad_out):
    np_, wpad_in = s.shape
    din, dout = w.shape

    def body(ea_ref, eb_ref, s_ref, dv_ref, w_ref, b_ref, o_ref):
        dinv_ = dv_ref[...]
        agg = dinv_ * (ea_ref[:, :din] + eb_ref[:, :din] + s_ref[:, :din])
        z = jnp.dot(agg, w_ref[...], preferred_element_type=jnp.float32) + b_ref[...]
        h = _elu(z)
        h = dinv_ * h if scale_out else h
        if wpad_out > dout:
            h = jnp.concatenate(
                [h, jnp.zeros((bn, wpad_out - dout), jnp.float32)], axis=1)
        o_ref[...] = h

    return pl.pallas_call(
        body,
        grid=(np_ // bn,),
        in_specs=[_rows((bn, wpad_in)), _rows((bn, wpad_in)),
                  _rows((bn, wpad_in)), _rows((bn, 1)), _full(w.shape),
                  _full(b.shape)],
        out_specs=_rows((bn, wpad_out)),
        out_shape=jax.ShapeDtypeStruct((np_, wpad_out), jnp.float32),
    )(ea, eb, s, dinv, w, b)


def _tc_head(h5, batch2, lw1, lb1, lw2, lb2):
    np_, d = h5.shape
    ncls = lw2.shape[1]

    def body(h_ref, b_ref, w1_ref, b1_ref, w2_ref, b2_ref, o_ref):
        gids = lax.broadcasted_iota(jnp.int32, (G, np_), 0)
        onehot = (gids == b_ref[...]).astype(jnp.float32)
        sums = jnp.dot(onehot, h_ref[...], preferred_element_type=jnp.float32)
        cnt = jnp.sum(onehot, axis=1, keepdims=True)
        pooled = sums / jnp.maximum(cnt, 1.0)
        y = _elu(jnp.dot(pooled, w1_ref[...],
                         preferred_element_type=jnp.float32) + b1_ref[...])
        o_ref[...] = jnp.dot(y, w2_ref[...],
                             preferred_element_type=jnp.float32) + b2_ref[...]

    return pl.pallas_call(
        body,
        in_specs=[_full(h5.shape), _full(batch2.shape), _full(lw1.shape),
                  _full(lb1.shape), _full(lw2.shape), _full(lb2.shape)],
        out_specs=_full((G, ncls)),
        out_shape=jax.ShapeDtypeStruct((G, ncls), jnp.float32),
    )(h5, batch2, lw1, lb1, lw2, lb2)



def kernel(x, edge_index, batch, W1, b1, W2, b2, W3, b3, W4, b4,
           LW1, Lb1, LW2, Lb2):
    n, _ = x.shape
    e = edge_index.shape[1]

    bn = 1024
    np_ = ((n + bn - 1) // bn) * bn
    rpt = np_ // NS
    pad = n
    nch = (e + NW * CH - 1) // (NW * CH)
    nch = nch + (nch % 2)
    epad = NW * nch * CH

    src = edge_index[0]
    dst = edge_index[1]
    spread = pad + jnp.arange(epad, dtype=jnp.int32) % (np_ - n - 8)
    src3 = spread.at[:e].set(src).reshape(NW, nch, CH)
    dst3 = spread.at[:e].set(dst).reshape(NW, nch, CH)

    xp = jnp.pad(x, ((0, np_ - n), (0, 0)))
    batch2 = jnp.pad(batch, (0, np_ - n), constant_values=G).reshape(1, np_)
    b1r = b1.reshape(1, -1)
    b2r = b2.reshape(1, -1)
    b3r = b3.reshape(1, -1)
    b4r = b4.reshape(1, -1)
    lb1r = Lb1.reshape(1, -1)
    lb2r = Lb2.reshape(1, -1)

    z16 = jnp.zeros((rpt, 16), jnp.float32)

    wpad = 128
    prop = _make_prop(np_, nch, rpt, wpad)
    z128 = jnp.zeros((rpt, wpad), jnp.float32)

    degp = _make_deg(np_, nch, rpt)(dst3, z16)
    s1, dinv = _tc0(xp, W1, degp[0], degp[1], bn, wpad)

    e1 = prop(src3, dst3, s1, z128)
    s2 = _tc_layer1(e1[0], e1[1], s1, dinv, b1r, bn)

    e2 = prop(src3, dst3, s2, z128)
    s3 = _tc_layer(e2[0], e2[1], s2, dinv, W2, b2r, bn, True, wpad)

    e3 = prop(src3, dst3, s3, z128)
    s4 = _tc_layer(e3[0], e3[1], s3, dinv, W3, b3r, bn, True, wpad)

    e4 = prop(src3, dst3, s4, z128)
    h5 = _tc_layer(e4[0], e4[1], s4, dinv, W4, b4r, bn, False, 256)

    return _tc_head(h5, batch2, LW1, lb1r, LW2, lb2r)

# --- scband reference (transcript-rebuilt; emitter-appended) ---
"""Pipeline reference for scband-simple-gcn-86887188399074 (READ-ONLY COPY).

The authoritative reference and input builder live on the scoring server;
editing this copy changes nothing except your own understanding.
"""

import jax, jax.numpy as jnp
import numpy as np

N = 10000
E = 160000
G = 64
D_IN = 256
NUM_CLASSES = 10


def setup_inputs(seed: int = 0) -> dict:
    key = jax.random.key(seed)
    ks = jax.random.split(key, 16)
    x = jax.random.normal(ks[0], (N, D_IN), dtype=jnp.float32)
    edge_index = jax.random.randint(ks[1], (2, E), 0, N, dtype=jnp.int32)
    batch = jnp.sort(jax.random.randint(ks[2], (N,), 0, G, dtype=jnp.int32))

    def init_w(k, fan_in, fan_out):
        return jax.random.normal(k, (fan_in, fan_out), dtype=jnp.float32) * (1.0 / np.sqrt(fan_in))

    W1 = init_w(ks[3], D_IN, 32); b1 = jnp.zeros((32,), jnp.float32)
    W2 = init_w(ks[4], 32, 64); b2 = jnp.zeros((64,), jnp.float32)
    W3 = init_w(ks[5], 64, 128); b3 = jnp.zeros((128,), jnp.float32)
    W4 = init_w(ks[6], 128, 256); b4 = jnp.zeros((256,), jnp.float32)
    LW1 = init_w(ks[7], 256, 128); Lb1 = jnp.zeros((128,), jnp.float32)
    LW2 = init_w(ks[8], 128, NUM_CLASSES); Lb2 = jnp.zeros((NUM_CLASSES,), jnp.float32)
    return {"x": x, "edge_index": edge_index, "batch": batch,
            "W1": W1, "b1": b1, "W2": W2, "b2": b2,
            "W3": W3, "b3": b3, "W4": W4, "b4": b4,
            "LW1": LW1, "Lb1": Lb1, "LW2": LW2, "Lb2": Lb2}


def reference(x, edge_index, batch, W1, b1, W2, b2, W3, b3, W4, b4, LW1, Lb1, LW2, Lb2):
    # GCNConv (Kipf & Welling): add self-loops, symmetric deg normalization
    src = edge_index[0]
    dst = edge_index[1]
    loop = jnp.arange(N, dtype=src.dtype)
    src2 = jnp.concatenate([src, loop])
    dst2 = jnp.concatenate([dst, loop])
    deg = jnp.zeros((N,), jnp.float32).at[dst2].add(1.0)
    dinv = jax.lax.rsqrt(deg)
    norm = dinv[src2] * dinv[dst2]

    def gcn_conv(h, W, b):
        h = h @ W
        msg = jnp.take(h, src2, axis=0) * norm[:, None]
        agg = jnp.zeros((N, W.shape[1]), jnp.float32).at[dst2].add(msg)
        return agg + b

    h = jax.nn.elu(gcn_conv(x, W1, b1))
    h = jax.nn.elu(gcn_conv(h, W2, b2))
    h = jax.nn.elu(gcn_conv(h, W3, b3))
    h = jax.nn.elu(gcn_conv(h, W4, b4))

    # global_mean_pool over graph ids
    sums = jnp.zeros((G, h.shape[1]), jnp.float32).at[batch].add(h)
    cnt = jnp.zeros((G,), jnp.float32).at[batch].add(1.0)
    pooled = sums / jnp.maximum(cnt, 1.0)[:, None]

    # dropout is identity in eval mode
    out = jax.nn.elu(pooled @ LW1 + Lb1)
    out = out @ LW2 + Lb2
    return out

if __name__ == "__main__":
    import jax
    _d = setup_inputs()
    print(jax.jit(kernel)(*tuple(_d.values())))

</pallas_src>

<mosaic_0001>
#map = affine_map<(d0, d1) -> (0, 0, 0)>
#map1 = affine_map<(d0, d1) -> (0, 0)>
module attributes {stable_mosaic.version = 14 : i64} {
  func.func @prop_kernel(%arg0: i32, %arg1: i32, %arg2: memref<32x40x128xi32, #tpu.memory_space<hbm>>, %arg3: memref<32x40x128xi32, #tpu.memory_space<hbm>>, %arg4: memref<10240x128xf32, #tpu.memory_space<hbm>>, %arg5: memref<640x128xf32, #tpu.memory_space<hbm>>, %arg6: memref<2x10240x128xf32, #tpu.memory_space<hbm>>, %arg7: memref<40x128xi32, #tpu.memory_space<vmem>>, %arg8: memref<40x128xi32, #tpu.memory_space<vmem>>, %arg9: memref<128x128xf32, #tpu.memory_space<vmem>>, %arg10: memref<128x128xf32, #tpu.memory_space<vmem>>, %arg11: memref<10240x128xf32, #tpu.memory_space<vmem_shared>>, %arg12: memref<!tpu.dma_semaphore, #tpu.memory_space<semaphore_mem>>) attributes {dimension_semantics = [#tpu.dimension_semantics<core_parallel>, #tpu.dimension_semantics<subcore_parallel>], iteration_bounds = array<i64: 2, 16>, scalar_prefetch = 0 : i64, scratch_operands = 6 : i64, tpu.core_type = #tpu.core_type<sc_vector_subcore>, window_params = [{transform_indices = #map}, {transform_indices = #map}, {transform_indices = #map1}, {transform_indices = #map1}, {transform_indices = #map}]} {
    %mul3A = arith.constant 2 : i32
    %mul3A_0 = arith.muli %arg1, %mul3A : i32
    %add3A = arith.addi %mul3A_0, %arg0 : i32
    %mul3A_1 = arith.constant 640 : i32
    %mul3A_2 = arith.muli %arg1, %mul3A_1 : i32
    "tpu.region"() ({
      %run_scoped3A = tpu.sem_alloc : memref<!tpu.dma_semaphore, #tpu.memory_space<semaphore_mem>>
      %dma_start3A = arith.constant 0 : i32
      %dma_start3A_14 = tpu.memref_slice %arg11[%mul3A_2, %dma_start3A] : memref<10240x128xf32, #tpu.memory_space<vmem_shared>> -> memref<640x128xf32, #tpu.memory_space<vmem_shared>>
      tpu.enqueue_dma source(%arg5 : memref<640x128xf32, #tpu.memory_space<hbm>>) target(%dma_start3A_14 : memref<640x128xf32, #tpu.memory_space<vmem_shared>>) target_semaphore(%run_scoped3A : memref<!tpu.dma_semaphore, #tpu.memory_space<semaphore_mem>>)
      %dma_wait3A = arith.constant 0 : i32
      %dma_wait3A_15 = tpu.memref_slice %arg11[%mul3A_2, %dma_wait3A] : memref<10240x128xf32, #tpu.memory_space<vmem_shared>> -> memref<640x128xf32, #tpu.memory_space<vmem_shared>>
      tpu.wait_dma2 semaphore(%run_scoped3A : memref<!tpu.dma_semaphore, #tpu.memory_space<semaphore_mem>>) src(%arg5 : memref<640x128xf32, #tpu.memory_space<hbm>>) dst(%dma_wait3A_15 : memref<640x128xf32, #tpu.memory_space<vmem_shared>>)
      tpu.yield
    }) : () -> ()
    "tpu.region"() ({
      %run_scoped3A = tpu.sem_alloc : memref<!tpu.dma_semaphore, #tpu.memory_space<semaphore_mem>>
      %dma_start3A = arith.constant 0 : i32
      %dma_start3A_14 = arith.constant 0 : i32
      %dma_start3A_15 = tpu.memref_slice %arg2[%add3A, %dma_start3A, %dma_start3A_14] : memref<32x40x128xi32, #tpu.memory_space<hbm>> -> memref<1x40x128xi32, #tpu.memory_space<hbm>>
      %dma_start3A_16 = tpu.memref_squeeze %dma_start3A_15 : memref<1x40x128xi32, #tpu.memory_space<hbm>> -> memref<40x128xi32, #tpu.memory_space<hbm>>
      %dma_start3A_17 = arith.constant 0 : i32
      %dma_start3A_18 = arith.constant 0 : i32
      %dma_start3A_19 = tpu.memref_slice %arg2[%add3A, %dma_start3A_17, %dma_start3A_18] : memref<32x40x128xi32, #tpu.memory_space<hbm>> -> memref<1x40x128xi32, #tpu.memory_space<hbm>>
      %dma_start3A_20 = tpu.memref_squeeze %dma_start3A_19 : memref<1x40x128xi32, #tpu.memory_space<hbm>> -> memref<40x128xi32, #tpu.memory_space<hbm>>
      tpu.enqueue_dma source(%dma_start3A_20 : memref<40x128xi32, #tpu.memory_space<hbm>>) target(%arg7 : memref<40x128xi32, #tpu.memory_space<vmem>>) target_semaphore(%run_scoped3A : memref<!tpu.dma_semaphore, #tpu.memory_space<semaphore_mem>>)
      %dma_wait3A = arith.constant 0 : i32
      %dma_wait3A_21 = arith.constant 0 : i32
      %dma_wait3A_22 = tpu.memref_slice %arg2[%add3A, %dma_wait3A, %dma_wait3A_21] : memref<32x40x128xi32, #tpu.memory_space<hbm>> -> memref<1x40x128xi32, #tpu.memory_space<hbm>>
      %dma_wait3A_23 = tpu.memref_squeeze %dma_wait3A_22 : memref<1x40x128xi32, #tpu.memory_space<hbm>> -> memref<40x128xi32, #tpu.memory_space<hbm>>
      %dma_wait3A_24 = arith.constant 0 : i32
      %dma_wait3A_25 = arith.constant 0 : i32
      %dma_wait3A_26 = tpu.memref_slice %arg2[%add3A, %dma_wait3A_24, %dma_wait3A_25] : memref<32x40x128xi32, #tpu.memory_space<hbm>> -> memref<1x40x128xi32, #tpu.memory_space<hbm>>
      %dma_wait3A_27 = tpu.memref_squeeze %dma_wait3A_26 : memref<1x40x128xi32, #tpu.memory_space<hbm>> -> memref<40x128xi32, #tpu.memory_space<hbm>>
      tpu.wait_dma2 semaphore(%run_scoped3A : memref<!tpu.dma_semaphore, #tpu.memory_space<semaphore_mem>>) src(%dma_wait3A_27 : memref<40x128xi32, #tpu.memory_space<hbm>>) dst(%arg7 : memref<40x128xi32, #tpu.memory_space<vmem>>)
      tpu.yield
    }) : () -> ()
    "tpu.region"() ({
      %run_scoped3A = tpu.sem_alloc : memref<!tpu.dma_semaphore, #tpu.memory_space<semaphore_mem>>
      %dma_start3A = arith.constant 0 : i32
      %dma_start3A_14 = arith.constant 0 : i32
      %dma_start3A_15 = tpu.memref_slice %arg3[%add3A, %dma_start3A, %dma_start3A_14] : memref<32x40x128xi32, #tpu.memory_space<hbm>> -> memref<1x40x128xi32, #tpu.memory_space<hbm>>
      %dma_start3A_16 = tpu.memref_squeeze %dma_start3A_15 : memref<1x40x128xi32, #tpu.memory_space<hbm>> -> memref<40x128xi32, #tpu.memory_space<hbm>>
      %dma_start3A_17 = arith.constant 0 : i32
      %dma_start3A_18 = arith.constant 0 : i32
      %dma_start3A_19 = tpu.memref_slice %arg3[%add3A, %dma_start3A_17, %dma_start3A_18] : memref<32x40x128xi32, #tpu.memory_space<hbm>> -> memref<1x40x128xi32, #tpu.memory_space<hbm>>
      %dma_start3A_20 = tpu.memref_squeeze %dma_start3A_19 : memref<1x40x128xi32, #tpu.memory_space<hbm>> -> memref<40x128xi32, #tpu.memory_space<hbm>>
      tpu.enqueue_dma source(%dma_start3A_20 : memref<40x128xi32, #tpu.memory_space<hbm>>) target(%arg8 : memref<40x128xi32, #tpu.memory_space<vmem>>) target_semaphore(%run_scoped3A : memref<!tpu.dma_semaphore, #tpu.memory_space<semaphore_mem>>)
      %dma_wait3A = arith.constant 0 : i32
      %dma_wait3A_21 = arith.constant 0 : i32
      %dma_wait3A_22 = tpu.memref_slice %arg3[%add3A, %dma_wait3A, %dma_wait3A_21] : memref<32x40x128xi32, #tpu.memory_space<hbm>> -> memref<1x40x128xi32, #tpu.memory_space<hbm>>
      %dma_wait3A_23 = tpu.memref_squeeze %dma_wait3A_22 : memref<1x40x128xi32, #tpu.memory_space<hbm>> -> memref<40x128xi32, #tpu.memory_space<hbm>>
      %dma_wait3A_24 = arith.constant 0 : i32
      %dma_wait3A_25 = arith.constant 0 : i32
      %dma_wait3A_26 = tpu.memref_slice %arg3[%add3A, %dma_wait3A_24, %dma_wait3A_25] : memref<32x40x128xi32, #tpu.memory_space<hbm>> -> memref<1x40x128xi32, #tpu.memory_space<hbm>>
      %dma_wait3A_27 = tpu.memref_squeeze %dma_wait3A_26 : memref<1x40x128xi32, #tpu.memory_space<hbm>> -> memref<40x128xi32, #tpu.memory_space<hbm>>
      tpu.wait_dma2 semaphore(%run_scoped3A : memref<!tpu.dma_semaphore, #tpu.memory_space<semaphore_mem>>) src(%dma_wait3A_27 : memref<40x128xi32, #tpu.memory_space<hbm>>) dst(%arg8 : memref<40x128xi32, #tpu.memory_space<vmem>>)
      tpu.yield
    }) : () -> ()
    %barrier3A = arith.constant 0 : index
    tpu.barrier barrier_id(%barrier3A)
    %scan3A = arith.constant 0 : i32
    %scan3A_3 = arith.constant 0 : i32
    %scan3A_4 = arith.constant 20 : i32
    %scan3A_5 = arith.addi %scan3A_3, %scan3A_4 : i32
    %scan3A_6 = arith.constant 1 : i32
    %scan3A_7 = scf.for %scan3A_14 = %scan3A_3 to %scan3A_5 step %scan3A_6 iter_args(%scan3A_15 = %scan3A) -> (i32)  : i32 {
      %mul3A_16 = arith.constant 2 : i32
      %mul3A_17 = arith.muli %mul3A_16, %scan3A_14 : i32
      %add3A_18 = arith.constant 0 : i32
      %add3A_19 = arith.addi %mul3A_17, %add3A_18 : i32
      %dma_start3A = arith.constant 0 : i32
      %dma_start3A_20 = tpu.memref_slice %arg7[%add3A_19, %dma_start3A] : memref<40x128xi32, #tpu.memory_space<vmem>> -> memref<1x128xi32, #tpu.memory_space<vmem>>
      %dma_start3A_21 = tpu.memref_squeeze %dma_start3A_20 : memref<1x128xi32, #tpu.memory_space<vmem>> -> memref<128xi32, #tpu.memory_space<vmem>>
      %dma_start3A_22 = arith.constant 0 : i32
      %dma_start3A_23 = arith.constant 0 : i32
      %dma_start3A_24 = tpu.memref_slice %arg4[%dma_start3A_22, %dma_start3A_23] : memref<10240x128xf32, #tpu.memory_space<hbm>> -> memref<10240x128xf32, #tpu.memory_space<hbm>>
      tpu.enqueue_indirect_dma source(%dma_start3A_24 : memref<10240x128xf32, #tpu.memory_space<hbm>>) target(%arg9 : memref<128x128xf32, #tpu.memory_space<vmem>>) offsets(%dma_start3A_21 : memref<128xi32, #tpu.memory_space<vmem>>) semaphore(%arg12 : memref<!tpu.dma_semaphore, #tpu.memory_space<semaphore_mem>>)
      %add3A_25 = arith.constant 1 : i32
      %add3A_26 = arith.addi %mul3A_17, %add3A_25 : i32
      %dma_start3A_27 = arith.constant 0 : i32
      %dma_start3A_28 = tpu.memref_slice %arg7[%add3A_26, %dma_start3A_27] : memref<40x128xi32, #tpu.memory_space<vmem>> -> memref<1x128xi32, #tpu.memory_space<vmem>>
      %dma_start3A_29 = tpu.memref_squeeze %dma_start3A_28 : memref<1x128xi32, #tpu.memory_space<vmem>> -> memref<128xi32, #tpu.memory_space<vmem>>
      %dma_start3A_30 = arith.constant 0 : i32
      %dma_start3A_31 = arith.constant 0 : i32
      %dma_start3A_32 = tpu.memref_slice %arg4[%dma_start3A_30, %dma_start3A_31] : memref<10240x128xf32, #tpu.memory_space<hbm>> -> memref<10240x128xf32, #tpu.memory_space<hbm>>
      tpu.enqueue_indirect_dma source(%dma_start3A_32 : memref<10240x128xf32, #tpu.memory_space<hbm>>) target(%arg10 : memref<128x128xf32, #tpu.memory_space<vmem>>) offsets(%dma_start3A_29 : memref<128xi32, #tpu.memory_space<vmem>>) semaphore(%arg12 : memref<!tpu.dma_semaphore, #tpu.memory_space<semaphore_mem>>)
      %dma_wait3A = arith.constant 0 : i32
      %dma_wait3A_33 = tpu.memref_slice %arg7[%add3A_19, %dma_wait3A] : memref<40x128xi32, #tpu.memory_space<vmem>> -> memref<1x128xi32, #tpu.memory_space<vmem>>
      %dma_wait3A_34 = tpu.memref_squeeze %dma_wait3A_33 : memref<1x128xi32, #tpu.memory_space<vmem>> -> memref<128xi32, #tpu.memory_space<vmem>>
      %dma_wait3A_35 = arith.constant 0 : i32
      %dma_wait3A_36 = arith.constant 0 : i32
      %dma_wait3A_37 = tpu.memref_slice %arg4[%dma_wait3A_35, %dma_wait3A_36] : memref<10240x128xf32, #tpu.memory_space<hbm>> -> memref<10240x128xf32, #tpu.memory_space<hbm>>
      tpu.wait_indirect_dma semaphore(%arg12 : memref<!tpu.dma_semaphore, #tpu.memory_space<semaphore_mem>>) src(%dma_wait3A_37 : memref<10240x128xf32, #tpu.memory_space<hbm>>) dst(%arg9 : memref<128x128xf32, #tpu.memory_space<vmem>>)
      %dma_wait3A_38 = arith.constant 0 : i32
      %dma_wait3A_39 = tpu.memref_slice %arg7[%add3A_26, %dma_wait3A_38] : memref<40x128xi32, #tpu.memory_space<vmem>> -> memref<1x128xi32, #tpu.memory_space<vmem>>
      %dma_wait3A_40 = tpu.memref_squeeze %dma_wait3A_39 : memref<1x128xi32, #tpu.memory_space<vmem>> -> memref<128xi32, #tpu.memory_space<vmem>>
      %dma_wait3A_41 = arith.constant 0 : i32
      %dma_wait3A_42 = arith.constant 0 : i32
      %dma_wait3A_43 = tpu.memref_slice %arg4[%dma_wait3A_41, %dma_wait3A_42] : memref<10240x128xf32, #tpu.memory_space<hbm>> -> memref<10240x128xf32, #tpu.memory_space<hbm>>
      tpu.wait_indirect_dma semaphore(%arg12 : memref<!tpu.dma_semaphore, #tpu.memory_space<semaphore_mem>>) src(%dma_wait3A_43 : memref<10240x128xf32, #tpu.memory_space<hbm>>) dst(%arg10 : memref<128x128xf32, #tpu.memory_space<vmem>>)
      %add3A_44 = arith.constant 0 : i32
      %add3A_45 = arith.addi %mul3A_17, %add3A_44 : i32
      "tpu.region"() ({
        %run_scoped3A = tpu.sem_alloc : memref<!tpu.dma_semaphore, #tpu.memory_space<semaphore_mem>>
        %dma_start3A_49 = arith.constant 0 : i32
        %dma_start3A_50 = tpu.memref_slice %arg8[%add3A_45, %dma_start3A_49] : memref<40x128xi32, #tpu.memory_space<vmem>> -> memref<1x128xi32, #tpu.memory_space<vmem>>
        %dma_start3A_51 = tpu.memref_squeeze %dma_start3A_50 : memref<1x128xi32, #tpu.memory_space<vmem>> -> memref<128xi32, #tpu.memory_space<vmem>>
        %dma_start3A_52 = arith.constant 0 : i32
        %dma_start3A_53 = arith.constant 0 : i32
        %dma_start3A_54 = tpu.memref_slice %arg11[%dma_start3A_52, %dma_start3A_53] : memref<10240x128xf32, #tpu.memory_space<vmem_shared>> -> memref<10240x128xf32, #tpu.memory_space<vmem_shared>>
        tpu.enqueue_indirect_dma source(%arg9 : memref<128x128xf32, #tpu.memory_space<vmem>>) target(%dma_start3A_54 : memref<10240x128xf32, #tpu.memory_space<vmem_shared>>) offsets(%dma_start3A_51 : memref<128xi32, #tpu.memory_space<vmem>>) semaphore(%run_scoped3A : memref<!tpu.dma_semaphore, #tpu.memory_space<semaphore_mem>>) {add = true}
        %dma_wait3A_55 = arith.constant 0 : i32
        %dma_wait3A_56 = tpu.memref_slice %arg8[%add3A_45, %dma_wait3A_55] : memref<40x128xi32, #tpu.memory_space<vmem>> -> memref<1x128xi32, #tpu.memory_space<vmem>>
        %dma_wait3A_57 = tpu.memref_squeeze %dma_wait3A_56 : memref<1x128xi32, #tpu.memory_space<vmem>> -> memref<128xi32, #tpu.memory_space<vmem>>
        %dma_wait3A_58 = arith.constant 0 : i32
        %dma_wait3A_59 = arith.constant 0 : i32
        %dma_wait3A_60 = tpu.memref_slice %arg11[%dma_wait3A_58, %dma_wait3A_59] : memref<10240x128xf32, #tpu.memory_space<vmem_shared>> -> memref<10240x128xf32, #tpu.memory_space<vmem_shared>>
        tpu.wait_indirect_dma semaphore(%run_scoped3A : memref<!tpu.dma_semaphore, #tpu.memory_space<semaphore_mem>>) src(%arg9 : memref<128x128xf32, #tpu.memory_space<vmem>>) dst(%dma_wait3A_60 : memref<10240x128xf32, #tpu.memory_space<vmem_shared>>)
        tpu.yield
      }) : () -> ()
      %add3A_46 = arith.constant 1 : i32
      %add3A_47 = arith.addi %mul3A_17, %add3A_46 : i32
      "tpu.region"() ({
        %run_scoped3A = tpu.sem_alloc : memref<!tpu.dma_semaphore, #tpu.memory_space<semaphore_mem>>
        %dma_start3A_49 = arith.constant 0 : i32
        %dma_start3A_50 = tpu.memref_slice %arg8[%add3A_47, %dma_start3A_49] : memref<40x128xi32, #tpu.memory_space<vmem>> -> memref<1x128xi32, #tpu.memory_space<vmem>>
        %dma_start3A_51 = tpu.memref_squeeze %dma_start3A_50 : memref<1x128xi32, #tpu.memory_space<vmem>> -> memref<128xi32, #tpu.memory_space<vmem>>
        %dma_start3A_52 = arith.constant 0 : i32
        %dma_start3A_53 = arith.constant 0 : i32
        %dma_start3A_54 = tpu.memref_slice %arg11[%dma_start3A_52, %dma_start3A_53] : memref<10240x128xf32, #tpu.memory_space<vmem_shared>> -> memref<10240x128xf32, #tpu.memory_space<vmem_shared>>
        tpu.enqueue_indirect_dma source(%arg10 : memref<128x128xf32, #tpu.memory_space<vmem>>) target(%dma_start3A_54 : memref<10240x128xf32, #tpu.memory_space<vmem_shared>>) offsets(%dma_start3A_51 : memref<128xi32, #tpu.memory_space<vmem>>) semaphore(%run_scoped3A : memref<!tpu.dma_semaphore, #tpu.memory_space<semaphore_mem>>) {add = true}
        %dma_wait3A_55 = arith.constant 0 : i32
        %dma_wait3A_56 = tpu.memref_slice %arg8[%add3A_47, %dma_wait3A_55] : memref<40x128xi32, #tpu.memory_space<vmem>> -> memref<1x128xi32, #tpu.memory_space<vmem>>
        %dma_wait3A_57 = tpu.memref_squeeze %dma_wait3A_56 : memref<1x128xi32, #tpu.memory_space<vmem>> -> memref<128xi32, #tpu.memory_space<vmem>>
        %dma_wait3A_58 = arith.constant 0 : i32
        %dma_wait3A_59 = arith.constant 0 : i32
        %dma_wait3A_60 = tpu.memref_slice %arg11[%dma_wait3A_58, %dma_wait3A_59] : memref<10240x128xf32, #tpu.memory_space<vmem_shared>> -> memref<10240x128xf32, #tpu.memory_space<vmem_shared>>
        tpu.wait_indirect_dma semaphore(%run_scoped3A : memref<!tpu.dma_semaphore, #tpu.memory_space<semaphore_mem>>) src(%arg10 : memref<128x128xf32, #tpu.memory_space<vmem>>) dst(%dma_wait3A_60 : memref<10240x128xf32, #tpu.memory_space<vmem_shared>>)
        tpu.yield
      }) : () -> ()
      %scan3A_48 = arith.constant 0 : i32
      scf.yield %scan3A_48 : i32
    }
    %scan3A_8 = arith.constant 20 : i32
    %barrier3A_9 = arith.constant 0 : index
    tpu.barrier barrier_id(%barrier3A_9)
    %mul3A_10 = arith.constant 640 : i32
    %mul3A_11 = arith.muli %arg1, %mul3A_10 : i32
    %mul3A_12 = arith.constant 640 : i32
    %mul3A_13 = arith.muli %arg1, %mul3A_12 : i32
    "tpu.region"() ({
      %run_scoped3A = tpu.sem_alloc : memref<!tpu.dma_semaphore, #tpu.memory_space<semaphore_mem>>
      %dma_start3A = arith.constant 0 : i32
      %dma_start3A_14 = tpu.memref_slice %arg6[%arg0, %mul3A_13, %dma_start3A] : memref<2x10240x128xf32, #tpu.memory_space<hbm>> -> memref<1x640x128xf32, #tpu.memory_space<hbm>>
      %dma_start3A_15 = tpu.memref_squeeze %dma_start3A_14 : memref<1x640x128xf32, #tpu.memory_space<hbm>> -> memref<640x128xf32, #tpu.memory_space<hbm>>
      %dma_start3A_16 = arith.constant 0 : i32
      %dma_start3A_17 = tpu.memref_slice %arg11[%mul3A_11, %dma_start3A_16] : memref<10240x128xf32, #tpu.memory_space<vmem_shared>> -> memref<640x128xf32, #tpu.memory_space<vmem_shared>>
      tpu.enqueue_dma source(%dma_start3A_17 : memref<640x128xf32, #tpu.memory_space<vmem_shared>>) target(%dma_start3A_15 : memref<640x128xf32, #tpu.memory_space<hbm>>) target_semaphore(%run_scoped3A : memref<!tpu.dma_semaphore, #tpu.memory_space<semaphore_mem>>)
      %dma_wait3A = arith.constant 0 : i32
      %dma_wait3A_18 = tpu.memref_slice %arg6[%arg0, %mul3A_13, %dma_wait3A] : memref<2x10240x128xf32, #tpu.memory_space<hbm>> -> memref<1x640x128xf32, #tpu.memory_space<hbm>>
      %dma_wait3A_19 = tpu.memref_squeeze %dma_wait3A_18 : memref<1x640x128xf32, #tpu.memory_space<hbm>> -> memref<640x128xf32, #tpu.memory_space<hbm>>
      %dma_wait3A_20 = arith.constant 0 : i32
      %dma_wait3A_21 = tpu.memref_slice %arg11[%mul3A_11, %dma_wait3A_20] : memref<10240x128xf32, #tpu.memory_space<vmem_shared>> -> memref<640x128xf32, #tpu.memory_space<vmem_shared>>
      tpu.wait_dma2 semaphore(%run_scoped3A : memref<!tpu.dma_semaphore, #tpu.memory_space<semaphore_mem>>) src(%dma_wait3A_21 : memref<640x128xf32, #tpu.memory_space<vmem_shared>>) dst(%dma_wait3A_19 : memref<640x128xf32, #tpu.memory_space<hbm>>)
      tpu.yield
    }) : () -> ()
    return
  }
}

#map = affine_map<(d0, d1) -> (0, 0, 0)>
#map1 = affine_map<(d0, d1) -> (0, 0)>
module attributes {stable_mosaic.version = 14 : i64} {
  func.func @prop_kernel(%arg0: i32, %arg1: i32, %arg2: memref<32x40x128xi32, #tpu.memory_space<hbm>>, %arg3: memref<32x40x128xi32, #tpu.memory_space<hbm>>, %arg4: memref<10240x128xf32, #tpu.memory_space<hbm>>, %arg5: memref<640x128xf32, #tpu.memory_space<hbm>>, %arg6: memref<2x10240x128xf32, #tpu.memory_space<hbm>>, %arg7: memref<40x128xi32, #tpu.memory_space<vmem>>, %arg8: memref<40x128xi32, #tpu.memory_space<vmem>>, %arg9: memref<128x128xf32, #tpu.memory_space<vmem>>, %arg10: memref<128x128xf32, #tpu.memory_space<vmem>>, %arg11: memref<10240x128xf32, #tpu.memory_space<vmem_shared>>, %arg12: memref<!tpu.dma_semaphore, #tpu.memory_space<semaphore_mem>>) attributes {dimension_semantics = [#tpu.dimension_semantics<core_parallel>, #tpu.dimension_semantics<subcore_parallel>], iteration_bounds = array<i64: 2, 16>, scalar_prefetch = 0 : i64, scratch_operands = 6 : i64, tpu.core_type = #tpu.core_type<sc_vector_subcore>, window_params = [{transform_indices = #map}, {transform_indices = #map}, {transform_indices = #map1}, {transform_indices = #map1}, {transform_indices = #map}]} {
    %mul3A = arith.constant 2 : i32
    %mul3A_0 = arith.muli %arg1, %mul3A : i32
    %add3A = arith.addi %mul3A_0, %arg0 : i32
    %mul3A_1 = arith.constant 640 : i32
    %mul3A_2 = arith.muli %arg1, %mul3A_1 : i32
    "tpu.region"() ({
      %run_scoped3A = tpu.sem_alloc : memref<!tpu.dma_semaphore, #tpu.memory_space<semaphore_mem>>
      %dma_start3A = arith.constant 0 : i32
      %dma_start3A_14 = tpu.memref_slice %arg11[%mul3A_2, %dma_start3A] : memref<10240x128xf32, #tpu.memory_space<vmem_shared>> -> memref<640x128xf32, #tpu.memory_space<vmem_shared>>
      tpu.enqueue_dma source(%arg5 : memref<640x128xf32, #tpu.memory_space<hbm>>) target(%dma_start3A_14 : memref<640x128xf32, #tpu.memory_space<vmem_shared>>) target_semaphore(%run_scoped3A : memref<!tpu.dma_semaphore, #tpu.memory_space<semaphore_mem>>)
      %dma_wait3A = arith.constant 0 : i32
      %dma_wait3A_15 = tpu.memref_slice %arg11[%mul3A_2, %dma_wait3A] : memref<10240x128xf32, #tpu.memory_space<vmem_shared>> -> memref<640x128xf32, #tpu.memory_space<vmem_shared>>
      tpu.wait_dma2 semaphore(%run_scoped3A : memref<!tpu.dma_semaphore, #tpu.memory_space<semaphore_mem>>) src(%arg5 : memref<640x128xf32, #tpu.memory_space<hbm>>) dst(%dma_wait3A_15 : memref<640x128xf32, #tpu.memory_space<vmem_shared>>)
      tpu.yield
    }) : () -> ()
    "tpu.region"() ({
      %run_scoped3A = tpu.sem_alloc : memref<!tpu.dma_semaphore, #tpu.memory_space<semaphore_mem>>
      %dma_start3A = arith.constant 0 : i32
      %dma_start3A_14 = arith.constant 0 : i32
      %dma_start3A_15 = tpu.memref_slice %arg2[%add3A, %dma_start3A, %dma_start3A_14] : memref<32x40x128xi32, #tpu.memory_space<hbm>> -> memref<1x40x128xi32, #tpu.memory_space<hbm>>
      %dma_start3A_16 = tpu.memref_squeeze %dma_start3A_15 : memref<1x40x128xi32, #tpu.memory_space<hbm>> -> memref<40x128xi32, #tpu.memory_space<hbm>>
      %dma_start3A_17 = arith.constant 0 : i32
      %dma_start3A_18 = arith.constant 0 : i32
      %dma_start3A_19 = tpu.memref_slice %arg2[%add3A, %dma_start3A_17, %dma_start3A_18] : memref<32x40x128xi32, #tpu.memory_space<hbm>> -> memref<1x40x128xi32, #tpu.memory_space<hbm>>
      %dma_start3A_20 = tpu.memref_squeeze %dma_start3A_19 : memref<1x40x128xi32, #tpu.memory_space<hbm>> -> memref<40x128xi32, #tpu.memory_space<hbm>>
      tpu.enqueue_dma source(%dma_start3A_20 : memref<40x128xi32, #tpu.memory_space<hbm>>) target(%arg7 : memref<40x128xi32, #tpu.memory_space<vmem>>) target_semaphore(%run_scoped3A : memref<!tpu.dma_semaphore, #tpu.memory_space<semaphore_mem>>)
      %dma_wait3A = arith.constant 0 : i32
      %dma_wait3A_21 = arith.constant 0 : i32
      %dma_wait3A_22 = tpu.memref_slice %arg2[%add3A, %dma_wait3A, %dma_wait3A_21] : memref<32x40x128xi32, #tpu.memory_space<hbm>> -> memref<1x40x128xi32, #tpu.memory_space<hbm>>
      %dma_wait3A_23 = tpu.memref_squeeze %dma_wait3A_22 : memref<1x40x128xi32, #tpu.memory_space<hbm>> -> memref<40x128xi32, #tpu.memory_space<hbm>>
      %dma_wait3A_24 = arith.constant 0 : i32
      %dma_wait3A_25 = arith.constant 0 : i32
      %dma_wait3A_26 = tpu.memref_slice %arg2[%add3A, %dma_wait3A_24, %dma_wait3A_25] : memref<32x40x128xi32, #tpu.memory_space<hbm>> -> memref<1x40x128xi32, #tpu.memory_space<hbm>>
      %dma_wait3A_27 = tpu.memref_squeeze %dma_wait3A_26 : memref<1x40x128xi32, #tpu.memory_space<hbm>> -> memref<40x128xi32, #tpu.memory_space<hbm>>
      tpu.wait_dma2 semaphore(%run_scoped3A : memref<!tpu.dma_semaphore, #tpu.memory_space<semaphore_mem>>) src(%dma_wait3A_27 : memref<40x128xi32, #tpu.memory_space<hbm>>) dst(%arg7 : memref<40x128xi32, #tpu.memory_space<vmem>>)
      tpu.yield
    }) : () -> ()
    "tpu.region"() ({
      %run_scoped3A = tpu.sem_alloc : memref<!tpu.dma_semaphore, #tpu.memory_space<semaphore_mem>>
      %dma_start3A = arith.constant 0 : i32
      %dma_start3A_14 = arith.constant 0 : i32
      %dma_start3A_15 = tpu.memref_slice %arg3[%add3A, %dma_start3A, %dma_start3A_14] : memref<32x40x128xi32, #tpu.memory_space<hbm>> -> memref<1x40x128xi32, #tpu.memory_space<hbm>>
      %dma_start3A_16 = tpu.memref_squeeze %dma_start3A_15 : memref<1x40x128xi32, #tpu.memory_space<hbm>> -> memref<40x128xi32, #tpu.memory_space<hbm>>
      %dma_start3A_17 = arith.constant 0 : i32
      %dma_start3A_18 = arith.constant 0 : i32
      %dma_start3A_19 = tpu.memref_slice %arg3[%add3A, %dma_start3A_17, %dma_start3A_18] : memref<32x40x128xi32, #tpu.memory_space<hbm>> -> memref<1x40x128xi32, #tpu.memory_space<hbm>>
      %dma_start3A_20 = tpu.memref_squeeze %dma_start3A_19 : memref<1x40x128xi32, #tpu.memory_space<hbm>> -> memref<40x128xi32, #tpu.memory_space<hbm>>
      tpu.enqueue_dma source(%dma_start3A_20 : memref<40x128xi32, #tpu.memory_space<hbm>>) target(%arg8 : memref<40x128xi32, #tpu.memory_space<vmem>>) target_semaphore(%run_scoped3A : memref<!tpu.dma_semaphore, #tpu.memory_space<semaphore_mem>>)
      %dma_wait3A = arith.constant 0 : i32
      %dma_wait3A_21 = arith.constant 0 : i32
      %dma_wait3A_22 = tpu.memref_slice %arg3[%add3A, %dma_wait3A, %dma_wait3A_21] : memref<32x40x128xi32, #tpu.memory_space<hbm>> -> memref<1x40x128xi32, #tpu.memory_space<hbm>>
      %dma_wait3A_23 = tpu.memref_squeeze %dma_wait3A_22 : memref<1x40x128xi32, #tpu.memory_space<hbm>> -> memref<40x128xi32, #tpu.memory_space<hbm>>
      %dma_wait3A_24 = arith.constant 0 : i32
      %dma_wait3A_25 = arith.constant 0 : i32
      %dma_wait3A_26 = tpu.memref_slice %arg3[%add3A, %dma_wait3A_24, %dma_wait3A_25] : memref<32x40x128xi32, #tpu.memory_space<hbm>> -> memref<1x40x128xi32, #tpu.memory_space<hbm>>
      %dma_wait3A_27 = tpu.memref_squeeze %dma_wait3A_26 : memref<1x40x128xi32, #tpu.memory_space<hbm>> -> memref<40x128xi32, #tpu.memory_space<hbm>>
      tpu.wait_dma2 semaphore(%run_scoped3A : memref<!tpu.dma_semaphore, #tpu.memory_space<semaphore_mem>>) src(%dma_wait3A_27 : memref<40x128xi32, #tpu.memory_space<hbm>>) dst(%arg8 : memref<40x128xi32, #tpu.memory_space<vmem>>)
      tpu.yield
    }) : () -> ()
    %barrier3A = arith.constant 0 : index
    tpu.barrier barrier_id(%barrier3A)
    %scan3A = arith.constant 0 : i32
    %scan3A_3 = arith.constant 0 : i32
    %scan3A_4 = arith.constant 20 : i32
    %scan3A_5 = arith.addi %scan3A_3, %scan3A_4 : i32
    %scan3A_6 = arith.constant 1 : i32
    %scan3A_7 = scf.for %scan3A_14 = %scan3A_3 to %scan3A_5 step %scan3A_6 iter_args(%scan3A_15 = %scan3A) -> (i32)  : i32 {
      %mul3A_16 = arith.constant 2 : i32
      %mul3A_17 = arith.muli %mul3A_16, %scan3A_14 : i32
      %add3A_18 = arith.constant 0 : i32
      %add3A_19 = arith.addi %mul3A_17, %add3A_18 : i32
      %dma_start3A = arith.constant 0 : i32
      %dma_start3A_20 = tpu.memref_slice %arg7[%add3A_19, %dma_start3A] : memref<40x128xi32, #tpu.memory_space<vmem>> -> memref<1x128xi32, #tpu.memory_space<vmem>>
      %dma_start3A_21 = tpu.memref_squeeze %dma_start3A_20 : memref<1x128xi32, #tpu.memory_space<vmem>> -> memref<128xi32, #tpu.memory_space<vmem>>
      %dma_start3A_22 = arith.constant 0 : i32
      %dma_start3A_23 = arith.constant 0 : i32
      %dma_start3A_24 = tpu.memref_slice %arg4[%dma_start3A_22, %dma_start3A_23] : memref<10240x128xf32, #tpu.memory_space<hbm>> -> memref<10240x128xf32, #tpu.memory_space<hbm>>
      tpu.enqueue_indirect_dma source(%dma_start3A_24 : memref<10240x128xf32, #tpu.memory_space<hbm>>) target(%arg9 : memref<128x128xf32, #tpu.memory_space<vmem>>) offsets(%dma_start3A_21 : memref<128xi32, #tpu.memory_space<vmem>>) semaphore(%arg12 : memref<!tpu.dma_semaphore, #tpu.memory_space<semaphore_mem>>)
      %add3A_25 = arith.constant 1 : i32
      %add3A_26 = arith.addi %mul3A_17, %add3A_25 : i32
      %dma_start3A_27 = arith.constant 0 : i32
      %dma_start3A_28 = tpu.memref_slice %arg7[%add3A_26, %dma_start3A_27] : memref<40x128xi32, #tpu.memory_space<vmem>> -> memref<1x128xi32, #tpu.memory_space<vmem>>
      %dma_start3A_29 = tpu.memref_squeeze %dma_start3A_28 : memref<1x128xi32, #tpu.memory_space<vmem>> -> memref<128xi32, #tpu.memory_space<vmem>>
      %dma_start3A_30 = arith.constant 0 : i32
      %dma_start3A_31 = arith.constant 0 : i32
      %dma_start3A_32 = tpu.memref_slice %arg4[%dma_start3A_30, %dma_start3A_31] : memref<10240x128xf32, #tpu.memory_space<hbm>> -> memref<10240x128xf32, #tpu.memory_space<hbm>>
      tpu.enqueue_indirect_dma source(%dma_start3A_32 : memref<10240x128xf32, #tpu.memory_space<hbm>>) target(%arg10 : memref<128x128xf32, #tpu.memory_space<vmem>>) offsets(%dma_start3A_29 : memref<128xi32, #tpu.memory_space<vmem>>) semaphore(%arg12 : memref<!tpu.dma_semaphore, #tpu.memory_space<semaphore_mem>>)
      %dma_wait3A = arith.constant 0 : i32
      %dma_wait3A_33 = tpu.memref_slice %arg7[%add3A_19, %dma_wait3A] : memref<40x128xi32, #tpu.memory_space<vmem>> -> memref<1x128xi32, #tpu.memory_space<vmem>>
      %dma_wait3A_34 = tpu.memref_squeeze %dma_wait3A_33 : memref<1x128xi32, #tpu.memory_space<vmem>> -> memref<128xi32, #tpu.memory_space<vmem>>
      %dma_wait3A_35 = arith.constant 0 : i32
      %dma_wait3A_36 = arith.constant 0 : i32
      %dma_wait3A_37 = tpu.memref_slice %arg4[%dma_wait3A_35, %dma_wait3A_36] : memref<10240x128xf32, #tpu.memory_space<hbm>> -> memref<10240x128xf32, #tpu.memory_space<hbm>>
      tpu.wait_indirect_dma semaphore(%arg12 : memref<!tpu.dma_semaphore, #tpu.memory_space<semaphore_mem>>) src(%dma_wait3A_37 : memref<10240x128xf32, #tpu.memory_space<hbm>>) dst(%arg9 : memref<128x128xf32, #tpu.memory_space<vmem>>)
      %dma_wait3A_38 = arith.constant 0 : i32
      %dma_wait3A_39 = tpu.memref_slice %arg7[%add3A_26, %dma_wait3A_38] : memref<40x128xi32, #tpu.memory_space<vmem>> -> memref<1x128xi32, #tpu.memory_space<vmem>>
      %dma_wait3A_40 = tpu.memref_squeeze %dma_wait3A_39 : memref<1x128xi32, #tpu.memory_space<vmem>> -> memref<128xi32, #tpu.memory_space<vmem>>
      %dma_wait3A_41 = arith.constant 0 : i32
      %dma_wait3A_42 = arith.constant 0 : i32
      %dma_wait3A_43 = tpu.memref_slice %arg4[%dma_wait3A_41, %dma_wait3A_42] : memref<10240x128xf32, #tpu.memory_space<hbm>> -> memref<10240x128xf32, #tpu.memory_space<hbm>>
      tpu.wait_indirect_dma semaphore(%arg12 : memref<!tpu.dma_semaphore, #tpu.memory_space<semaphore_mem>>) src(%dma_wait3A_43 : memref<10240x128xf32, #tpu.memory_space<hbm>>) dst(%arg10 : memref<128x128xf32, #tpu.memory_space<vmem>>)
      %add3A_44 = arith.constant 0 : i32
      %add3A_45 = arith.addi %mul3A_17, %add3A_44 : i32
      "tpu.region"() ({
        %run_scoped3A = tpu.sem_alloc : memref<!tpu.dma_semaphore, #tpu.memory_space<semaphore_mem>>
        %dma_start3A_49 = arith.constant 0 : i32
        %dma_start3A_50 = tpu.memref_slice %arg8[%add3A_45, %dma_start3A_49] : memref<40x128xi32, #tpu.memory_space<vmem>> -> memref<1x128xi32, #tpu.memory_space<vmem>>
        %dma_start3A_51 = tpu.memref_squeeze %dma_start3A_50 : memref<1x128xi32, #tpu.memory_space<vmem>> -> memref<128xi32, #tpu.memory_space<vmem>>
        %dma_start3A_52 = arith.constant 0 : i32
        %dma_start3A_53 = arith.constant 0 : i32
        %dma_start3A_54 = tpu.memref_slice %arg11[%dma_start3A_52, %dma_start3A_53] : memref<10240x128xf32, #tpu.memory_space<vmem_shared>> -> memref<10240x128xf32, #tpu.memory_space<vmem_shared>>
        tpu.enqueue_indirect_dma source(%arg9 : memref<128x128xf32, #tpu.memory_space<vmem>>) target(%dma_start3A_54 : memref<10240x128xf32, #tpu.memory_space<vmem_shared>>) offsets(%dma_start3A_51 : memref<128xi32, #tpu.memory_space<vmem>>) semaphore(%run_scoped3A : memref<!tpu.dma_semaphore, #tpu.memory_space<semaphore_mem>>) {add = true}
        %dma_wait3A_55 = arith.constant 0 : i32
        %dma_wait3A_56 = tpu.memref_slice %arg8[%add3A_45, %dma_wait3A_55] : memref<40x128xi32, #tpu.memory_space<vmem>> -> memref<1x128xi32, #tpu.memory_space<vmem>>
        %dma_wait3A_57 = tpu.memref_squeeze %dma_wait3A_56 : memref<1x128xi32, #tpu.memory_space<vmem>> -> memref<128xi32, #tpu.memory_space<vmem>>
        %dma_wait3A_58 = arith.constant 0 : i32
        %dma_wait3A_59 = arith.constant 0 : i32
        %dma_wait3A_60 = tpu.memref_slice %arg11[%dma_wait3A_58, %dma_wait3A_59] : memref<10240x128xf32, #tpu.memory_space<vmem_shared>> -> memref<10240x128xf32, #tpu.memory_space<vmem_shared>>
        tpu.wait_indirect_dma semaphore(%run_scoped3A : memref<!tpu.dma_semaphore, #tpu.memory_space<semaphore_mem>>) src(%arg9 : memref<128x128xf32, #tpu.memory_space<vmem>>) dst(%dma_wait3A_60 : memref<10240x128xf32, #tpu.memory_space<vmem_shared>>)
        tpu.yield
      }) : () -> ()
      %add3A_46 = arith.constant 1 : i32
      %add3A_47 = arith.addi %mul3A_17, %add3A_46 : i32
      "tpu.region"() ({
        %run_scoped3A = tpu.sem_alloc : memref<!tpu.dma_semaphore, #tpu.memory_space<semaphore_mem>>
        %dma_start3A_49 = arith.constant 0 : i32
        %dma_start3A_50 = tpu.memref_slice %arg8[%add3A_47, %dma_start3A_49] : memref<40x128xi32, #tpu.memory_space<vmem>> -> memref<1x128xi32, #tpu.memory_space<vmem>>
        %dma_start3A_51 = tpu.memref_squeeze %dma_start3A_50 : memref<1x128xi32, #tpu.memory_space<vmem>> -> memref<128xi32, #tpu.memory_space<vmem>>
        %dma_start3A_52 = arith.constant 0 : i32
        %dma_start3A_53 = arith.constant 0 : i32
        %dma_start3A_54 = tpu.memref_slice %arg11[%dma_start3A_52, %dma_start3A_53] : memref<10240x128xf32, #tpu.memory_space<vmem_shared>> -> memref<10240x128xf32, #tpu.memory_space<vmem_shared>>
        tpu.enqueue_indirect_dma source(%arg10 : memref<128x128xf32, #tpu.memory_space<vmem>>) target(%dma_start3A_54 : memref<10240x128xf32, #tpu.memory_space<vmem_shared>>) offsets(%dma_start3A_51 : memref<128xi32, #tpu.memory_space<vmem>>) semaphore(%run_scoped3A : memref<!tpu.dma_semaphore, #tpu.memory_space<semaphore_mem>>) {add = true}
        %dma_wait3A_55 = arith.constant 0 : i32
        %dma_wait3A_56 = tpu.memref_slice %arg8[%add3A_47, %dma_wait3A_55] : memref<40x128xi32, #tpu.memory_space<vmem>> -> memref<1x128xi32, #tpu.memory_space<vmem>>
        %dma_wait3A_57 = tpu.memref_squeeze %dma_wait3A_56 : memref<1x128xi32, #tpu.memory_space<vmem>> -> memref<128xi32, #tpu.memory_space<vmem>>
        %dma_wait3A_58 = arith.constant 0 : i32
        %dma_wait3A_59 = arith.constant 0 : i32
        %dma_wait3A_60 = tpu.memref_slice %arg11[%dma_wait3A_58, %dma_wait3A_59] : memref<10240x128xf32, #tpu.memory_space<vmem_shared>> -> memref<10240x128xf32, #tpu.memory_space<vmem_shared>>
        tpu.wait_indirect_dma semaphore(%run_scoped3A : memref<!tpu.dma_semaphore, #tpu.memory_space<semaphore_mem>>) src(%arg10 : memref<128x128xf32, #tpu.memory_space<vmem>>) dst(%dma_wait3A_60 : memref<10240x128xf32, #tpu.memory_space<vmem_shared>>)
        tpu.yield
      }) : () -> ()
      %scan3A_48 = arith.constant 0 : i32
      scf.yield %scan3A_48 : i32
    }
    %scan3A_8 = arith.constant 20 : i32
    %barrier3A_9 = arith.constant 0 : index
    tpu.barrier barrier_id(%barrier3A_9)
    %mul3A_10 = arith.constant 640 : i32
    %mul3A_11 = arith.muli %arg1, %mul3A_10 : i32
    %mul3A_12 = arith.constant 640 : i32
    %mul3A_13 = arith.muli %arg1, %mul3A_12 : i32
    "tpu.region"() ({
      %run_scoped3A = tpu.sem_alloc : memref<!tpu.dma_semaphore, #tpu.memory_space<semaphore_mem>>
      %dma_start3A = arith.constant 0 : i32
      %dma_start3A_14 = tpu.memref_slice %arg6[%arg0, %mul3A_13, %dma_start3A] : memref<2x10240x128xf32, #tpu.memory_space<hbm>> -> memref<1x640x128xf32, #tpu.memory_space<hbm>>
      %dma_start3A_15 = tpu.memref_squeeze %dma_start3A_14 : memref<1x640x128xf32, #tpu.memory_space<hbm>> -> memref<640x128xf32, #tpu.memory_space<hbm>>
      %dma_start3A_16 = arith.constant 0 : i32
      %dma_start3A_17 = tpu.memref_slice %arg11[%mul3A_11, %dma_start3A_16] : memref<10240x128xf32, #tpu.memory_space<vmem_shared>> -> memref<640x128xf32, #tpu.memory_space<vmem_shared>>
      tpu.enqueue_dma source(%dma_start3A_17 : memref<640x128xf32, #tpu.memory_space<vmem_shared>>) target(%dma_start3A_15 : memref<640x128xf32, #tpu.memory_space<hbm>>) target_semaphore(%run_scoped3A : memref<!tpu.dma_semaphore, #tpu.memory_space<semaphore_mem>>)
      %dma_wait3A = arith.constant 0 : i32
      %dma_wait3A_18 = tpu.memref_slice %arg6[%arg0, %mul3A_13, %dma_wait3A] : memref<2x10240x128xf32, #tpu.memory_space<hbm>> -> memref<1x640x128xf32, #tpu.memory_space<hbm>>
      %dma_wait3A_19 = tpu.memref_squeeze %dma_wait3A_18 : memref<1x640x128xf32, #tpu.memory_space<hbm>> -> memref<640x128xf32, #tpu.memory_space<hbm>>
      %dma_wait3A_20 = arith.constant 0 : i32
      %dma_wait3A_21 = tpu.memref_slice %arg11[%mul3A_11, %dma_wait3A_20] : memref<10240x128xf32, #tpu.memory_space<vmem_shared>> -> memref<640x128xf32, #tpu.memory_space<vmem_shared>>
      tpu.wait_dma2 semaphore(%run_scoped3A : memref<!tpu.dma_semaphore, #tpu.memory_space<semaphore_mem>>) src(%dma_wait3A_21 : memref<640x128xf32, #tpu.memory_space<vmem_shared>>) dst(%dma_wait3A_19 : memref<640x128xf32, #tpu.memory_space<hbm>>)
      tpu.yield
    }) : () -> ()
    return
  }
}

#map = affine_map<(d0, d1) -> (0, 0, 0)>
#map1 = affine_map<(d0, d1) -> (0, 0)>
module attributes {stable_mosaic.version = 14 : i64} {
  func.func @deg_kernel(%arg0: i32, %arg1: i32, %arg2: memref<32x40x128xi32, #tpu.memory_space<hbm>>, %arg3: memref<640x16xf32, #tpu.memory_space<hbm>>, %arg4: memref<2x10240x16xf32, #tpu.memory_space<hbm>>, %arg5: memref<40x128xi32, #tpu.memory_space<vmem>>, %arg6: memref<128x16xf32, #tpu.memory_space<vmem>>, %arg7: memref<10240x16xf32, #tpu.memory_space<vmem_shared>>) attributes {dimension_semantics = [#tpu.dimension_semantics<core_parallel>, #tpu.dimension_semantics<subcore_parallel>], iteration_bounds = array<i64: 2, 16>, scalar_prefetch = 0 : i64, scratch_operands = 3 : i64, tpu.core_type = #tpu.core_type<sc_vector_subcore>, window_params = [{transform_indices = #map}, {transform_indices = #map1}, {transform_indices = #map}]} {
    %mul3A = arith.constant 2 : i32
    %mul3A_0 = arith.muli %arg1, %mul3A : i32
    %add3A = arith.addi %mul3A_0, %arg0 : i32
    %mul3A_1 = arith.constant 640 : i32
    %mul3A_2 = arith.muli %arg1, %mul3A_1 : i32
    "tpu.region"() ({
      %run_scoped3A = tpu.sem_alloc : memref<!tpu.dma_semaphore, #tpu.memory_space<semaphore_mem>>
      %dma_start3A = arith.constant 0 : i32
      %dma_start3A_21 = tpu.memref_slice %arg7[%mul3A_2, %dma_start3A] : memref<10240x16xf32, #tpu.memory_space<vmem_shared>> -> memref<640x16xf32, #tpu.memory_space<vmem_shared>>
      tpu.enqueue_dma source(%arg3 : memref<640x16xf32, #tpu.memory_space<hbm>>) target(%dma_start3A_21 : memref<640x16xf32, #tpu.memory_space<vmem_shared>>) target_semaphore(%run_scoped3A : memref<!tpu.dma_semaphore, #tpu.memory_space<semaphore_mem>>)
      %dma_wait3A = arith.constant 0 : i32
      %dma_wait3A_22 = tpu.memref_slice %arg7[%mul3A_2, %dma_wait3A] : memref<10240x16xf32, #tpu.memory_space<vmem_shared>> -> memref<640x16xf32, #tpu.memory_space<vmem_shared>>
      tpu.wait_dma2 semaphore(%run_scoped3A : memref<!tpu.dma_semaphore, #tpu.memory_space<semaphore_mem>>) src(%arg3 : memref<640x16xf32, #tpu.memory_space<hbm>>) dst(%dma_wait3A_22 : memref<640x16xf32, #tpu.memory_space<vmem_shared>>)
      tpu.yield
    }) : () -> ()
    "tpu.region"() ({
      %run_scoped3A = tpu.sem_alloc : memref<!tpu.dma_semaphore, #tpu.memory_space<semaphore_mem>>
      %dma_start3A = arith.constant 0 : i32
      %dma_start3A_21 = arith.constant 0 : i32
      %dma_start3A_22 = tpu.memref_slice %arg2[%add3A, %dma_start3A, %dma_start3A_21] : memref<32x40x128xi32, #tpu.memory_space<hbm>> -> memref<1x40x128xi32, #tpu.memory_space<hbm>>
      %dma_start3A_23 = tpu.memref_squeeze %dma_start3A_22 : memref<1x40x128xi32, #tpu.memory_space<hbm>> -> memref<40x128xi32, #tpu.memory_space<hbm>>
      %dma_start3A_24 = arith.constant 0 : i32
      %dma_start3A_25 = arith.constant 0 : i32
      %dma_start3A_26 = tpu.memref_slice %arg2[%add3A, %dma_start3A_24, %dma_start3A_25] : memref<32x40x128xi32, #tpu.memory_space<hbm>> -> memref<1x40x128xi32, #tpu.memory_space<hbm>>
      %dma_start3A_27 = tpu.memref_squeeze %dma_start3A_26 : memref<1x40x128xi32, #tpu.memory_space<hbm>> -> memref<40x128xi32, #tpu.memory_space<hbm>>
      tpu.enqueue_dma source(%dma_start3A_27 : memref<40x128xi32, #tpu.memory_space<hbm>>) target(%arg5 : memref<40x128xi32, #tpu.memory_space<vmem>>) target_semaphore(%run_scoped3A : memref<!tpu.dma_semaphore, #tpu.memory_space<semaphore_mem>>)
      %dma_wait3A = arith.constant 0 : i32
      %dma_wait3A_28 = arith.constant 0 : i32
      %dma_wait3A_29 = tpu.memref_slice %arg2[%add3A, %dma_wait3A, %dma_wait3A_28] : memref<32x40x128xi32, #tpu.memory_space<hbm>> -> memref<1x40x128xi32, #tpu.memory_space<hbm>>
      %dma_wait3A_30 = tpu.memref_squeeze %dma_wait3A_29 : memref<1x40x128xi32, #tpu.memory_space<hbm>> -> memref<40x128xi32, #tpu.memory_space<hbm>>
      %dma_wait3A_31 = arith.constant 0 : i32
      %dma_wait3A_32 = arith.constant 0 : i32
      %dma_wait3A_33 = tpu.memref_slice %arg2[%add3A, %dma_wait3A_31, %dma_wait3A_32] : memref<32x40x128xi32, #tpu.memory_space<hbm>> -> memref<1x40x128xi32, #tpu.memory_space<hbm>>
      %dma_wait3A_34 = tpu.memref_squeeze %dma_wait3A_33 : memref<1x40x128xi32, #tpu.memory_space<hbm>> -> memref<40x128xi32, #tpu.memory_space<hbm>>
      tpu.wait_dma2 semaphore(%run_scoped3A : memref<!tpu.dma_semaphore, #tpu.memory_space<semaphore_mem>>) src(%dma_wait3A_34 : memref<40x128xi32, #tpu.memory_space<hbm>>) dst(%arg5 : memref<40x128xi32, #tpu.memory_space<vmem>>)
      tpu.yield
    }) : () -> ()
    %scan3A = arith.constant 0 : i32
    %scan3A_3 = arith.constant 0 : i32
    %scan3A_4 = arith.constant 128 : i32
    %scan3A_5 = arith.addi %scan3A_3, %scan3A_4 : i32
    %scan3A_6 = arith.constant 1 : i32
    %scan3A_7 = scf.for %scan3A_21 = %scan3A_3 to %scan3A_5 step %scan3A_6 iter_args(%scan3A_22 = %scan3A) -> (i32)  : i32 {
      %broadcast_in_dim3A = arith.constant 1.000000e+00 : f32
      %broadcast_in_dim3A_23 = vector.broadcast %broadcast_in_dim3A : f32 to vector<16xf32>
      %swap3A = arith.index_cast %scan3A_21 : i32 to index
      %swap3A_24 = arith.constant 0 : index
      %swap3A_25 = tpu.vector_load %arg6[%swap3A, %swap3A_24] {strides = array<i32>} : memref<128x16xf32, #tpu.memory_space<vmem>>, vector<1x16xf32>,
      %swap3A_26 = vector.shape_cast %swap3A_25 : vector<1x16xf32> to vector<16xf32>
      %swap3A_27 = vector.shape_cast %broadcast_in_dim3A_23 : vector<16xf32> to vector<1x16xf32>
      tpu.vector_store %arg6[%swap3A, %swap3A_24], %swap3A_27 {strides = array<i32>} : memref<128x16xf32, #tpu.memory_space<vmem>>, vector<1x16xf32>,
      %scan3A_28 = arith.constant 0 : i32
      scf.yield %scan3A_28 : i32
    }
    %scan3A_8 = arith.constant 128 : i32
    %barrier3A = arith.constant 0 : index
    tpu.barrier barrier_id(%barrier3A)
    %scan3A_9 = arith.constant 0 : i32
    %scan3A_10 = arith.constant 0 : i32
    %scan3A_11 = arith.constant 40 : i32
    %scan3A_12 = arith.addi %scan3A_10, %scan3A_11 : i32
    %scan3A_13 = arith.constant 1 : i32
    %scan3A_14 = scf.for %scan3A_21 = %scan3A_10 to %scan3A_12 step %scan3A_13 iter_args(%scan3A_22 = %scan3A_9) -> (i32)  : i32 {
      "tpu.region"() ({
        %run_scoped3A = tpu.sem_alloc : memref<!tpu.dma_semaphore, #tpu.memory_space<semaphore_mem>>
        %dma_start3A = arith.constant 0 : i32
        %dma_start3A_24 = tpu.memref_slice %arg5[%scan3A_21, %dma_start3A] : memref<40x128xi32, #tpu.memory_space<vmem>> -> memref<1x128xi32, #tpu.memory_space<vmem>>
        %dma_start3A_25 = tpu.memref_squeeze %dma_start3A_24 : memref<1x128xi32, #tpu.memory_space<vmem>> -> memref<128xi32, #tpu.memory_space<vmem>>
        %dma_start3A_26 = arith.constant 0 : i32
        %dma_start3A_27 = arith.constant 0 : i32
        %dma_start3A_28 = tpu.memref_slice %arg7[%dma_start3A_26, %dma_start3A_27] : memref<10240x16xf32, #tpu.memory_space<vmem_shared>> -> memref<10240x16xf32, #tpu.memory_space<vmem_shared>>
        tpu.enqueue_indirect_dma source(%arg6 : memref<128x16xf32, #tpu.memory_space<vmem>>) target(%dma_start3A_28 : memref<10240x16xf32, #tpu.memory_space<vmem_shared>>) offsets(%dma_start3A_25 : memref<128xi32, #tpu.memory_space<vmem>>) semaphore(%run_scoped3A : memref<!tpu.dma_semaphore, #tpu.memory_space<semaphore_mem>>) {add = true}
        %dma_wait3A = arith.constant 0 : i32
        %dma_wait3A_29 = tpu.memref_slice %arg5[%scan3A_21, %dma_wait3A] : memref<40x128xi32, #tpu.memory_space<vmem>> -> memref<1x128xi32, #tpu.memory_space<vmem>>
        %dma_wait3A_30 = tpu.memref_squeeze %dma_wait3A_29 : memref<1x128xi32, #tpu.memory_space<vmem>> -> memref<128xi32, #tpu.memory_space<vmem>>
        %dma_wait3A_31 = arith.constant 0 : i32
        %dma_wait3A_32 = arith.constant 0 : i32
        %dma_wait3A_33 = tpu.memref_slice %arg7[%dma_wait3A_31, %dma_wait3A_32] : memref<10240x16xf32, #tpu.memory_space<vmem_shared>> -> memref<10240x16xf32, #tpu.memory_space<vmem_shared>>
        tpu.wait_indirect_dma semaphore(%run_scoped3A : memref<!tpu.dma_semaphore, #tpu.memory_space<semaphore_mem>>) src(%arg6 : memref<128x16xf32, #tpu.memory_space<vmem>>) dst(%dma_wait3A_33 : memref<10240x16xf32, #tpu.memory_space<vmem_shared>>)
        tpu.yield
      }) : () -> ()
      %scan3A_23 = arith.constant 0 : i32
      scf.yield %scan3A_23 : i32
    }
    %scan3A_15 = arith.constant 40 : i32
    %barrier3A_16 = arith.constant 0 : index
    tpu.barrier barrier_id(%barrier3A_16)
    %mul3A_17 = arith.constant 640 : i32
    %mul3A_18 = arith.muli %arg1, %mul3A_17 : i32
    %mul3A_19 = arith.constant 640 : i32
    %mul3A_20 = arith.muli %arg1, %mul3A_19 : i32
    "tpu.region"() ({
      %run_scoped3A = tpu.sem_alloc : memref<!tpu.dma_semaphore, #tpu.memory_space<semaphore_mem>>
      %dma_start3A = arith.constant 0 : i32
      %dma_start3A_21 = tpu.memref_slice %arg4[%arg0, %mul3A_20, %dma_start3A] : memref<2x10240x16xf32, #tpu.memory_space<hbm>> -> memref<1x640x16xf32, #tpu.memory_space<hbm>>
      %dma_start3A_22 = tpu.memref_squeeze %dma_start3A_21 : memref<1x640x16xf32, #tpu.memory_space<hbm>> -> memref<640x16xf32, #tpu.memory_space<hbm>>
      %dma_start3A_23 = arith.constant 0 : i32
      %dma_start3A_24 = tpu.memref_slice %arg7[%mul3A_18, %dma_start3A_23] : memref<10240x16xf32, #tpu.memory_space<vmem_shared>> -> memref<640x16xf32, #tpu.memory_space<vmem_shared>>
      tpu.enqueue_dma source(%dma_start3A_24 : memref<640x16xf32, #tpu.memory_space<vmem_shared>>) target(%dma_start3A_22 : memref<640x16xf32, #tpu.memory_space<hbm>>) target_semaphore(%run_scoped3A : memref<!tpu.dma_semaphore, #tpu.memory_space<semaphore_mem>>)
      %dma_wait3A = arith.constant 0 : i32
      %dma_wait3A_25 = tpu.memref_slice %arg4[%arg0, %mul3A_20, %dma_wait3A] : memref<2x10240x16xf32, #tpu.memory_space<hbm>> -> memref<1x640x16xf32, #tpu.memory_space<hbm>>
      %dma_wait3A_26 = tpu.memref_squeeze %dma_wait3A_25 : memref<1x640x16xf32, #tpu.memory_space<hbm>> -> memref<640x16xf32, #tpu.memory_space<hbm>>
      %dma_wait3A_27 = arith.constant 0 : i32
      %dma_wait3A_28 = tpu.memref_slice %arg7[%mul3A_18, %dma_wait3A_27] : memref<10240x16xf32, #tpu.memory_space<vmem_shared>> -> memref<640x16xf32, #tpu.memory_space<vmem_shared>>
      tpu.wait_dma2 semaphore(%run_scoped3A : memref<!tpu.dma_semaphore, #tpu.memory_space<semaphore_mem>>) src(%dma_wait3A_28 : memref<640x16xf32, #tpu.memory_space<vmem_shared>>) dst(%dma_wait3A_26 : memref<640x16xf32, #tpu.memory_space<hbm>>)
      tpu.yield
    }) : () -> ()
    return
  }
}

#map = affine_map<(d0, d1) -> (0, 0, 0)>
#map1 = affine_map<(d0, d1) -> (0, 0)>
module attributes {stable_mosaic.version = 14 : i64} {
  func.func @prop_kernel(%arg0: i32, %arg1: i32, %arg2: memref<32x40x128xi32, #tpu.memory_space<hbm>>, %arg3: memref<32x40x128xi32, #tpu.memory_space<hbm>>, %arg4: memref<10240x128xf32, #tpu.memory_space<hbm>>, %arg5: memref<640x128xf32, #tpu.memory_space<hbm>>, %arg6: memref<2x10240x128xf32, #tpu.memory_space<hbm>>, %arg7: memref<40x128xi32, #tpu.memory_space<vmem>>, %arg8: memref<40x128xi32, #tpu.memory_space<vmem>>, %arg9: memref<128x128xf32, #tpu.memory_space<vmem>>, %arg10: memref<128x128xf32, #tpu.memory_space<vmem>>, %arg11: memref<10240x128xf32, #tpu.memory_space<vmem_shared>>, %arg12: memref<!tpu.dma_semaphore, #tpu.memory_space<semaphore_mem>>) attributes {dimension_semantics = [#tpu.dimension_semantics<core_parallel>, #tpu.dimension_semantics<subcore_parallel>], iteration_bounds = array<i64: 2, 16>, scalar_prefetch = 0 : i64, scratch_operands = 6 : i64, tpu.core_type = #tpu.core_type<sc_vector_subcore>, window_params = [{transform_indices = #map}, {transform_indices = #map}, {transform_indices = #map1}, {transform_indices = #map1}, {transform_indices = #map}]} {
    %mul3A = arith.constant 2 : i32
    %mul3A_0 = arith.muli %arg1, %mul3A : i32
    %add3A = arith.addi %mul3A_0, %arg0 : i32
    %mul3A_1 = arith.constant 640 : i32
    %mul3A_2 = arith.muli %arg1, %mul3A_1 : i32
    "tpu.region"() ({
      %run_scoped3A = tpu.sem_alloc : memref<!tpu.dma_semaphore, #tpu.memory_space<semaphore_mem>>
      %dma_start3A = arith.constant 0 : i32
      %dma_start3A_14 = tpu.memref_slice %arg11[%mul3A_2, %dma_start3A] : memref<10240x128xf32, #tpu.memory_space<vmem_shared>> -> memref<640x128xf32, #tpu.memory_space<vmem_shared>>
      tpu.enqueue_dma source(%arg5 : memref<640x128xf32, #tpu.memory_space<hbm>>) target(%dma_start3A_14 : memref<640x128xf32, #tpu.memory_space<vmem_shared>>) target_semaphore(%run_scoped3A : memref<!tpu.dma_semaphore, #tpu.memory_space<semaphore_mem>>)
      %dma_wait3A = arith.constant 0 : i32
      %dma_wait3A_15 = tpu.memref_slice %arg11[%mul3A_2, %dma_wait3A] : memref<10240x128xf32, #tpu.memory_space<vmem_shared>> -> memref<640x128xf32, #tpu.memory_space<vmem_shared>>
      tpu.wait_dma2 semaphore(%run_scoped3A : memref<!tpu.dma_semaphore, #tpu.memory_space<semaphore_mem>>) src(%arg5 : memref<640x128xf32, #tpu.memory_space<hbm>>) dst(%dma_wait3A_15 : memref<640x128xf32, #tpu.memory_space<vmem_shared>>)
      tpu.yield
    }) : () -> ()
    "tpu.region"() ({
      %run_scoped3A = tpu.sem_alloc : memref<!tpu.dma_semaphore, #tpu.memory_space<semaphore_mem>>
      %dma_start3A = arith.constant 0 : i32
      %dma_start3A_14 = arith.constant 0 : i32
      %dma_start3A_15 = tpu.memref_slice %arg2[%add3A, %dma_start3A, %dma_start3A_14] : memref<32x40x128xi32, #tpu.memory_space<hbm>> -> memref<1x40x128xi32, #tpu.memory_space<hbm>>
      %dma_start3A_16 = tpu.memref_squeeze %dma_start3A_15 : memref<1x40x128xi32, #tpu.memory_space<hbm>> -> memref<40x128xi32, #tpu.memory_space<hbm>>
      %dma_start3A_17 = arith.constant 0 : i32
      %dma_start3A_18 = arith.constant 0 : i32
      %dma_start3A_19 = tpu.memref_slice %arg2[%add3A, %dma_start3A_17, %dma_start3A_18] : memref<32x40x128xi32, #tpu.memory_space<hbm>> -> memref<1x40x128xi32, #tpu.memory_space<hbm>>
      %dma_start3A_20 = tpu.memref_squeeze %dma_start3A_19 : memref<1x40x128xi32, #tpu.memory_space<hbm>> -> memref<40x128xi32, #tpu.memory_space<hbm>>
      tpu.enqueue_dma source(%dma_start3A_20 : memref<40x128xi32, #tpu.memory_space<hbm>>) target(%arg7 : memref<40x128xi32, #tpu.memory_space<vmem>>) target_semaphore(%run_scoped3A : memref<!tpu.dma_semaphore, #tpu.memory_space<semaphore_mem>>)
      %dma_wait3A = arith.constant 0 : i32
      %dma_wait3A_21 = arith.constant 0 : i32
      %dma_wait3A_22 = tpu.memref_slice %arg2[%add3A, %dma_wait3A, %dma_wait3A_21] : memref<32x40x128xi32, #tpu.memory_space<hbm>> -> memref<1x40x128xi32, #tpu.memory_space<hbm>>
      %dma_wait3A_23 = tpu.memref_squeeze %dma_wait3A_22 : memref<1x40x128xi32, #tpu.memory_space<hbm>> -> memref<40x128xi32, #tpu.memory_space<hbm>>
      %dma_wait3A_24 = arith.constant 0 : i32
      %dma_wait3A_25 = arith.constant 0 : i32
      %dma_wait3A_26 = tpu.memref_slice %arg2[%add3A, %dma_wait3A_24, %dma_wait3A_25] : memref<32x40x128xi32, #tpu.memory_space<hbm>> -> memref<1x40x128xi32, #tpu.memory_space<hbm>>
      %dma_wait3A_27 = tpu.memref_squeeze %dma_wait3A_26 : memref<1x40x128xi32, #tpu.memory_space<hbm>> -> memref<40x128xi32, #tpu.memory_space<hbm>>
      tpu.wait_dma2 semaphore(%run_scoped3A : memref<!tpu.dma_semaphore, #tpu.memory_space<semaphore_mem>>) src(%dma_wait3A_27 : memref<40x128xi32, #tpu.memory_space<hbm>>) dst(%arg7 : memref<40x128xi32, #tpu.memory_space<vmem>>)
      tpu.yield
    }) : () -> ()
    "tpu.region"() ({
      %run_scoped3A = tpu.sem_alloc : memref<!tpu.dma_semaphore, #tpu.memory_space<semaphore_mem>>
      %dma_start3A = arith.constant 0 : i32
      %dma_start3A_14 = arith.constant 0 : i32
      %dma_start3A_15 = tpu.memref_slice %arg3[%add3A, %dma_start3A, %dma_start3A_14] : memref<32x40x128xi32, #tpu.memory_space<hbm>> -> memref<1x40x128xi32, #tpu.memory_space<hbm>>
      %dma_start3A_16 = tpu.memref_squeeze %dma_start3A_15 : memref<1x40x128xi32, #tpu.memory_space<hbm>> -> memref<40x128xi32, #tpu.memory_space<hbm>>
      %dma_start3A_17 = arith.constant 0 : i32
      %dma_start3A_18 = arith.constant 0 : i32
      %dma_start3A_19 = tpu.memref_slice %arg3[%add3A, %dma_start3A_17, %dma_start3A_18] : memref<32x40x128xi32, #tpu.memory_space<hbm>> -> memref<1x40x128xi32, #tpu.memory_space<hbm>>
      %dma_start3A_20 = tpu.memref_squeeze %dma_start3A_19 : memref<1x40x128xi32, #tpu.memory_space<hbm>> -> memref<40x128xi32, #tpu.memory_space<hbm>>
      tpu.enqueue_dma source(%dma_start3A_20 : memref<40x128xi32, #tpu.memory_space<hbm>>) target(%arg8 : memref<40x128xi32, #tpu.memory_space<vmem>>) target_semaphore(%run_scoped3A : memref<!tpu.dma_semaphore, #tpu.memory_space<semaphore_mem>>)
      %dma_wait3A = arith.constant 0 : i32
      %dma_wait3A_21 = arith.constant 0 : i32
      %dma_wait3A_22 = tpu.memref_slice %arg3[%add3A, %dma_wait3A, %dma_wait3A_21] : memref<32x40x128xi32, #tpu.memory_space<hbm>> -> memref<1x40x128xi32, #tpu.memory_space<hbm>>
      %dma_wait3A_23 = tpu.memref_squeeze %dma_wait3A_22 : memref<1x40x128xi32, #tpu.memory_space<hbm>> -> memref<40x128xi32, #tpu.memory_space<hbm>>
      %dma_wait3A_24 = arith.constant 0 : i32
      %dma_wait3A_25 = arith.constant 0 : i32
      %dma_wait3A_26 = tpu.memref_slice %arg3[%add3A, %dma_wait3A_24, %dma_wait3A_25] : memref<32x40x128xi32, #tpu.memory_space<hbm>> -> memref<1x40x128xi32, #tpu.memory_space<hbm>>
      %dma_wait3A_27 = tpu.memref_squeeze %dma_wait3A_26 : memref<1x40x128xi32, #tpu.memory_space<hbm>> -> memref<40x128xi32, #tpu.memory_space<hbm>>
      tpu.wait_dma2 semaphore(%run_scoped3A : memref<!tpu.dma_semaphore, #tpu.memory_space<semaphore_mem>>) src(%dma_wait3A_27 : memref<40x128xi32, #tpu.memory_space<hbm>>) dst(%arg8 : memref<40x128xi32, #tpu.memory_space<vmem>>)
      tpu.yield
    }) : () -> ()
    %barrier3A = arith.constant 0 : index
    tpu.barrier barrier_id(%barrier3A)
    %scan3A = arith.constant 0 : i32
    %scan3A_3 = arith.constant 0 : i32
    %scan3A_4 = arith.constant 20 : i32
    %scan3A_5 = arith.addi %scan3A_3, %scan3A_4 : i32
    %scan3A_6 = arith.constant 1 : i32
    %scan3A_7 = scf.for %scan3A_14 = %scan3A_3 to %scan3A_5 step %scan3A_6 iter_args(%scan3A_15 = %scan3A) -> (i32)  : i32 {
      %mul3A_16 = arith.constant 2 : i32
      %mul3A_17 = arith.muli %mul3A_16, %scan3A_14 : i32
      %add3A_18 = arith.constant 0 : i32
      %add3A_19 = arith.addi %mul3A_17, %add3A_18 : i32
      %dma_start3A = arith.constant 0 : i32
      %dma_start3A_20 = tpu.memref_slice %arg7[%add3A_19, %dma_start3A] : memref<40x128xi32, #tpu.memory_space<vmem>> -> memref<1x128xi32, #tpu.memory_space<vmem>>
      %dma_start3A_21 = tpu.memref_squeeze %dma_start3A_20 : memref<1x128xi32, #tpu.memory_space<vmem>> -> memref<128xi32, #tpu.memory_space<vmem>>
      %dma_start3A_22 = arith.constant 0 : i32
      %dma_start3A_23 = arith.constant 0 : i32
      %dma_start3A_24 = tpu.memref_slice %arg4[%dma_start3A_22, %dma_start3A_23] : memref<10240x128xf32, #tpu.memory_space<hbm>> -> memref<10240x128xf32, #tpu.memory_space<hbm>>
      tpu.enqueue_indirect_dma source(%dma_start3A_24 : memref<10240x128xf32, #tpu.memory_space<hbm>>) target(%arg9 : memref<128x128xf32, #tpu.memory_space<vmem>>) offsets(%dma_start3A_21 : memref<128xi32, #tpu.memory_space<vmem>>) semaphore(%arg12 : memref<!tpu.dma_semaphore, #tpu.memory_space<semaphore_mem>>)
      %add3A_25 = arith.constant 1 : i32
      %add3A_26 = arith.addi %mul3A_17, %add3A_25 : i32
      %dma_start3A_27 = arith.constant 0 : i32
      %dma_start3A_28 = tpu.memref_slice %arg7[%add3A_26, %dma_start3A_27] : memref<40x128xi32, #tpu.memory_space<vmem>> -> memref<1x128xi32, #tpu.memory_space<vmem>>
      %dma_start3A_29 = tpu.memref_squeeze %dma_start3A_28 : memref<1x128xi32, #tpu.memory_space<vmem>> -> memref<128xi32, #tpu.memory_space<vmem>>
      %dma_start3A_30 = arith.constant 0 : i32
      %dma_start3A_31 = arith.constant 0 : i32
      %dma_start3A_32 = tpu.memref_slice %arg4[%dma_start3A_30, %dma_start3A_31] : memref<10240x128xf32, #tpu.memory_space<hbm>> -> memref<10240x128xf32, #tpu.memory_space<hbm>>
      tpu.enqueue_indirect_dma source(%dma_start3A_32 : memref<10240x128xf32, #tpu.memory_space<hbm>>) target(%arg10 : memref<128x128xf32, #tpu.memory_space<vmem>>) offsets(%dma_start3A_29 : memref<128xi32, #tpu.memory_space<vmem>>) semaphore(%arg12 : memref<!tpu.dma_semaphore, #tpu.memory_space<semaphore_mem>>)
      %dma_wait3A = arith.constant 0 : i32
      %dma_wait3A_33 = tpu.memref_slice %arg7[%add3A_19, %dma_wait3A] : memref<40x128xi32, #tpu.memory_space<vmem>> -> memref<1x128xi32, #tpu.memory_space<vmem>>
      %dma_wait3A_34 = tpu.memref_squeeze %dma_wait3A_33 : memref<1x128xi32, #tpu.memory_space<vmem>> -> memref<128xi32, #tpu.memory_space<vmem>>
      %dma_wait3A_35 = arith.constant 0 : i32
      %dma_wait3A_36 = arith.constant 0 : i32
      %dma_wait3A_37 = tpu.memref_slice %arg4[%dma_wait3A_35, %dma_wait3A_36] : memref<10240x128xf32, #tpu.memory_space<hbm>> -> memref<10240x128xf32, #tpu.memory_space<hbm>>
      tpu.wait_indirect_dma semaphore(%arg12 : memref<!tpu.dma_semaphore, #tpu.memory_space<semaphore_mem>>) src(%dma_wait3A_37 : memref<10240x128xf32, #tpu.memory_space<hbm>>) dst(%arg9 : memref<128x128xf32, #tpu.memory_space<vmem>>)
      %dma_wait3A_38 = arith.constant 0 : i32
      %dma_wait3A_39 = tpu.memref_slice %arg7[%add3A_26, %dma_wait3A_38] : memref<40x128xi32, #tpu.memory_space<vmem>> -> memref<1x128xi32, #tpu.memory_space<vmem>>
      %dma_wait3A_40 = tpu.memref_squeeze %dma_wait3A_39 : memref<1x128xi32, #tpu.memory_space<vmem>> -> memref<128xi32, #tpu.memory_space<vmem>>
      %dma_wait3A_41 = arith.constant 0 : i32
      %dma_wait3A_42 = arith.constant 0 : i32
      %dma_wait3A_43 = tpu.memref_slice %arg4[%dma_wait3A_41, %dma_wait3A_42] : memref<10240x128xf32, #tpu.memory_space<hbm>> -> memref<10240x128xf32, #tpu.memory_space<hbm>>
      tpu.wait_indirect_dma semaphore(%arg12 : memref<!tpu.dma_semaphore, #tpu.memory_space<semaphore_mem>>) src(%dma_wait3A_43 : memref<10240x128xf32, #tpu.memory_space<hbm>>) dst(%arg10 : memref<128x128xf32, #tpu.memory_space<vmem>>)
      %add3A_44 = arith.constant 0 : i32
      %add3A_45 = arith.addi %mul3A_17, %add3A_44 : i32
      "tpu.region"() ({
        %run_scoped3A = tpu.sem_alloc : memref<!tpu.dma_semaphore, #tpu.memory_space<semaphore_mem>>
        %dma_start3A_49 = arith.constant 0 : i32
        %dma_start3A_50 = tpu.memref_slice %arg8[%add3A_45, %dma_start3A_49] : memref<40x128xi32, #tpu.memory_space<vmem>> -> memref<1x128xi32, #tpu.memory_space<vmem>>
        %dma_start3A_51 = tpu.memref_squeeze %dma_start3A_50 : memref<1x128xi32, #tpu.memory_space<vmem>> -> memref<128xi32, #tpu.memory_space<vmem>>
        %dma_start3A_52 = arith.constant 0 : i32
        %dma_start3A_53 = arith.constant 0 : i32
        %dma_start3A_54 = tpu.memref_slice %arg11[%dma_start3A_52, %dma_start3A_53] : memref<10240x128xf32, #tpu.memory_space<vmem_shared>> -> memref<10240x128xf32, #tpu.memory_space<vmem_shared>>
        tpu.enqueue_indirect_dma source(%arg9 : memref<128x128xf32, #tpu.memory_space<vmem>>) target(%dma_start3A_54 : memref<10240x128xf32, #tpu.memory_space<vmem_shared>>) offsets(%dma_start3A_51 : memref<128xi32, #tpu.memory_space<vmem>>) semaphore(%run_scoped3A : memref<!tpu.dma_semaphore, #tpu.memory_space<semaphore_mem>>) {add = true}
        %dma_wait3A_55 = arith.constant 0 : i32
        %dma_wait3A_56 = tpu.memref_slice %arg8[%add3A_45, %dma_wait3A_55] : memref<40x128xi32, #tpu.memory_space<vmem>> -> memref<1x128xi32, #tpu.memory_space<vmem>>
        %dma_wait3A_57 = tpu.memref_squeeze %dma_wait3A_56 : memref<1x128xi32, #tpu.memory_space<vmem>> -> memref<128xi32, #tpu.memory_space<vmem>>
        %dma_wait3A_58 = arith.constant 0 : i32
        %dma_wait3A_59 = arith.constant 0 : i32
        %dma_wait3A_60 = tpu.memref_slice %arg11[%dma_wait3A_58, %dma_wait3A_59] : memref<10240x128xf32, #tpu.memory_space<vmem_shared>> -> memref<10240x128xf32, #tpu.memory_space<vmem_shared>>
        tpu.wait_indirect_dma semaphore(%run_scoped3A : memref<!tpu.dma_semaphore, #tpu.memory_space<semaphore_mem>>) src(%arg9 : memref<128x128xf32, #tpu.memory_space<vmem>>) dst(%dma_wait3A_60 : memref<10240x128xf32, #tpu.memory_space<vmem_shared>>)
        tpu.yield
      }) : () -> ()
      %add3A_46 = arith.constant 1 : i32
      %add3A_47 = arith.addi %mul3A_17, %add3A_46 : i32
      "tpu.region"() ({
        %run_scoped3A = tpu.sem_alloc : memref<!tpu.dma_semaphore, #tpu.memory_space<semaphore_mem>>
        %dma_start3A_49 = arith.constant 0 : i32
        %dma_start3A_50 = tpu.memref_slice %arg8[%add3A_47, %dma_start3A_49] : memref<40x128xi32, #tpu.memory_space<vmem>> -> memref<1x128xi32, #tpu.memory_space<vmem>>
        %dma_start3A_51 = tpu.memref_squeeze %dma_start3A_50 : memref<1x128xi32, #tpu.memory_space<vmem>> -> memref<128xi32, #tpu.memory_space<vmem>>
        %dma_start3A_52 = arith.constant 0 : i32
        %dma_start3A_53 = arith.constant 0 : i32
        %dma_start3A_54 = tpu.memref_slice %arg11[%dma_start3A_52, %dma_start3A_53] : memref<10240x128xf32, #tpu.memory_space<vmem_shared>> -> memref<10240x128xf32, #tpu.memory_space<vmem_shared>>
        tpu.enqueue_indirect_dma source(%arg10 : memref<128x128xf32, #tpu.memory_space<vmem>>) target(%dma_start3A_54 : memref<10240x128xf32, #tpu.memory_space<vmem_shared>>) offsets(%dma_start3A_51 : memref<128xi32, #tpu.memory_space<vmem>>) semaphore(%run_scoped3A : memref<!tpu.dma_semaphore, #tpu.memory_space<semaphore_mem>>) {add = true}
        %dma_wait3A_55 = arith.constant 0 : i32
        %dma_wait3A_56 = tpu.memref_slice %arg8[%add3A_47, %dma_wait3A_55] : memref<40x128xi32, #tpu.memory_space<vmem>> -> memref<1x128xi32, #tpu.memory_space<vmem>>
        %dma_wait3A_57 = tpu.memref_squeeze %dma_wait3A_56 : memref<1x128xi32, #tpu.memory_space<vmem>> -> memref<128xi32, #tpu.memory_space<vmem>>
        %dma_wait3A_58 = arith.constant 0 : i32
        %dma_wait3A_59 = arith.constant 0 : i32
        %dma_wait3A_60 = tpu.memref_slice %arg11[%dma_wait3A_58, %dma_wait3A_59] : memref<10240x128xf32, #tpu.memory_space<vmem_shared>> -> memref<10240x128xf32, #tpu.memory_space<vmem_shared>>
        tpu.wait_indirect_dma semaphore(%run_scoped3A : memref<!tpu.dma_semaphore, #tpu.memory_space<semaphore_mem>>) src(%arg10 : memref<128x128xf32, #tpu.memory_space<vmem>>) dst(%dma_wait3A_60 : memref<10240x128xf32, #tpu.memory_space<vmem_shared>>)
        tpu.yield
      }) : () -> ()
      %scan3A_48 = arith.constant 0 : i32
      scf.yield %scan3A_48 : i32
    }
    %scan3A_8 = arith.constant 20 : i32
    %barrier3A_9 = arith.constant 0 : index
    tpu.barrier barrier_id(%barrier3A_9)
    %mul3A_10 = arith.constant 640 : i32
    %mul3A_11 = arith.muli %arg1, %mul3A_10 : i32
    %mul3A_12 = arith.constant 640 : i32
    %mul3A_13 = arith.muli %arg1, %mul3A_12 : i32
    "tpu.region"() ({
      %run_scoped3A = tpu.sem_alloc : memref<!tpu.dma_semaphore, #tpu.memory_space<semaphore_mem>>
      %dma_start3A = arith.constant 0 : i32
      %dma_start3A_14 = tpu.memref_slice %arg6[%arg0, %mul3A_13, %dma_start3A] : memref<2x10240x128xf32, #tpu.memory_space<hbm>> -> memref<1x640x128xf32, #tpu.memory_space<hbm>>
      %dma_start3A_15 = tpu.memref_squeeze %dma_start3A_14 : memref<1x640x128xf32, #tpu.memory_space<hbm>> -> memref<640x128xf32, #tpu.memory_space<hbm>>
      %dma_start3A_16 = arith.constant 0 : i32
      %dma_start3A_17 = tpu.memref_slice %arg11[%mul3A_11, %dma_start3A_16] : memref<10240x128xf32, #tpu.memory_space<vmem_shared>> -> memref<640x128xf32, #tpu.memory_space<vmem_shared>>
      tpu.enqueue_dma source(%dma_start3A_17 : memref<640x128xf32, #tpu.memory_space<vmem_shared>>) target(%dma_start3A_15 : memref<640x128xf32, #tpu.memory_space<hbm>>) target_semaphore(%run_scoped3A : memref<!tpu.dma_semaphore, #tpu.memory_space<semaphore_mem>>)
      %dma_wait3A = arith.constant 0 : i32
      %dma_wait3A_18 = tpu.memref_slice %arg6[%arg0, %mul3A_13, %dma_wait3A] : memref<2x10240x128xf32, #tpu.memory_space<hbm>> -> memref<1x640x128xf32, #tpu.memory_space<hbm>>
      %dma_wait3A_19 = tpu.memref_squeeze %dma_wait3A_18 : memref<1x640x128xf32, #tpu.memory_space<hbm>> -> memref<640x128xf32, #tpu.memory_space<hbm>>
      %dma_wait3A_20 = arith.constant 0 : i32
      %dma_wait3A_21 = tpu.memref_slice %arg11[%mul3A_11, %dma_wait3A_20] : memref<10240x128xf32, #tpu.memory_space<vmem_shared>> -> memref<640x128xf32, #tpu.memory_space<vmem_shared>>
      tpu.wait_dma2 semaphore(%run_scoped3A : memref<!tpu.dma_semaphore, #tpu.memory_space<semaphore_mem>>) src(%dma_wait3A_21 : memref<640x128xf32, #tpu.memory_space<vmem_shared>>) dst(%dma_wait3A_19 : memref<640x128xf32, #tpu.memory_space<hbm>>)
      tpu.yield
    }) : () -> ()
    return
  }
}

#map = affine_map<(d0, d1) -> (0, 0, 0)>
#map1 = affine_map<(d0, d1) -> (0, 0)>
module attributes {stable_mosaic.version = 14 : i64} {
  func.func @prop_kernel(%arg0: i32, %arg1: i32, %arg2: memref<32x40x128xi32, #tpu.memory_space<hbm>>, %arg3: memref<32x40x128xi32, #tpu.memory_space<hbm>>, %arg4: memref<10240x128xf32, #tpu.memory_space<hbm>>, %arg5: memref<640x128xf32, #tpu.memory_space<hbm>>, %arg6: memref<2x10240x128xf32, #tpu.memory_space<hbm>>, %arg7: memref<40x128xi32, #tpu.memory_space<vmem>>, %arg8: memref<40x128xi32, #tpu.memory_space<vmem>>, %arg9: memref<128x128xf32, #tpu.memory_space<vmem>>, %arg10: memref<128x128xf32, #tpu.memory_space<vmem>>, %arg11: memref<10240x128xf32, #tpu.memory_space<vmem_shared>>, %arg12: memref<!tpu.dma_semaphore, #tpu.memory_space<semaphore_mem>>) attributes {dimension_semantics = [#tpu.dimension_semantics<core_parallel>, #tpu.dimension_semantics<subcore_parallel>], iteration_bounds = array<i64: 2, 16>, scalar_prefetch = 0 : i64, scratch_operands = 6 : i64, tpu.core_type = #tpu.core_type<sc_vector_subcore>, window_params = [{transform_indices = #map}, {transform_indices = #map}, {transform_indices = #map1}, {transform_indices = #map1}, {transform_indices = #map}]} {
    %mul3A = arith.constant 2 : i32
    %mul3A_0 = arith.muli %arg1, %mul3A : i32
    %add3A = arith.addi %mul3A_0, %arg0 : i32
    %mul3A_1 = arith.constant 640 : i32
    %mul3A_2 = arith.muli %arg1, %mul3A_1 : i32
    "tpu.region"() ({
      %run_scoped3A = tpu.sem_alloc : memref<!tpu.dma_semaphore, #tpu.memory_space<semaphore_mem>>
      %dma_start3A = arith.constant 0 : i32
      %dma_start3A_14 = tpu.memref_slice %arg11[%mul3A_2, %dma_start3A] : memref<10240x128xf32, #tpu.memory_space<vmem_shared>> -> memref<640x128xf32, #tpu.memory_space<vmem_shared>>
      tpu.enqueue_dma source(%arg5 : memref<640x128xf32, #tpu.memory_space<hbm>>) target(%dma_start3A_14 : memref<640x128xf32, #tpu.memory_space<vmem_shared>>) target_semaphore(%run_scoped3A : memref<!tpu.dma_semaphore, #tpu.memory_space<semaphore_mem>>)
      %dma_wait3A = arith.constant 0 : i32
      %dma_wait3A_15 = tpu.memref_slice %arg11[%mul3A_2, %dma_wait3A] : memref<10240x128xf32, #tpu.memory_space<vmem_shared>> -> memref<640x128xf32, #tpu.memory_space<vmem_shared>>
      tpu.wait_dma2 semaphore(%run_scoped3A : memref<!tpu.dma_semaphore, #tpu.memory_space<semaphore_mem>>) src(%arg5 : memref<640x128xf32, #tpu.memory_space<hbm>>) dst(%dma_wait3A_15 : memref<640x128xf32, #tpu.memory_space<vmem_shared>>)
      tpu.yield
    }) : () -> ()
    "tpu.region"() ({
      %run_scoped3A = tpu.sem_alloc : memref<!tpu.dma_semaphore, #tpu.memory_space<semaphore_mem>>
      %dma_start3A = arith.constant 0 : i32
      %dma_start3A_14 = arith.constant 0 : i32
      %dma_start3A_15 = tpu.memref_slice %arg2[%add3A, %dma_start3A, %dma_start3A_14] : memref<32x40x128xi32, #tpu.memory_space<hbm>> -> memref<1x40x128xi32, #tpu.memory_space<hbm>>
      %dma_start3A_16 = tpu.memref_squeeze %dma_start3A_15 : memref<1x40x128xi32, #tpu.memory_space<hbm>> -> memref<40x128xi32, #tpu.memory_space<hbm>>
      %dma_start3A_17 = arith.constant 0 : i32
      %dma_start3A_18 = arith.constant 0 : i32
      %dma_start3A_19 = tpu.memref_slice %arg2[%add3A, %dma_start3A_17, %dma_start3A_18] : memref<32x40x128xi32, #tpu.memory_space<hbm>> -> memref<1x40x128xi32, #tpu.memory_space<hbm>>
      %dma_start3A_20 = tpu.memref_squeeze %dma_start3A_19 : memref<1x40x128xi32, #tpu.memory_space<hbm>> -> memref<40x128xi32, #tpu.memory_space<hbm>>
      tpu.enqueue_dma source(%dma_start3A_20 : memref<40x128xi32, #tpu.memory_space<hbm>>) target(%arg7 : memref<40x128xi32, #tpu.memory_space<vmem>>) target_semaphore(%run_scoped3A : memref<!tpu.dma_semaphore, #tpu.memory_space<semaphore_mem>>)
      %dma_wait3A = arith.constant 0 : i32
      %dma_wait3A_21 = arith.constant 0 : i32
      %dma_wait3A_22 = tpu.memref_slice %arg2[%add3A, %dma_wait3A, %dma_wait3A_21] : memref<32x40x128xi32, #tpu.memory_space<hbm>> -> memref<1x40x128xi32, #tpu.memory_space<hbm>>
      %dma_wait3A_23 = tpu.memref_squeeze %dma_wait3A_22 : memref<1x40x128xi32, #tpu.memory_space<hbm>> -> memref<40x128xi32, #tpu.memory_space<hbm>>
      %dma_wait3A_24 = arith.constant 0 : i32
      %dma_wait3A_25 = arith.constant 0 : i32
      %dma_wait3A_26 = tpu.memref_slice %arg2[%add3A, %dma_wait3A_24, %dma_wait3A_25] : memref<32x40x128xi32, #tpu.memory_space<hbm>> -> memref<1x40x128xi32, #tpu.memory_space<hbm>>
      %dma_wait3A_27 = tpu.memref_squeeze %dma_wait3A_26 : memref<1x40x128xi32, #tpu.memory_space<hbm>> -> memref<40x128xi32, #tpu.memory_space<hbm>>
      tpu.wait_dma2 semaphore(%run_scoped3A : memref<!tpu.dma_semaphore, #tpu.memory_space<semaphore_mem>>) src(%dma_wait3A_27 : memref<40x128xi32, #tpu.memory_space<hbm>>) dst(%arg7 : memref<40x128xi32, #tpu.memory_space<vmem>>)
      tpu.yield
    }) : () -> ()
    "tpu.region"() ({
      %run_scoped3A = tpu.sem_alloc : memref<!tpu.dma_semaphore, #tpu.memory_space<semaphore_mem>>
      %dma_start3A = arith.constant 0 : i32
      %dma_start3A_14 = arith.constant 0 : i32
      %dma_start3A_15 = tpu.memref_slice %arg3[%add3A, %dma_start3A, %dma_start3A_14] : memref<32x40x128xi32, #tpu.memory_space<hbm>> -> memref<1x40x128xi32, #tpu.memory_space<hbm>>
      %dma_start3A_16 = tpu.memref_squeeze %dma_start3A_15 : memref<1x40x128xi32, #tpu.memory_space<hbm>> -> memref<40x128xi32, #tpu.memory_space<hbm>>
      %dma_start3A_17 = arith.constant 0 : i32
      %dma_start3A_18 = arith.constant 0 : i32
      %dma_start3A_19 = tpu.memref_slice %arg3[%add3A, %dma_start3A_17, %dma_start3A_18] : memref<32x40x128xi32, #tpu.memory_space<hbm>> -> memref<1x40x128xi32, #tpu.memory_space<hbm>>
      %dma_start3A_20 = tpu.memref_squeeze %dma_start3A_19 : memref<1x40x128xi32, #tpu.memory_space<hbm>> -> memref<40x128xi32, #tpu.memory_space<hbm>>
      tpu.enqueue_dma source(%dma_start3A_20 : memref<40x128xi32, #tpu.memory_space<hbm>>) target(%arg8 : memref<40x128xi32, #tpu.memory_space<vmem>>) target_semaphore(%run_scoped3A : memref<!tpu.dma_semaphore, #tpu.memory_space<semaphore_mem>>)
      %dma_wait3A = arith.constant 0 : i32
      %dma_wait3A_21 = arith.constant 0 : i32
      %dma_wait3A_22 = tpu.memref_slice %arg3[%add3A, %dma_wait3A, %dma_wait3A_21] : memref<32x40x128xi32, #tpu.memory_space<hbm>> -> memref<1x40x128xi32, #tpu.memory_space<hbm>>
      %dma_wait3A_23 = tpu.memref_squeeze %dma_wait3A_22 : memref<1x40x128xi32, #tpu.memory_space<hbm>> -> memref<40x128xi32, #tpu.memory_space<hbm>>
      %dma_wait3A_24 = arith.constant 0 : i32
      %dma_wait3A_25 = arith.constant 0 : i32
      %dma_wait3A_26 = tpu.memref_slice %arg3[%add3A, %dma_wait3A_24, %dma_wait3A_25] : memref<32x40x128xi32, #tpu.memory_space<hbm>> -> memref<1x40x128xi32, #tpu.memory_space<hbm>>
      %dma_wait3A_27 = tpu.memref_squeeze %dma_wait3A_26 : memref<1x40x128xi32, #tpu.memory_space<hbm>> -> memref<40x128xi32, #tpu.memory_space<hbm>>
      tpu.wait_dma2 semaphore(%run_scoped3A : memref<!tpu.dma_semaphore, #tpu.memory_space<semaphore_mem>>) src(%dma_wait3A_27 : memref<40x128xi32, #tpu.memory_space<hbm>>) dst(%arg8 : memref<40x128xi32, #tpu.memory_space<vmem>>)
      tpu.yield
    }) : () -> ()
    %barrier3A = arith.constant 0 : index
    tpu.barrier barrier_id(%barrier3A)
    %scan3A = arith.constant 0 : i32
    %scan3A_3 = arith.constant 0 : i32
    %scan3A_4 = arith.constant 20 : i32
    %scan3A_5 = arith.addi %scan3A_3, %scan3A_4 : i32
    %scan3A_6 = arith.constant 1 : i32
    %scan3A_7 = scf.for %scan3A_14 = %scan3A_3 to %scan3A_5 step %scan3A_6 iter_args(%scan3A_15 = %scan3A) -> (i32)  : i32 {
      %mul3A_16 = arith.constant 2 : i32
      %mul3A_17 = arith.muli %mul3A_16, %scan3A_14 : i32
      %add3A_18 = arith.constant 0 : i32
      %add3A_19 = arith.addi %mul3A_17, %add3A_18 : i32
      %dma_start3A = arith.constant 0 : i32
      %dma_start3A_20 = tpu.memref_slice %arg7[%add3A_19, %dma_start3A] : memref<40x128xi32, #tpu.memory_space<vmem>> -> memref<1x128xi32, #tpu.memory_space<vmem>>
      %dma_start3A_21 = tpu.memref_squeeze %dma_start3A_20 : memref<1x128xi32, #tpu.memory_space<vmem>> -> memref<128xi32, #tpu.memory_space<vmem>>
      %dma_start3A_22 = arith.constant 0 : i32
      %dma_start3A_23 = arith.constant 0 : i32
      %dma_start3A_24 = tpu.memref_slice %arg4[%dma_start3A_22, %dma_start3A_23] : memref<10240x128xf32, #tpu.memory_space<hbm>> -> memref<10240x128xf32, #tpu.memory_space<hbm>>
      tpu.enqueue_indirect_dma source(%dma_start3A_24 : memref<10240x128xf32, #tpu.memory_space<hbm>>) target(%arg9 : memref<128x128xf32, #tpu.memory_space<vmem>>) offsets(%dma_start3A_21 : memref<128xi32, #tpu.memory_space<vmem>>) semaphore(%arg12 : memref<!tpu.dma_semaphore, #tpu.memory_space<semaphore_mem>>)
      %add3A_25 = arith.constant 1 : i32
      %add3A_26 = arith.addi %mul3A_17, %add3A_25 : i32
      %dma_start3A_27 = arith.constant 0 : i32
      %dma_start3A_28 = tpu.memref_slice %arg7[%add3A_26, %dma_start3A_27] : memref<40x128xi32, #tpu.memory_space<vmem>> -> memref<1x128xi32, #tpu.memory_space<vmem>>
      %dma_start3A_29 = tpu.memref_squeeze %dma_start3A_28 : memref<1x128xi32, #tpu.memory_space<vmem>> -> memref<128xi32, #tpu.memory_space<vmem>>
      %dma_start3A_30 = arith.constant 0 : i32
      %dma_start3A_31 = arith.constant 0 : i32
      %dma_start3A_32 = tpu.memref_slice %arg4[%dma_start3A_30, %dma_start3A_31] : memref<10240x128xf32, #tpu.memory_space<hbm>> -> memref<10240x128xf32, #tpu.memory_space<hbm>>
      tpu.enqueue_indirect_dma source(%dma_start3A_32 : memref<10240x128xf32, #tpu.memory_space<hbm>>) target(%arg10 : memref<128x128xf32, #tpu.memory_space<vmem>>) offsets(%dma_start3A_29 : memref<128xi32, #tpu.memory_space<vmem>>) semaphore(%arg12 : memref<!tpu.dma_semaphore, #tpu.memory_space<semaphore_mem>>)
      %dma_wait3A = arith.constant 0 : i32
      %dma_wait3A_33 = tpu.memref_slice %arg7[%add3A_19, %dma_wait3A] : memref<40x128xi32, #tpu.memory_space<vmem>> -> memref<1x128xi32, #tpu.memory_space<vmem>>
      %dma_wait3A_34 = tpu.memref_squeeze %dma_wait3A_33 : memref<1x128xi32, #tpu.memory_space<vmem>> -> memref<128xi32, #tpu.memory_space<vmem>>
      %dma_wait3A_35 = arith.constant 0 : i32
      %dma_wait3A_36 = arith.constant 0 : i32
      %dma_wait3A_37 = tpu.memref_slice %arg4[%dma_wait3A_35, %dma_wait3A_36] : memref<10240x128xf32, #tpu.memory_space<hbm>> -> memref<10240x128xf32, #tpu.memory_space<hbm>>
      tpu.wait_indirect_dma semaphore(%arg12 : memref<!tpu.dma_semaphore, #tpu.memory_space<semaphore_mem>>) src(%dma_wait3A_37 : memref<10240x128xf32, #tpu.memory_space<hbm>>) dst(%arg9 : memref<128x128xf32, #tpu.memory_space<vmem>>)
      %dma_wait3A_38 = arith.constant 0 : i32
      %dma_wait3A_39 = tpu.memref_slice %arg7[%add3A_26, %dma_wait3A_38] : memref<40x128xi32, #tpu.memory_space<vmem>> -> memref<1x128xi32, #tpu.memory_space<vmem>>
      %dma_wait3A_40 = tpu.memref_squeeze %dma_wait3A_39 : memref<1x128xi32, #tpu.memory_space<vmem>> -> memref<128xi32, #tpu.memory_space<vmem>>
      %dma_wait3A_41 = arith.constant 0 : i32
      %dma_wait3A_42 = arith.constant 0 : i32
      %dma_wait3A_43 = tpu.memref_slice %arg4[%dma_wait3A_41, %dma_wait3A_42] : memref<10240x128xf32, #tpu.memory_space<hbm>> -> memref<10240x128xf32, #tpu.memory_space<hbm>>
      tpu.wait_indirect_dma semaphore(%arg12 : memref<!tpu.dma_semaphore, #tpu.memory_space<semaphore_mem>>) src(%dma_wait3A_43 : memref<10240x128xf32, #tpu.memory_space<hbm>>) dst(%arg10 : memref<128x128xf32, #tpu.memory_space<vmem>>)
      %add3A_44 = arith.constant 0 : i32
      %add3A_45 = arith.addi %mul3A_17, %add3A_44 : i32
      "tpu.region"() ({
        %run_scoped3A = tpu.sem_alloc : memref<!tpu.dma_semaphore, #tpu.memory_space<semaphore_mem>>
        %dma_start3A_49 = arith.constant 0 : i32
        %dma_start3A_50 = tpu.memref_slice %arg8[%add3A_45, %dma_start3A_49] : memref<40x128xi32, #tpu.memory_space<vmem>> -> memref<1x128xi32, #tpu.memory_space<vmem>>
        %dma_start3A_51 = tpu.memref_squeeze %dma_start3A_50 : memref<1x128xi32, #tpu.memory_space<vmem>> -> memref<128xi32, #tpu.memory_space<vmem>>
        %dma_start3A_52 = arith.constant 0 : i32
        %dma_start3A_53 = arith.constant 0 : i32
        %dma_start3A_54 = tpu.memref_slice %arg11[%dma_start3A_52, %dma_start3A_53] : memref<10240x128xf32, #tpu.memory_space<vmem_shared>> -> memref<10240x128xf32, #tpu.memory_space<vmem_shared>>
        tpu.enqueue_indirect_dma source(%arg9 : memref<128x128xf32, #tpu.memory_space<vmem>>) target(%dma_start3A_54 : memref<10240x128xf32, #tpu.memory_space<vmem_shared>>) offsets(%dma_start3A_51 : memref<128xi32, #tpu.memory_space<vmem>>) semaphore(%run_scoped3A : memref<!tpu.dma_semaphore, #tpu.memory_space<semaphore_mem>>) {add = true}
        %dma_wait3A_55 = arith.constant 0 : i32
        %dma_wait3A_56 = tpu.memref_slice %arg8[%add3A_45, %dma_wait3A_55] : memref<40x128xi32, #tpu.memory_space<vmem>> -> memref<1x128xi32, #tpu.memory_space<vmem>>
        %dma_wait3A_57 = tpu.memref_squeeze %dma_wait3A_56 : memref<1x128xi32, #tpu.memory_space<vmem>> -> memref<128xi32, #tpu.memory_space<vmem>>
        %dma_wait3A_58 = arith.constant 0 : i32
        %dma_wait3A_59 = arith.constant 0 : i32
        %dma_wait3A_60 = tpu.memref_slice %arg11[%dma_wait3A_58, %dma_wait3A_59] : memref<10240x128xf32, #tpu.memory_space<vmem_shared>> -> memref<10240x128xf32, #tpu.memory_space<vmem_shared>>
        tpu.wait_indirect_dma semaphore(%run_scoped3A : memref<!tpu.dma_semaphore, #tpu.memory_space<semaphore_mem>>) src(%arg9 : memref<128x128xf32, #tpu.memory_space<vmem>>) dst(%dma_wait3A_60 : memref<10240x128xf32, #tpu.memory_space<vmem_shared>>)
        tpu.yield
      }) : () -> ()
      %add3A_46 = arith.constant 1 : i32
      %add3A_47 = arith.addi %mul3A_17, %add3A_46 : i32
      "tpu.region"() ({
        %run_scoped3A = tpu.sem_alloc : memref<!tpu.dma_semaphore, #tpu.memory_space<semaphore_mem>>
        %dma_start3A_49 = arith.constant 0 : i32
        %dma_start3A_50 = tpu.memref_slice %arg8[%add3A_47, %dma_start3A_49] : memref<40x128xi32, #tpu.memory_space<vmem>> -> memref<1x128xi32, #tpu.memory_space<vmem>>
        %dma_start3A_51 = tpu.memref_squeeze %dma_start3A_50 : memref<1x128xi32, #tpu.memory_space<vmem>> -> memref<128xi32, #tpu.memory_space<vmem>>
        %dma_start3A_52 = arith.constant 0 : i32
        %dma_start3A_53 = arith.constant 0 : i32
        %dma_start3A_54 = tpu.memref_slice %arg11[%dma_start3A_52, %dma_start3A_53] : memref<10240x128xf32, #tpu.memory_space<vmem_shared>> -> memref<10240x128xf32, #tpu.memory_space<vmem_shared>>
        tpu.enqueue_indirect_dma source(%arg10 : memref<128x128xf32, #tpu.memory_space<vmem>>) target(%dma_start3A_54 : memref<10240x128xf32, #tpu.memory_space<vmem_shared>>) offsets(%dma_start3A_51 : memref<128xi32, #tpu.memory_space<vmem>>) semaphore(%run_scoped3A : memref<!tpu.dma_semaphore, #tpu.memory_space<semaphore_mem>>) {add = true}
        %dma_wait3A_55 = arith.constant 0 : i32
        %dma_wait3A_56 = tpu.memref_slice %arg8[%add3A_47, %dma_wait3A_55] : memref<40x128xi32, #tpu.memory_space<vmem>> -> memref<1x128xi32, #tpu.memory_space<vmem>>
        %dma_wait3A_57 = tpu.memref_squeeze %dma_wait3A_56 : memref<1x128xi32, #tpu.memory_space<vmem>> -> memref<128xi32, #tpu.memory_space<vmem>>
        %dma_wait3A_58 = arith.constant 0 : i32
        %dma_wait3A_59 = arith.constant 0 : i32
        %dma_wait3A_60 = tpu.memref_slice %arg11[%dma_wait3A_58, %dma_wait3A_59] : memref<10240x128xf32, #tpu.memory_space<vmem_shared>> -> memref<10240x128xf32, #tpu.memory_space<vmem_shared>>
        tpu.wait_indirect_dma semaphore(%run_scoped3A : memref<!tpu.dma_semaphore, #tpu.memory_space<semaphore_mem>>) src(%arg10 : memref<128x128xf32, #tpu.memory_space<vmem>>) dst(%dma_wait3A_60 : memref<10240x128xf32, #tpu.memory_space<vmem_shared>>)
        tpu.yield
      }) : () -> ()
      %scan3A_48 = arith.constant 0 : i32
      scf.yield %scan3A_48 : i32
    }
    %scan3A_8 = arith.constant 20 : i32
    %barrier3A_9 = arith.constant 0 : index
    tpu.barrier barrier_id(%barrier3A_9)
    %mul3A_10 = arith.constant 640 : i32
    %mul3A_11 = arith.muli %arg1, %mul3A_10 : i32
    %mul3A_12 = arith.constant 640 : i32
    %mul3A_13 = arith.muli %arg1, %mul3A_12 : i32
    "tpu.region"() ({
      %run_scoped3A = tpu.sem_alloc : memref<!tpu.dma_semaphore, #tpu.memory_space<semaphore_mem>>
      %dma_start3A = arith.constant 0 : i32
      %dma_start3A_14 = tpu.memref_slice %arg6[%arg0, %mul3A_13, %dma_start3A] : memref<2x10240x128xf32, #tpu.memory_space<hbm>> -> memref<1x640x128xf32, #tpu.memory_space<hbm>>
      %dma_start3A_15 = tpu.memref_squeeze %dma_start3A_14 : memref<1x640x128xf32, #tpu.memory_space<hbm>> -> memref<640x128xf32, #tpu.memory_space<hbm>>
      %dma_start3A_16 = arith.constant 0 : i32
      %dma_start3A_17 = tpu.memref_slice %arg11[%mul3A_11, %dma_start3A_16] : memref<10240x128xf32, #tpu.memory_space<vmem_shared>> -> memref<640x128xf32, #tpu.memory_space<vmem_shared>>
      tpu.enqueue_dma source(%dma_start3A_17 : memref<640x128xf32, #tpu.memory_space<vmem_shared>>) target(%dma_start3A_15 : memref<640x128xf32, #tpu.memory_space<hbm>>) target_semaphore(%run_scoped3A : memref<!tpu.dma_semaphore, #tpu.memory_space<semaphore_mem>>)
      %dma_wait3A = arith.constant 0 : i32
      %dma_wait3A_18 = tpu.memref_slice %arg6[%arg0, %mul3A_13, %dma_wait3A] : memref<2x10240x128xf32, #tpu.memory_space<hbm>> -> memref<1x640x128xf32, #tpu.memory_space<hbm>>
      %dma_wait3A_19 = tpu.memref_squeeze %dma_wait3A_18 : memref<1x640x128xf32, #tpu.memory_space<hbm>> -> memref<640x128xf32, #tpu.memory_space<hbm>>
      %dma_wait3A_20 = arith.constant 0 : i32
      %dma_wait3A_21 = tpu.memref_slice %arg11[%mul3A_11, %dma_wait3A_20] : memref<10240x128xf32, #tpu.memory_space<vmem_shared>> -> memref<640x128xf32, #tpu.memory_space<vmem_shared>>
      tpu.wait_dma2 semaphore(%run_scoped3A : memref<!tpu.dma_semaphore, #tpu.memory_space<semaphore_mem>>) src(%dma_wait3A_21 : memref<640x128xf32, #tpu.memory_space<vmem_shared>>) dst(%dma_wait3A_19 : memref<640x128xf32, #tpu.memory_space<hbm>>)
      tpu.yield
    }) : () -> ()
    return
  }
}

module attributes {stable_mosaic.version = 14 : i64} {
  func.func @body(%arg0: i32, %arg1: memref<1024x256xf32, #tpu.memory_space<vmem>>, %arg2: memref<256x32xf32, #tpu.memory_space<vmem>>, %arg3: memref<1024x16xf32, #tpu.memory_space<vmem>>, %arg4: memref<1024x16xf32, #tpu.memory_space<vmem>>, %arg5: memref<1024x128xf32, #tpu.memory_space<vmem>>, %arg6: memref<1024x1xf32, #tpu.memory_space<vmem>>) attributes {dimension_semantics = [#tpu.dimension_semantics<arbitrary>], iteration_bounds = array<i64: 10>, scalar_prefetch = 0 : i64, scratch_operands = 0 : i64, tpu.core_type = #tpu.core_type<tc>, window_params = [{transform_indices = @transform_0, window_bounds = array<i64: 1024, 256>}, {pipeline_mode = #tpu.pipeline_mode<synchronous>, transform_indices = @transform_1, window_bounds = array<i64: 256, 32>}, {transform_indices = @transform_2, window_bounds = array<i64: 1024, 16>}, {transform_indices = @transform_3, window_bounds = array<i64: 1024, 16>}, {transform_indices = @transform_4, window_bounds = array<i64: 1024, 128>}, {transform_indices = @transform_5, window_bounds = array<i64: 1024, 1>}]} {
    %get3A = arith.constant 0 : index
    %get3A_0 = arith.constant 0 : index
    %get3A_1 = vector.load %arg3[%get3A, %get3A_0] : memref<1024x16xf32, #tpu.memory_space<vmem>>, vector<1024x1xf32>
    %add3A = arith.constant 1.000000e+00 : f32
    %add3A_2 = vector.broadcast %add3A : f32 to vector<1024x1xf32>
    %add3A_3 = arith.addf %add3A_2, %get3A_1 : vector<1024x1xf32>
    %get3A_4 = arith.constant 0 : index
    %get3A_5 = arith.constant 0 : index
    %get3A_6 = vector.load %arg4[%get3A_4, %get3A_5] : memref<1024x16xf32, #tpu.memory_space<vmem>>, vector<1024x1xf32>
    %add3A_7 = arith.addf %add3A_3, %get3A_6 : vector<1024x1xf32>
    %rsqrt3A = math.rsqrt %add3A_7 : vector<1024x1xf32>
    %get3A_8 = arith.constant 0 : index
    %get3A_9 = arith.constant 0 : index
    %get3A_10 = vector.load %arg1[%get3A_8, %get3A_9] : memref<1024x256xf32, #tpu.memory_space<vmem>>, vector<1024x256xf32>
    %get3A_11 = arith.constant 0 : index
    %get3A_12 = arith.constant 0 : index
    %get3A_13 = vector.load %arg2[%get3A_11, %get3A_12] : memref<256x32xf32, #tpu.memory_space<vmem>>, vector<256x32xf32>
    %dot_general3A = arith.constant dense<0.000000e+00> : vector<1024x32xf32>
    %dot_general3A_14 = tpu.matmul %get3A_10, %get3A_13, %dot_general3A {dimension_numbers = #tpu.dot_dimension_numbers<[1], [0], [0], [1], [0, 0, 1, 1], [], []>, transpose_lhs_hint = false} : vector<1024x256xf32>, vector<256x32xf32>, vector<1024x32xf32> -> vector<1024x32xf32>
    %mul3A = vector.broadcast %rsqrt3A : vector<1024x1xf32> to vector<1024x32xf32>
    %mul3A_15 = arith.mulf %mul3A, %dot_general3A_14 : vector<1024x32xf32>
    %broadcast_in_dim3A = arith.constant 0.000000e+00 : f32
    %broadcast_in_dim3A_16 = vector.broadcast %broadcast_in_dim3A : f32 to vector<1024x96xf32>
    %concatenate3A = tpu.concatenate %mul3A_15, %broadcast_in_dim3A_16 in 1 : vector<1024x32xf32>, vector<1024x96xf32> -> vector<1024x128xf32>
    %swap3A = arith.constant 0 : index
    %swap3A_17 = arith.constant 0 : index
    %swap3A_18 = vector.load %arg5[%swap3A, %swap3A_17] : memref<1024x128xf32, #tpu.memory_space<vmem>>, vector<1024x128xf32>
    tpu.vector_store %arg5[%swap3A, %swap3A_17], %concatenate3A {strides = array<i32>} : memref<1024x128xf32, #tpu.memory_space<vmem>>, vector<1024x128xf32>,
    %swap3A_19 = arith.constant 0 : index
    %swap3A_20 = arith.constant 0 : index
    %swap3A_21 = vector.load %arg6[%swap3A_19, %swap3A_20] : memref<1024x1xf32, #tpu.memory_space<vmem>>, vector<1024x1xf32>
    tpu.vector_store %arg6[%swap3A_19, %swap3A_20], %rsqrt3A {strides = array<i32>} : memref<1024x1xf32, #tpu.memory_space<vmem>>, vector<1024x1xf32>,
    return
  }
  func.func @transform_0(%arg0: i32) -> (i32, i32) {
    %c0_i32 = arith.constant 0 : i32
    %c0_i32_0 = arith.constant 0 : i32
    return %arg0, %c0_i32 : i32, i32
  }
  func.func @transform_1(%arg0: i32) -> (i32, i32) {
    %c0_i32 = arith.constant 0 : i32
    %c0_i32_0 = arith.constant 0 : i32
    %c0_i32_1 = arith.constant 0 : i32
    return %c0_i32, %c0_i32_0 : i32, i32
  }
  func.func @transform_2(%arg0: i32) -> (i32, i32) {
    %c0_i32 = arith.constant 0 : i32
    %c0_i32_0 = arith.constant 0 : i32
    return %arg0, %c0_i32 : i32, i32
  }
  func.func @transform_3(%arg0: i32) -> (i32, i32) {
    %c0_i32 = arith.constant 0 : i32
    %c0_i32_0 = arith.constant 0 : i32
    return %arg0, %c0_i32 : i32, i32
  }
  func.func @transform_4(%arg0: i32) -> (i32, i32) {
    %c0_i32 = arith.constant 0 : i32
    %c0_i32_0 = arith.constant 0 : i32
    return %arg0, %c0_i32 : i32, i32
  }
  func.func @transform_5(%arg0: i32) -> (i32, i32) {
    %c0_i32 = arith.constant 0 : i32
    %c0_i32_0 = arith.constant 0 : i32
    return %arg0, %c0_i32 : i32, i32
  }
}

module attributes {stable_mosaic.version = 14 : i64} {
  func.func @body(%arg0: i32, %arg1: memref<1024x128xf32, #tpu.memory_space<vmem>>, %arg2: memref<1024x128xf32, #tpu.memory_space<vmem>>, %arg3: memref<1024x128xf32, #tpu.memory_space<vmem>>, %arg4: memref<1024x1xf32, #tpu.memory_space<vmem>>, %arg5: memref<1x32xf32, #tpu.memory_space<vmem>>, %arg6: memref<1024x128xf32, #tpu.memory_space<vmem>>) attributes {dimension_semantics = [#tpu.dimension_semantics<arbitrary>], iteration_bounds = array<i64: 10>, scalar_prefetch = 0 : i64, scratch_operands = 0 : i64, tpu.core_type = #tpu.core_type<tc>, window_params = [{transform_indices = @transform_0, window_bounds = array<i64: 1024, 128>}, {transform_indices = @transform_1, window_bounds = array<i64: 1024, 128>}, {transform_indices = @transform_2, window_bounds = array<i64: 1024, 128>}, {transform_indices = @transform_3, window_bounds = array<i64: 1024, 1>}, {pipeline_mode = #tpu.pipeline_mode<synchronous>, transform_indices = @transform_4, window_bounds = array<i64: 1, 32>}, {transform_indices = @transform_5, window_bounds = array<i64: 1024, 128>}]} {
    %get3A = arith.constant 0 : index
    %get3A_0 = arith.constant 0 : index
    %get3A_1 = vector.load %arg4[%get3A, %get3A_0] : memref<1024x1xf32, #tpu.memory_space<vmem>>, vector<1024x1xf32>
    %get3A_2 = arith.constant 0 : index
    %get3A_3 = arith.constant 0 : index
    %get3A_4 = vector.load %arg1[%get3A_2, %get3A_3] : memref<1024x128xf32, #tpu.memory_space<vmem>>, vector<1024x32xf32>
    %get3A_5 = arith.constant 0 : index
    %get3A_6 = arith.constant 0 : index
    %get3A_7 = vector.load %arg2[%get3A_5, %get3A_6] : memref<1024x128xf32, #tpu.memory_space<vmem>>, vector<1024x32xf32>
    %add3A = arith.addf %get3A_4, %get3A_7 : vector<1024x32xf32>
    %get3A_8 = arith.constant 0 : index
    %get3A_9 = arith.constant 0 : index
    %get3A_10 = vector.load %arg3[%get3A_8, %get3A_9] : memref<1024x128xf32, #tpu.memory_space<vmem>>, vector<1024x32xf32>
    %add3A_11 = arith.addf %add3A, %get3A_10 : vector<1024x32xf32>
    %mul3A = vector.broadcast %get3A_1 : vector<1024x1xf32> to vector<1024x32xf32>
    %mul3A_12 = arith.mulf %mul3A, %add3A_11 : vector<1024x32xf32>
    %get3A_13 = arith.constant 0 : index
    %get3A_14 = arith.constant 0 : index
    %get3A_15 = vector.load %arg5[%get3A_13, %get3A_14] : memref<1x32xf32, #tpu.memory_space<vmem>>, vector<1x32xf32>
    %add3A_16 = vector.broadcast %get3A_15 : vector<1x32xf32> to vector<1024x32xf32>
    %add3A_17 = arith.addf %mul3A_12, %add3A_16 : vector<1024x32xf32>
    %gt3A = arith.constant 0.000000e+00 : f32
    %gt3A_18 = vector.broadcast %gt3A : f32 to vector<1024x32xf32>
    %gt3A_19 = arith.cmpf ogt, %add3A_17, %gt3A_18 : vector<1024x32xf32>
    %exp3A = math.exp %add3A_17 : vector<1024x32xf32>
    %sub3A = arith.constant 1.000000e+00 : f32
    %sub3A_20 = vector.broadcast %sub3A : f32 to vector<1024x32xf32>
    %sub3A_21 = arith.subf %exp3A, %sub3A_20 : vector<1024x32xf32>
    %select_n3A = arith.select %gt3A_19, %add3A_17, %sub3A_21 : vector<1024x32xi1>, vector<1024x32xf32>
    %mul3A_22 = vector.broadcast %get3A_1 : vector<1024x1xf32> to vector<1024x32xf32>
    %mul3A_23 = arith.mulf %mul3A_22, %select_n3A : vector<1024x32xf32>
    %broadcast_in_dim3A = arith.constant 0.000000e+00 : f32
    %broadcast_in_dim3A_24 = vector.broadcast %broadcast_in_dim3A : f32 to vector<1024x96xf32>
    %concatenate3A = tpu.concatenate %mul3A_23, %broadcast_in_dim3A_24 in 1 : vector<1024x32xf32>, vector<1024x96xf32> -> vector<1024x128xf32>
    %swap3A = arith.constant 0 : index
    %swap3A_25 = arith.constant 0 : index
    %swap3A_26 = vector.load %arg6[%swap3A, %swap3A_25] : memref<1024x128xf32, #tpu.memory_space<vmem>>, vector<1024x128xf32>
    tpu.vector_store %arg6[%swap3A, %swap3A_25], %concatenate3A {strides = array<i32>} : memref<1024x128xf32, #tpu.memory_space<vmem>>, vector<1024x128xf32>,
    return
  }
  func.func @transform_0(%arg0: i32) -> (i32, i32) {
    %c0_i32 = arith.constant 0 : i32
    %c0_i32_0 = arith.constant 0 : i32
    return %arg0, %c0_i32 : i32, i32
  }
  func.func @transform_1(%arg0: i32) -> (i32, i32) {
    %c0_i32 = arith.constant 0 : i32
    %c0_i32_0 = arith.constant 0 : i32
    return %arg0, %c0_i32 : i32, i32
  }
  func.func @transform_2(%arg0: i32) -> (i32, i32) {
    %c0_i32 = arith.constant 0 : i32
    %c0_i32_0 = arith.constant 0 : i32
    return %arg0, %c0_i32 : i32, i32
  }
  func.func @transform_3(%arg0: i32) -> (i32, i32) {
    %c0_i32 = arith.constant 0 : i32
    %c0_i32_0 = arith.constant 0 : i32
    return %arg0, %c0_i32 : i32, i32
  }
  func.func @transform_4(%arg0: i32) -> (i32, i32) {
    %c0_i32 = arith.constant 0 : i32
    %c0_i32_0 = arith.constant 0 : i32
    %c0_i32_1 = arith.constant 0 : i32
    return %c0_i32, %c0_i32_0 : i32, i32
  }
  func.func @transform_5(%arg0: i32) -> (i32, i32) {
    %c0_i32 = arith.constant 0 : i32
    %c0_i32_0 = arith.constant 0 : i32
    return %arg0, %c0_i32 : i32, i32
  }
}

module attributes {stable_mosaic.version = 14 : i64} {
  func.func @body(%arg0: i32, %arg1: memref<1024x128xf32, #tpu.memory_space<vmem>>, %arg2: memref<1024x128xf32, #tpu.memory_space<vmem>>, %arg3: memref<1024x128xf32, #tpu.memory_space<vmem>>, %arg4: memref<1024x1xf32, #tpu.memory_space<vmem>>, %arg5: memref<32x64xf32, #tpu.memory_space<vmem>>, %arg6: memref<1x64xf32, #tpu.memory_space<vmem>>, %arg7: memref<1024x128xf32, #tpu.memory_space<vmem>>) attributes {dimension_semantics = [#tpu.dimension_semantics<arbitrary>], iteration_bounds = array<i64: 10>, scalar_prefetch = 0 : i64, scratch_operands = 0 : i64, tpu.core_type = #tpu.core_type<tc>, window_params = [{transform_indices = @transform_0, window_bounds = array<i64: 1024, 128>}, {transform_indices = @transform_1, window_bounds = array<i64: 1024, 128>}, {transform_indices = @transform_2, window_bounds = array<i64: 1024, 128>}, {transform_indices = @transform_3, window_bounds = array<i64: 1024, 1>}, {pipeline_mode = #tpu.pipeline_mode<synchronous>, transform_indices = @transform_4, window_bounds = array<i64: 32, 64>}, {pipeline_mode = #tpu.pipeline_mode<synchronous>, transform_indices = @transform_5, window_bounds = array<i64: 1, 64>}, {transform_indices = @transform_6, window_bounds = array<i64: 1024, 128>}]} {
    %get3A = arith.constant 0 : index
    %get3A_0 = arith.constant 0 : index
    %get3A_1 = vector.load %arg4[%get3A, %get3A_0] : memref<1024x1xf32, #tpu.memory_space<vmem>>, vector<1024x1xf32>
    %get3A_2 = arith.constant 0 : index
    %get3A_3 = arith.constant 0 : index
    %get3A_4 = vector.load %arg1[%get3A_2, %get3A_3] : memref<1024x128xf32, #tpu.memory_space<vmem>>, vector<1024x32xf32>
    %get3A_5 = arith.constant 0 : index
    %get3A_6 = arith.constant 0 : index
    %get3A_7 = vector.load %arg2[%get3A_5, %get3A_6] : memref<1024x128xf32, #tpu.memory_space<vmem>>, vector<1024x32xf32>
    %add3A = arith.addf %get3A_4, %get3A_7 : vector<1024x32xf32>
    %get3A_8 = arith.constant 0 : index
    %get3A_9 = arith.constant 0 : index
    %get3A_10 = vector.load %arg3[%get3A_8, %get3A_9] : memref<1024x128xf32, #tpu.memory_space<vmem>>, vector<1024x32xf32>
    %add3A_11 = arith.addf %add3A, %get3A_10 : vector<1024x32xf32>
    %mul3A = vector.broadcast %get3A_1 : vector<1024x1xf32> to vector<1024x32xf32>
    %mul3A_12 = arith.mulf %mul3A, %add3A_11 : vector<1024x32xf32>
    %get3A_13 = arith.constant 0 : index
    %get3A_14 = arith.constant 0 : index
    %get3A_15 = vector.load %arg5[%get3A_13, %get3A_14] : memref<32x64xf32, #tpu.memory_space<vmem>>, vector<32x64xf32>
    %dot_general3A = arith.constant dense<0.000000e+00> : vector<1024x64xf32>
    %dot_general3A_16 = tpu.matmul %mul3A_12, %get3A_15, %dot_general3A {dimension_numbers = #tpu.dot_dimension_numbers<[1], [0], [0], [1], [0, 0, 1, 1], [], []>, transpose_lhs_hint = false} : vector<1024x32xf32>, vector<32x64xf32>, vector<1024x64xf32> -> vector<1024x64xf32>
    %get3A_17 = arith.constant 0 : index
    %get3A_18 = arith.constant 0 : index
    %get3A_19 = vector.load %arg6[%get3A_17, %get3A_18] : memref<1x64xf32, #tpu.memory_space<vmem>>, vector<1x64xf32>
    %add3A_20 = vector.broadcast %get3A_19 : vector<1x64xf32> to vector<1024x64xf32>
    %add3A_21 = arith.addf %dot_general3A_16, %add3A_20 : vector<1024x64xf32>
    %gt3A = arith.constant 0.000000e+00 : f32
    %gt3A_22 = vector.broadcast %gt3A : f32 to vector<1024x64xf32>
    %gt3A_23 = arith.cmpf ogt, %add3A_21, %gt3A_22 : vector<1024x64xf32>
    %exp3A = math.exp %add3A_21 : vector<1024x64xf32>
    %sub3A = arith.constant 1.000000e+00 : f32
    %sub3A_24 = vector.broadcast %sub3A : f32 to vector<1024x64xf32>
    %sub3A_25 = arith.subf %exp3A, %sub3A_24 : vector<1024x64xf32>
    %select_n3A = arith.select %gt3A_23, %add3A_21, %sub3A_25 : vector<1024x64xi1>, vector<1024x64xf32>
    %mul3A_26 = vector.broadcast %get3A_1 : vector<1024x1xf32> to vector<1024x64xf32>
    %mul3A_27 = arith.mulf %mul3A_26, %select_n3A : vector<1024x64xf32>
    %broadcast_in_dim3A = arith.constant 0.000000e+00 : f32
    %broadcast_in_dim3A_28 = vector.broadcast %broadcast_in_dim3A : f32 to vector<1024x64xf32>
    %concatenate3A = tpu.concatenate %mul3A_27, %broadcast_in_dim3A_28 in 1 : vector<1024x64xf32>, vector<1024x64xf32> -> vector<1024x128xf32>
    %swap3A = arith.constant 0 : index
    %swap3A_29 = arith.constant 0 : index
    %swap3A_30 = vector.load %arg7[%swap3A, %swap3A_29] : memref<1024x128xf32, #tpu.memory_space<vmem>>, vector<1024x128xf32>
    tpu.vector_store %arg7[%swap3A, %swap3A_29], %concatenate3A {strides = array<i32>} : memref<1024x128xf32, #tpu.memory_space<vmem>>, vector<1024x128xf32>,
    return
  }
  func.func @transform_0(%arg0: i32) -> (i32, i32) {
    %c0_i32 = arith.constant 0 : i32
    %c0_i32_0 = arith.constant 0 : i32
    return %arg0, %c0_i32 : i32, i32
  }
  func.func @transform_1(%arg0: i32) -> (i32, i32) {
    %c0_i32 = arith.constant 0 : i32
    %c0_i32_0 = arith.constant 0 : i32
    return %arg0, %c0_i32 : i32, i32
  }
  func.func @transform_2(%arg0: i32) -> (i32, i32) {
    %c0_i32 = arith.constant 0 : i32
    %c0_i32_0 = arith.constant 0 : i32
    return %arg0, %c0_i32 : i32, i32
  }
  func.func @transform_3(%arg0: i32) -> (i32, i32) {
    %c0_i32 = arith.constant 0 : i32
    %c0_i32_0 = arith.constant 0 : i32
    return %arg0, %c0_i32 : i32, i32
  }
  func.func @transform_4(%arg0: i32) -> (i32, i32) {
    %c0_i32 = arith.constant 0 : i32
    %c0_i32_0 = arith.constant 0 : i32
    %c0_i32_1 = arith.constant 0 : i32
    return %c0_i32, %c0_i32_0 : i32, i32
  }
  func.func @transform_5(%arg0: i32) -> (i32, i32) {
    %c0_i32 = arith.constant 0 : i32
    %c0_i32_0 = arith.constant 0 : i32
    %c0_i32_1 = arith.constant 0 : i32
    return %c0_i32, %c0_i32_0 : i32, i32
  }
  func.func @transform_6(%arg0: i32) -> (i32, i32) {
    %c0_i32 = arith.constant 0 : i32
    %c0_i32_0 = arith.constant 0 : i32
    return %arg0, %c0_i32 : i32, i32
  }
}

module attributes {stable_mosaic.version = 14 : i64} {
  func.func @body(%arg0: i32, %arg1: memref<1024x128xf32, #tpu.memory_space<vmem>>, %arg2: memref<1024x128xf32, #tpu.memory_space<vmem>>, %arg3: memref<1024x128xf32, #tpu.memory_space<vmem>>, %arg4: memref<1024x1xf32, #tpu.memory_space<vmem>>, %arg5: memref<64x128xf32, #tpu.memory_space<vmem>>, %arg6: memref<1x128xf32, #tpu.memory_space<vmem>>, %arg7: memref<1024x128xf32, #tpu.memory_space<vmem>>) attributes {dimension_semantics = [#tpu.dimension_semantics<arbitrary>], iteration_bounds = array<i64: 10>, scalar_prefetch = 0 : i64, scratch_operands = 0 : i64, tpu.core_type = #tpu.core_type<tc>, window_params = [{transform_indices = @transform_0, window_bounds = array<i64: 1024, 128>}, {transform_indices = @transform_1, window_bounds = array<i64: 1024, 128>}, {transform_indices = @transform_2, window_bounds = array<i64: 1024, 128>}, {transform_indices = @transform_3, window_bounds = array<i64: 1024, 1>}, {pipeline_mode = #tpu.pipeline_mode<synchronous>, transform_indices = @transform_4, window_bounds = array<i64: 64, 128>}, {pipeline_mode = #tpu.pipeline_mode<synchronous>, transform_indices = @transform_5, window_bounds = array<i64: 1, 128>}, {transform_indices = @transform_6, window_bounds = array<i64: 1024, 128>}]} {
    %get3A = arith.constant 0 : index
    %get3A_0 = arith.constant 0 : index
    %get3A_1 = vector.load %arg4[%get3A, %get3A_0] : memref<1024x1xf32, #tpu.memory_space<vmem>>, vector<1024x1xf32>
    %get3A_2 = arith.constant 0 : index
    %get3A_3 = arith.constant 0 : index
    %get3A_4 = vector.load %arg1[%get3A_2, %get3A_3] : memref<1024x128xf32, #tpu.memory_space<vmem>>, vector<1024x64xf32>
    %get3A_5 = arith.constant 0 : index
    %get3A_6 = arith.constant 0 : index
    %get3A_7 = vector.load %arg2[%get3A_5, %get3A_6] : memref<1024x128xf32, #tpu.memory_space<vmem>>, vector<1024x64xf32>
    %add3A = arith.addf %get3A_4, %get3A_7 : vector<1024x64xf32>
    %get3A_8 = arith.constant 0 : index
    %get3A_9 = arith.constant 0 : index
    %get3A_10 = vector.load %arg3[%get3A_8, %get3A_9] : memref<1024x128xf32, #tpu.memory_space<vmem>>, vector<1024x64xf32>
    %add3A_11 = arith.addf %add3A, %get3A_10 : vector<1024x64xf32>
    %mul3A = vector.broadcast %get3A_1 : vector<1024x1xf32> to vector<1024x64xf32>
    %mul3A_12 = arith.mulf %mul3A, %add3A_11 : vector<1024x64xf32>
    %get3A_13 = arith.constant 0 : index
    %get3A_14 = arith.constant 0 : index
    %get3A_15 = vector.load %arg5[%get3A_13, %get3A_14] : memref<64x128xf32, #tpu.memory_space<vmem>>, vector<64x128xf32>
    %dot_general3A = arith.constant dense<0.000000e+00> : vector<1024x128xf32>
    %dot_general3A_16 = tpu.matmul %mul3A_12, %get3A_15, %dot_general3A {dimension_numbers = #tpu.dot_dimension_numbers<[1], [0], [0], [1], [0, 0, 1, 1], [], []>, transpose_lhs_hint = false} : vector<1024x64xf32>, vector<64x128xf32>, vector<1024x128xf32> -> vector<1024x128xf32>
    %get3A_17 = arith.constant 0 : index
    %get3A_18 = arith.constant 0 : index
    %get3A_19 = vector.load %arg6[%get3A_17, %get3A_18] : memref<1x128xf32, #tpu.memory_space<vmem>>, vector<1x128xf32>
    %add3A_20 = vector.broadcast %get3A_19 : vector<1x128xf32> to vector<1024x128xf32>
    %add3A_21 = arith.addf %dot_general3A_16, %add3A_20 : vector<1024x128xf32>
    %gt3A = arith.constant 0.000000e+00 : f32
    %gt3A_22 = vector.broadcast %gt3A : f32 to vector<1024x128xf32>
    %gt3A_23 = arith.cmpf ogt, %add3A_21, %gt3A_22 : vector<1024x128xf32>
    %exp3A = math.exp %add3A_21 : vector<1024x128xf32>
    %sub3A = arith.constant 1.000000e+00 : f32
    %sub3A_24 = vector.broadcast %sub3A : f32 to vector<1024x128xf32>
    %sub3A_25 = arith.subf %exp3A, %sub3A_24 : vector<1024x128xf32>
    %select_n3A = arith.select %gt3A_23, %add3A_21, %sub3A_25 : vector<1024x128xi1>, vector<1024x128xf32>
    %mul3A_26 = vector.broadcast %get3A_1 : vector<1024x1xf32> to vector<1024x128xf32>
    %mul3A_27 = arith.mulf %mul3A_26, %select_n3A : vector<1024x128xf32>
    %swap3A = arith.constant 0 : index
    %swap3A_28 = arith.constant 0 : index
    %swap3A_29 = vector.load %arg7[%swap3A, %swap3A_28] : memref<1024x128xf32, #tpu.memory_space<vmem>>, vector<1024x128xf32>
    tpu.vector_store %arg7[%swap3A, %swap3A_28], %mul3A_27 {strides = array<i32>} : memref<1024x128xf32, #tpu.memory_space<vmem>>, vector<1024x128xf32>,
    return
  }
  func.func @transform_0(%arg0: i32) -> (i32, i32) {
    %c0_i32 = arith.constant 0 : i32
    %c0_i32_0 = arith.constant 0 : i32
    return %arg0, %c0_i32 : i32, i32
  }
  func.func @transform_1(%arg0: i32) -> (i32, i32) {
    %c0_i32 = arith.constant 0 : i32
    %c0_i32_0 = arith.constant 0 : i32
    return %arg0, %c0_i32 : i32, i32
  }
  func.func @transform_2(%arg0: i32) -> (i32, i32) {
    %c0_i32 = arith.constant 0 : i32
    %c0_i32_0 = arith.constant 0 : i32
    return %arg0, %c0_i32 : i32, i32
  }
  func.func @transform_3(%arg0: i32) -> (i32, i32) {
    %c0_i32 = arith.constant 0 : i32
    %c0_i32_0 = arith.constant 0 : i32
    return %arg0, %c0_i32 : i32, i32
  }
  func.func @transform_4(%arg0: i32) -> (i32, i32) {
    %c0_i32 = arith.constant 0 : i32
    %c0_i32_0 = arith.constant 0 : i32
    %c0_i32_1 = arith.constant 0 : i32
    return %c0_i32, %c0_i32_0 : i32, i32
  }
  func.func @transform_5(%arg0: i32) -> (i32, i32) {
    %c0_i32 = arith.constant 0 : i32
    %c0_i32_0 = arith.constant 0 : i32
    %c0_i32_1 = arith.constant 0 : i32
    return %c0_i32, %c0_i32_0 : i32, i32
  }
  func.func @transform_6(%arg0: i32) -> (i32, i32) {
    %c0_i32 = arith.constant 0 : i32
    %c0_i32_0 = arith.constant 0 : i32
    return %arg0, %c0_i32 : i32, i32
  }
}

module attributes {stable_mosaic.version = 14 : i64} {
  func.func @body(%arg0: memref<10240x256xf32, #tpu.memory_space<vmem>>, %arg1: memref<1x10240xi32, #tpu.memory_space<vmem>>, %arg2: memref<256x128xf32, #tpu.memory_space<vmem>>, %arg3: memref<1x128xf32, #tpu.memory_space<vmem>>, %arg4: memref<128x10xf32, #tpu.memory_space<vmem>>, %arg5: memref<1x10xf32, #tpu.memory_space<vmem>>, %arg6: memref<64x10xf32, #tpu.memory_space<vmem>>) attributes {dimension_semantics = [], scalar_prefetch = 0 : i64, scratch_operands = 0 : i64, tpu.core_type = #tpu.core_type<tc>} {
    %iota3A = tpu.iota {dimensions = array<i32: 0>} : vector<64x10240xi32>
    %get3A = arith.constant 0 : index
    %get3A_0 = arith.constant 0 : index
    %get3A_1 = vector.load %arg1[%get3A, %get3A_0] : memref<1x10240xi32, #tpu.memory_space<vmem>>, vector<1x10240xi32>
    %eq3A = vector.broadcast %get3A_1 : vector<1x10240xi32> to vector<64x10240xi32>
    %eq3A_2 = arith.cmpi eq, %iota3A, %eq3A : vector<64x10240xi32>
    %convert_element_type3A = arith.extui %eq3A_2 : vector<64x10240xi1> to vector<64x10240xi32>
    %convert_element_type3A_3 = arith.sitofp %convert_element_type3A : vector<64x10240xi32> to vector<64x10240xf32>
    %get3A_4 = arith.constant 0 : index
    %get3A_5 = arith.constant 0 : index
    %get3A_6 = vector.load %arg0[%get3A_4, %get3A_5] : memref<10240x256xf32, #tpu.memory_space<vmem>>, vector<10240x256xf32>
    %dot_general3A = arith.constant dense<0.000000e+00> : vector<64x256xf32>
    %dot_general3A_7 = tpu.matmul %convert_element_type3A_3, %get3A_6, %dot_general3A {dimension_numbers = #tpu.dot_dimension_numbers<[1], [0], [0], [1], [0, 0, 1, 1], [], []>, transpose_lhs_hint = false} : vector<64x10240xf32>, vector<10240x256xf32>, vector<64x256xf32> -> vector<64x256xf32>
    %reduce_sum3A = arith.constant dense<0.000000e+00> : vector<64xf32>
    %reduce_sum3A_8 = vector.multi_reduction <add>, %convert_element_type3A_3, %reduce_sum3A [1] : vector<64x10240xf32> to vector<64xf32>
    %broadcast_in_dim3A = vector.shape_cast %reduce_sum3A_8 : vector<64xf32> to vector<64x1xf32>
    %max3A = arith.constant 1.000000e+00 : f32
    %max3A_9 = vector.broadcast %max3A : f32 to vector<64x1xf32>
    %max3A_10 = arith.maximumf %broadcast_in_dim3A, %max3A_9 : vector<64x1xf32>
    %div3A = vector.broadcast %max3A_10 : vector<64x1xf32> to vector<64x256xf32>
    %div3A_11 = arith.divf %dot_general3A_7, %div3A : vector<64x256xf32>
    %get3A_12 = arith.constant 0 : index
    %get3A_13 = arith.constant 0 : index
    %get3A_14 = vector.load %arg2[%get3A_12, %get3A_13] : memref<256x128xf32, #tpu.memory_space<vmem>>, vector<256x128xf32>
    %dot_general3A_15 = arith.constant dense<0.000000e+00> : vector<64x128xf32>
    %dot_general3A_16 = tpu.matmul %div3A_11, %get3A_14, %dot_general3A_15 {dimension_numbers = #tpu.dot_dimension_numbers<[1], [0], [0], [1], [0, 0, 1, 1], [], []>, transpose_lhs_hint = false} : vector<64x256xf32>, vector<256x128xf32>, vector<64x128xf32> -> vector<64x128xf32>
    %get3A_17 = arith.constant 0 : index
    %get3A_18 = arith.constant 0 : index
    %get3A_19 = vector.load %arg3[%get3A_17, %get3A_18] : memref<1x128xf32, #tpu.memory_space<vmem>>, vector<1x128xf32>
    %add3A = vector.broadcast %get3A_19 : vector<1x128xf32> to vector<64x128xf32>
    %add3A_20 = arith.addf %dot_general3A_16, %add3A : vector<64x128xf32>
    %gt3A = arith.constant 0.000000e+00 : f32
    %gt3A_21 = vector.broadcast %gt3A : f32 to vector<64x128xf32>
    %gt3A_22 = arith.cmpf ogt, %add3A_20, %gt3A_21 : vector<64x128xf32>
    %exp3A = math.exp %add3A_20 : vector<64x128xf32>
    %sub3A = arith.constant 1.000000e+00 : f32
    %sub3A_23 = vector.broadcast %sub3A : f32 to vector<64x128xf32>
    %sub3A_24 = arith.subf %exp3A, %sub3A_23 : vector<64x128xf32>
    %select_n3A = arith.select %gt3A_22, %add3A_20, %sub3A_24 : vector<64x128xi1>, vector<64x128xf32>
    %get3A_25 = arith.constant 0 : index
    %get3A_26 = arith.constant 0 : index
    %get3A_27 = vector.load %arg4[%get3A_25, %get3A_26] : memref<128x10xf32, #tpu.memory_space<vmem>>, vector<128x10xf32>
    %dot_general3A_28 = arith.constant dense<0.000000e+00> : vector<64x10xf32>
    %dot_general3A_29 = tpu.matmul %select_n3A, %get3A_27, %dot_general3A_28 {dimension_numbers = #tpu.dot_dimension_numbers<[1], [0], [0], [1], [0, 0, 1, 1], [], []>, transpose_lhs_hint = false} : vector<64x128xf32>, vector<128x10xf32>, vector<64x10xf32> -> vector<64x10xf32>
    %get3A_30 = arith.constant 0 : index
    %get3A_31 = arith.constant 0 : index
    %get3A_32 = vector.load %arg5[%get3A_30, %get3A_31] : memref<1x10xf32, #tpu.memory_space<vmem>>, vector<1x10xf32>
    %add3A_33 = vector.broadcast %get3A_32 : vector<1x10xf32> to vector<64x10xf32>
    %add3A_34 = arith.addf %dot_general3A_29, %add3A_33 : vector<64x10xf32>
    %swap3A = arith.constant 0 : index
    %swap3A_35 = arith.constant 0 : index
    %swap3A_36 = vector.load %arg6[%swap3A, %swap3A_35] : memref<64x10xf32, #tpu.memory_space<vmem>>, vector<64x10xf32>
    tpu.vector_store %arg6[%swap3A, %swap3A_35], %add3A_34 {strides = array<i32>} : memref<64x10xf32, #tpu.memory_space<vmem>>, vector<64x10xf32>,
    return
  }
}

module attributes {stable_mosaic.version = 14 : i64} {
  func.func @body(%arg0: i32, %arg1: memref<1024x128xf32, #tpu.memory_space<vmem>>, %arg2: memref<1024x128xf32, #tpu.memory_space<vmem>>, %arg3: memref<1024x128xf32, #tpu.memory_space<vmem>>, %arg4: memref<1024x1xf32, #tpu.memory_space<vmem>>, %arg5: memref<128x256xf32, #tpu.memory_space<vmem>>, %arg6: memref<1x256xf32, #tpu.memory_space<vmem>>, %arg7: memref<1024x256xf32, #tpu.memory_space<vmem>>) attributes {dimension_semantics = [#tpu.dimension_semantics<arbitrary>], iteration_bounds = array<i64: 10>, scalar_prefetch = 0 : i64, scratch_operands = 0 : i64, tpu.core_type = #tpu.core_type<tc>, window_params = [{transform_indices = @transform_0, window_bounds = array<i64: 1024, 128>}, {transform_indices = @transform_1, window_bounds = array<i64: 1024, 128>}, {transform_indices = @transform_2, window_bounds = array<i64: 1024, 128>}, {transform_indices = @transform_3, window_bounds = array<i64: 1024, 1>}, {pipeline_mode = #tpu.pipeline_mode<synchronous>, transform_indices = @transform_4, window_bounds = array<i64: 128, 256>}, {pipeline_mode = #tpu.pipeline_mode<synchronous>, transform_indices = @transform_5, window_bounds = array<i64: 1, 256>}, {transform_indices = @transform_6, window_bounds = array<i64: 1024, 256>}]} {
    %get3A = arith.constant 0 : index
    %get3A_0 = arith.constant 0 : index
    %get3A_1 = vector.load %arg4[%get3A, %get3A_0] : memref<1024x1xf32, #tpu.memory_space<vmem>>, vector<1024x1xf32>
    %get3A_2 = arith.constant 0 : index
    %get3A_3 = arith.constant 0 : index
    %get3A_4 = vector.load %arg1[%get3A_2, %get3A_3] : memref<1024x128xf32, #tpu.memory_space<vmem>>, vector<1024x128xf32>
    %get3A_5 = arith.constant 0 : index
    %get3A_6 = arith.constant 0 : index
    %get3A_7 = vector.load %arg2[%get3A_5, %get3A_6] : memref<1024x128xf32, #tpu.memory_space<vmem>>, vector<1024x128xf32>
    %add3A = arith.addf %get3A_4, %get3A_7 : vector<1024x128xf32>
    %get3A_8 = arith.constant 0 : index
    %get3A_9 = arith.constant 0 : index
    %get3A_10 = vector.load %arg3[%get3A_8, %get3A_9] : memref<1024x128xf32, #tpu.memory_space<vmem>>, vector<1024x128xf32>
    %add3A_11 = arith.addf %add3A, %get3A_10 : vector<1024x128xf32>
    %mul3A = vector.broadcast %get3A_1 : vector<1024x1xf32> to vector<1024x128xf32>
    %mul3A_12 = arith.mulf %mul3A, %add3A_11 : vector<1024x128xf32>
    %get3A_13 = arith.constant 0 : index
    %get3A_14 = arith.constant 0 : index
    %get3A_15 = vector.load %arg5[%get3A_13, %get3A_14] : memref<128x256xf32, #tpu.memory_space<vmem>>, vector<128x256xf32>
    %dot_general3A = arith.constant dense<0.000000e+00> : vector<1024x256xf32>
    %dot_general3A_16 = tpu.matmul %mul3A_12, %get3A_15, %dot_general3A {dimension_numbers = #tpu.dot_dimension_numbers<[1], [0], [0], [1], [0, 0, 1, 1], [], []>, transpose_lhs_hint = false} : vector<1024x128xf32>, vector<128x256xf32>, vector<1024x256xf32> -> vector<1024x256xf32>
    %get3A_17 = arith.constant 0 : index
    %get3A_18 = arith.constant 0 : index
    %get3A_19 = vector.load %arg6[%get3A_17, %get3A_18] : memref<1x256xf32, #tpu.memory_space<vmem>>, vector<1x256xf32>
    %add3A_20 = vector.broadcast %get3A_19 : vector<1x256xf32> to vector<1024x256xf32>
    %add3A_21 = arith.addf %dot_general3A_16, %add3A_20 : vector<1024x256xf32>
    %gt3A = arith.constant 0.000000e+00 : f32
    %gt3A_22 = vector.broadcast %gt3A : f32 to vector<1024x256xf32>
    %gt3A_23 = arith.cmpf ogt, %add3A_21, %gt3A_22 : vector<1024x256xf32>
    %exp3A = math.exp %add3A_21 : vector<1024x256xf32>
    %sub3A = arith.constant 1.000000e+00 : f32
    %sub3A_24 = vector.broadcast %sub3A : f32 to vector<1024x256xf32>
    %sub3A_25 = arith.subf %exp3A, %sub3A_24 : vector<1024x256xf32>
    %select_n3A = arith.select %gt3A_23, %add3A_21, %sub3A_25 : vector<1024x256xi1>, vector<1024x256xf32>
    %swap3A = arith.constant 0 : index
    %swap3A_26 = arith.constant 0 : index
    %swap3A_27 = vector.load %arg7[%swap3A, %swap3A_26] : memref<1024x256xf32, #tpu.memory_space<vmem>>, vector<1024x256xf32>
    tpu.vector_store %arg7[%swap3A, %swap3A_26], %select_n3A {strides = array<i32>} : memref<1024x256xf32, #tpu.memory_space<vmem>>, vector<1024x256xf32>,
    return
  }
  func.func @transform_0(%arg0: i32) -> (i32, i32) {
    %c0_i32 = arith.constant 0 : i32
    %c0_i32_0 = arith.constant 0 : i32
    return %arg0, %c0_i32 : i32, i32
  }
  func.func @transform_1(%arg0: i32) -> (i32, i32) {
    %c0_i32 = arith.constant 0 : i32
    %c0_i32_0 = arith.constant 0 : i32
    return %arg0, %c0_i32 : i32, i32
  }
  func.func @transform_2(%arg0: i32) -> (i32, i32) {
    %c0_i32 = arith.constant 0 : i32
    %c0_i32_0 = arith.constant 0 : i32
    return %arg0, %c0_i32 : i32, i32
  }
  func.func @transform_3(%arg0: i32) -> (i32, i32) {
    %c0_i32 = arith.constant 0 : i32
    %c0_i32_0 = arith.constant 0 : i32
    return %arg0, %c0_i32 : i32, i32
  }
  func.func @transform_4(%arg0: i32) -> (i32, i32) {
    %c0_i32 = arith.constant 0 : i32
    %c0_i32_0 = arith.constant 0 : i32
    %c0_i32_1 = arith.constant 0 : i32
    return %c0_i32, %c0_i32_0 : i32, i32
  }
  func.func @transform_5(%arg0: i32) -> (i32, i32) {
    %c0_i32 = arith.constant 0 : i32
    %c0_i32_0 = arith.constant 0 : i32
    %c0_i32_1 = arith.constant 0 : i32
    return %c0_i32, %c0_i32_0 : i32, i32
  }
  func.func @transform_6(%arg0: i32) -> (i32, i32) {
    %c0_i32 = arith.constant 0 : i32
    %c0_i32_0 = arith.constant 0 : i32
    return %arg0, %c0_i32 : i32, i32
  }
}

</mosaic_0001>

<sc_bundles>
// kernel: kernel.13.cloned.1.call-start
scs
__scs_entry_jumppad:
0x0: {  	(pc) =	sbr.rel $0x88, $3  }
0x1: {  	(tag) =	ssettag $0x0;
	lr =	simm.s32 $0x1  }
0x2: {  	[smem:$0x3F92] =	sst lr;
	_ =	strace $0xD0000000  }
0x3: {  	_ = 	snop  }
0x4: {  	_ = 	snop  }
0x5: {  	_ = 	snop  }
0x6: {  	_ = 	snop  }
0x7: {  	_ = 	snop  }
__scs_overlays_trampoline_lowered:
0x8: {  	[smem:$0x3FA1] =	sst s0  }
0x9: {  	[smem:$0x3FA2] =	sst s1  }
0xa: {  	[smem:$0x3FA3] =	sst s2  }
0xb: {  	[smem:$0x3FA4] =	sst s3  }
0xc: {  	[smem:$0x3FA5] =	sst s4  }
0xd: {  	[smem:$0x3FA6] =	sst s5  }
0xe: {  	[smem:$0x3FA7] =	sst s6  }
0xf: {  	[smem:$0x3FA8] =	sst s7  }
0x10: {  	[smem:$0x3FA9] =	sst s8  }
0x11: {  	[smem:$0x3FAA] =	sst s9;
	s0 =	simm.s32 @!p0 $0x0  }
0x12: {  	s1 =	sld [smem:$0x3F90];
	s0 =	simm.s32 @p0 $0x1  }
0x13: {  	[smem:$0x3FAB] =	sst s0;
	s0 =	simm.s32 @!p1 $0x0  }
0x14: {  	s2 =	sld [smem:$0x3F8F];
	s0 =	simm.s32 @p1 $0x1  }
0x15: {  	[smem:$0x3FAC] =	sst s0;
	s0 =	simm.s32 @!p2 $0x0  }
0x16: {  	s3 =	sld [smem:$0x3FDB];
	s0 =	simm.s32 @p2 $0x1  }
0x17: {  	s4 =	simm.s32 $0x1BF5;
	[smem:$0x3FAE] =	sst s0  }
0x18: {  	s0 =	sld [smem:$0x3F91];
	_ =	swait.ge [sflag:s4], $0x0  }
0x19: {  	s7 =	sld [smem:$0x3F92]  }
0x1a: {  	s8 =	sadd.s32 $0xFFFFE003, lr  }
0x1b: {  	s9 =	sadd.s32 $0xFFFFFEF7, lr;
	s5 =	simm.s32 $0xFFFFFFFF;
	p2 =	slt.u32 s8, $0xFFFFF086  }
0x1c: {  	p1 =	slt.u32 s9, $0xF7A;
	s5 =	simm.s32 @!p2 $0x0  }
0x1d: {  	s5 =	simm.s32 @p1 $0x1;
	p0 =	seq.s32 s7, s2  }
0x1e: {  	s7 =	smul.u32 @!p0 $0xF7A, s2;
	p2 =	seq.s32 @!p0 s5, $0x0  }
0x1f: {  	s9 =	smul.u32 $0xF7A, s1;
	s8 =	simm.s32 @!p0 $0x1BF5;
	p2 =	por !p2, p0  }
0x20: {  	[sflag:s8] =	ssyncset.s32 @!p0 $0xFFFFF086;
	s6 =	sadd.s32 @!p0 s3, s7;
	s7 =	simm.s32 @!p0 $0x108  }
0x21: {  	s3 =	sadd.s32 s3, s9;
	s6 =	sadd.s32 @!p0 $0x88, s6;
	s7 =	simm.s32 @p2 $0x1082  }
0x22: {  	[simem:s7], [sflag:s8] =	dma.local @!p0 [hbm:s6], $0xF7A  }
0x23: {  	s9 =	sor.u32 $0xD0000000, s2;
	s6 =	simm.s32 $0x108;
	_ =	swait.ge @!p0 [sflag:s8], $0x0  }
0x24: {  	s3 =	sadd.s32 $0x88, s3;
	s6 =	simm.s32 @!p1 $0x1082;
	[sflag:s4] =	ssyncset.s32 $0xFFFFF086  }
0x25: {  	[simem:s6], [sflag:s4] =	dma.local [hbm:s3], $0xF7A  }
0x26: {  	[smem:$0x3F92] =	sst s1;
	(tag) =	ssettag s2;
	_ =	strace s9  }
0x27: {  	s1 =	sld [smem:$0x3FA2]  }
0x28: {  	s2 =	sld [smem:$0x3FA3]  }
0x29: {  	s4 =	sld [smem:$0x3FA5]  }
0x2a: {  	p0 =	seq.s32 s5, $0x0;
	s5 =	sld [smem:$0x3FA6]  }
0x2b: {  	s6 =	sld [smem:$0x3FA7]  }
0x2c: {  	s7 =	sld [smem:$0x3FA8]  }
0x2d: {  	s3 =	simm.s32 $0x108;
	s8 =	sld [smem:$0x3FA9]  }
0x2e: {  	s3 =	simm.s32 @!p0 $0x1082;
	s9 =	sld [smem:$0x3FAA]  }
0x2f: {  	lr =	sadd.s32 s0, s3;
	s0 =	sld [smem:$0x3FA1]  }
0x30: {  	s3 =	sld [smem:$0x3FA4]  }
0x31: {  	[smem:$0x3FAD] =	sst s10  }
0x32: {  	s10 =	sld [smem:$0x3FAB];
	_ =	sdelay $0x3  }
0x33: {  	p0 =	seq.s32 s10, $0x1;
	s10 =	sld [smem:$0x3FAD];
	_ =	sdelay $0x3  }
0x34: {  	[smem:$0x3FAD] =	sst s10  }
0x35: {  	s10 =	sld [smem:$0x3FAC];
	_ =	sdelay $0x3  }
0x36: {  	p1 =	seq.s32 s10, $0x1;
	s10 =	sld [smem:$0x3FAD];
	_ =	sdelay $0x3  }
0x37: {  	[smem:$0x3FAD] =	sst s10  }
0x38: {  	s10 =	sld [smem:$0x3FAE]  }
0x39: {  	_ = 	snop;
	(pc) =	sbr.ind lr, $3  }
0x3a: {  	_ = 	snop  }
0x3b: {  	_ = 	snop  }
0x3c: {  	p2 =	seq.s32 s10, $0x1;
	s10 =	sld [smem:$0x3FAD]  }
0x3d: {  	_ =	shalt  }
0x3e: {  	_ =	shalt  }
0x3f: {  	_ =	shalt  }
0x40: {  	_ =	shalt  }
0x41: {  	_ =	shalt  }
0x42: {  	_ =	shalt  }
0x43: {  	_ =	shalt  }
0x44: {  	_ =	shalt  }
0x45: {  	_ =	shalt  }
0x46: {  	_ =	shalt  }
0x47: {  	_ =	shalt  }
0x48: {  	_ =	shalt  }
0x49: {  	_ =	shalt  }
0x4a: {  	_ =	shalt  }
0x4b: {  	_ =	shalt  }
0x4c: {  	_ =	shalt  }
0x4d: {  	_ =	shalt  }
0x4e: {  	_ =	shalt  }
0x4f: {  	_ =	shalt  }
0x50: {  	_ =	shalt  }
0x51: {  	_ =	shalt  }
0x52: {  	_ =	shalt  }
0x53: {  	_ =	shalt  }
0x54: {  	_ =	shalt  }
0x55: {  	_ =	shalt  }
0x56: {  	_ =	shalt  }
0x57: {  	_ =	shalt  }
0x58: {  	_ =	shalt  }
0x59: {  	_ =	shalt  }
0x5a: {  	_ =	shalt  }
0x5b: {  	_ =	shalt  }
0x5c: {  	_ =	shalt  }
0x5d: {  	_ =	shalt  }
0x5e: {  	_ =	shalt  }
0x5f: {  	_ =	shalt  }
0x60: {  	_ =	shalt  }
0x61: {  	_ =	shalt  }
0x62: {  	_ =	shalt  }
0x63: {  	_ =	shalt  }
0x64: {  	_ =	shalt  }
0x65: {  	_ =	shalt  }
0x66: {  	_ =	shalt  }
0x67: {  	_ =	shalt  }
0x68: {  	_ =	shalt  }
0x69: {  	_ =	shalt  }
0x6a: {  	_ =	shalt  }
0x6b: {  	_ =	shalt  }
0x6c: {  	_ =	shalt  }
0x6d: {  	_ =	shalt  }
0x6e: {  	_ =	shalt  }
0x6f: {  	_ =	shalt  }
0x70: {  	_ =	shalt  }
0x71: {  	_ =	shalt  }
0x72: {  	_ =	shalt  }
0x73: {  	_ =	shalt  }
0x74: {  	_ =	shalt  }
0x75: {  	_ =	shalt  }
0x76: {  	_ =	shalt  }
0x77: {  	_ =	shalt  }
0x78: {  	_ =	shalt  }
0x79: {  	_ =	shalt  }
0x7a: {  	_ =	shalt  }
0x7b: {  	_ =	shalt  }
0x7c: {  	_ =	shalt  }
0x7d: {  	_ =	shalt  }
0x7e: {  	_ =	shalt  }
0x7f: {  	_ =	shalt  }
0x80: {  	_ =	shalt  }
0x81: {  	_ =	shalt  }
0x82: {  	_ =	shalt  }
0x83: {  	_ =	shalt  }
0x84: {  	_ =	shalt  }
0x85: {  	_ =	shalt  }
0x86: {  	_ =	shalt  }
0x87: {  	_ =	shalt  }
.Lfunc_end0:
.L_simem_size_0:
called_computation_lowered:
.L_overlay_start_0:
0x88: {  	s2 =	sld [smem:$0x3FD9]  }
0x89: {  	s3 =	sld [smem:$0x3FFE];
	_ =	sdelay $0x1  }
0x8a: {  	s1 =	srdreg.scid  }
0x8b: {  	s0 =	sand.u32 $0x1, s1  }
0x8c: {  	s16 =	sshll.u32 s0, $0xA;
	s2 =	sadd.s32 s3, s2  }
0x8d: {  	s2 =	sadd.s32 s2, s16  }
0x8e: {  	[smem:$0x3FB9] =	sst s2  }
0x8f: {  	_ = 	snop  }
0x90: {  	(tm) =	ssettm $0x1  }
0x91: {  	s17 =	sld [smem:$0x3FFB];
	_ =	sdelay $0x3  }
0x92: {  	_ =	strace s17  }
0x93: {  	s2 =	sld [smem:$0x3FFC];
	_ =	sdelay $0x3  }
0x94: {  	_ =	strace s2  }
0x95: {  	s2 =	sld [smem:$0x3FFD];
	_ =	sdelay $0x3  }
0x96: {  	_ =	strace s2  }
0x97: {  	_ =	strace $0x8FFFFFFF  }
0x98: {  	s18 =	sld [smem:$0x3FDB];
	_ =	sdelay $0x1  }
0x99: {  	s19 =	simm.s32 $_scs_section_size  }
0x9a: {  	s4 =	simm.s32 $_size__tile_overlayer_lowered;
	s5 =	simm.s32 $_tile_overlayer_lowered  }
0x9b: {  	s22 =	simm.s32 $0x1BFF;
	s21 =	sshll.u32 s5, $0x1;
	s2 =	sadd.s32 s19, s18  }
0x9c: {  	s6 =	simm.s32 $0x0;
	s20 =	sshll.u32 s4, $0x1;
	s4 =	sadd.s32 s21, s2  }
0x9d: {  	[timem:s6], [sflag:s22] =	dma.local [hbm:s4], s20  }
0x9e: {  	_ =	swait.ge [sflag:s22], s20  }
0x9f: {  	s3 =	ssub.s32 $0x0, s20;
	[sflag:s22] =	ssyncset.done $0x0  }
0xa0: {  	[sflag:s22] =	ssyncadd.s32 s3;
	_ =	sdelay $0x1  }
0xa1: {  	s23 =	simm.s32 $0x1B8B  }
0xa2: {  	_ =	swait.ge [sflag:s23], $0x1  }
0xa3: {  	[sflag:s23] =	ssyncset.done $0x0  }
0xa4: {  	s25 =	simm.s32 $0x1B8E;
	s24 =	sld [smem:$0x3FFE];
	[sflag:s23] =	ssyncadd.s32 $0xFFFFFFFF  }
0xa5: {  	s26 =	simm.s32 $execute0_lowered;
	[smem:$0x3FD2] =	sst s25  }
0xa6: {  	s4 =	sshll.u32 s26, $0x1;
	_ =	strace $0x80000046;
	[dreg:$0x1] =	wrdreg $0xFFFFFFFF  }
0xa7: {  	s28 =	simm.s32 $_size_execute0_lowered;
	s2 =	sadd.s32 s2, s4;
	[dreg:$0x0] =	wrdreg $0x0  }
0xa8: {  	s4 =	sshll.u32 s28, $0x1;
	[dreg:$0x2] =	wrdreg s2  }
0xa9: {  	[dreg:$0x3] =	wrdreg s4  }
0xaa: {  	[dreg:$0x4] =	wrdreg $0xC0  }
0xab: {  	_ =	task [dreg:s6], $0x5FFFF  }
0xac: {  	[dreg:$0x1] =	wrdreg $0xFFFFFFFF  }
0xad: {  	[dreg:$0x0] =	wrdreg $0x60  }
0xae: {  	[dreg:$0x2] =	wrdreg s24  }
0xaf: {  	[dreg:$0x3] =	wrdreg $0x54000  }
0xb0: {  	[dreg:$0x4] =	wrdreg $0x9  }
0xb1: {  	_ =	task.clear_ibuf [dreg:s6], $0x5FFFF;
	_ =	strace $0x90000046  }
0xb2: {  	s29 =	simm.s32 $0x9;
	_ =	strace $0x80000048  }
0xb3: {  	_ =	swait.ge [sflag:s29], $0x1  }
0xb4: {  	[sflag:s29] =	ssyncadd.s32 $0xFFFFFFFF  }
0xb5: {  	_ =	strace $0x90000048  }
0xb6: {  	_ =	sfence  }
0xb7: {  	s30 =	sld [smem:$0x0];
	_ =	sdelay $0x2  }
0xb8: {  	s31 =	sshll.u32 s1, $0xD;
	s1 =	sshrl.u32 s1, $0x2  }
0xb9: {  	s3 =	sand.u32 $0x4000, s31;
	s1 =	sadd.s32 s1, s30  }
0xba: {  	s0 =	sor.u32 s3, s0;
	s1 =	sshll.u32 s1, $0x11  }
0xbb: {  	s0 =	sor.u32 s1, s0  }
0xbc: {  	s0 =	sadd.s32 $0x8F2B, s0  }
0xbd: {  	[sflag:s0] =	ssyncadd.remote.s32 $0x1  }
0xbe: {  	_ =	sfence.sel $0xFFFF  }
0xbf: {  	[dreg:$0x0] =	wrdreg $0xFFFFFFFF;
	(pc) =	sbr.abs _section_cstart, $3  }
0xc0: {  	[dreg:$0x1] =	wrdreg $0xFFFFFFFF  }
0xc1: {  	_ =	task.clear_ibuf [dreg:s6], $0x2FFFF;
	_ =	strace $0x9FFFFFFF  }
0xc2: {  	(tm) =	ssettm $0x7FFFFFFF  }
0xc3: {  	_ =	shalt  }
tec
execute0_lowered:
.L_overlay_start_1:
0x0: {  	(tag) =	ssettag $0x1  }
0x1: {  	s1 =	srdreg.scid;
	s6 =	rddreg [dreg:$0x0]  }
0x2: {  	s0 =	stileid.u32;
	s2 =	rddreg [dreg:$0x1];
	s3 =	simm.s32 $0x0  }
0x3: {  	s12 =	simm.s32 $0x1400;
	s13 =	simm.s32 $0x0;
	s8 =	smul.u32 $0x14000, s0  }
0x4: {  	s5 =	sand.u32 $0x1, s1;
	s28 =	sshll.u32 s0, $0x1;
	s29 =	smul.u32 $0x50000, s0  }
0x5: {  	[smem:$0x7FF] =	sst s3;
	s1 =	sor.u32 s5, s28;
	s7 =	smul.u32 $0x140000, s5  }
0x6: {  	s31 =	sshll.u32 s0, $0x6;
	s5 =	ssub.s32 $0x2, s5;
	s4 =	smul.u32 $0x280, s1  }
0x7: {  	s1 =	rddreg [dreg:$0x2];
	_ =	strace $0x80000047;
	s30 =	sshrl.u32 s5, $0x1  }
0x8: {  	s7 =	sadd.s32 s8, s7;
	s8 =	sshrl.u32 s29, $0x2;
	s10 =	ssub.s32 s5, s30  }
0x9: {  	s5 =	sor.u32 $0x1C01, s31;
	s9 =	sadd.s32 s4, s6;
	s4 =	sadd.s32 $0xC600, s6  }
0xa: {  	s7 =	sshrl.u32 s7, $0x3;
	s11 =	sadd.s32 s8, s2;
	s8 =	smax.u32 s10, $0x1  }
0xb: {  	s10 =	simm.s32 $0x1;
	s7 =	sadd.s32 s7, s6;
	s6 =	sadd.s32 $0x7600, s9  }
0xc: {  	v0 =	vimm.f32 $1.000000000e+00;
	s9 =	sshrl.u32 s11, $0x3;
	s11 =	simm.s32 $0x80;
	s7 =	sadd.s32 $0xEE00, s7  }
.LBB2_1:
0xd: {  	[spmem:s9], [sflag:s5] =	dma.local [hbm:s4], $0x2800  }
0xe: {  	_ =	swait.ge [sflag:s10], $0x2800  }
0xf: {  	[sflag:s10] =	ssyncset.done $0x0  }
0x10: {  	[sflag:s10] =	ssyncadd.s32 $0xFFFFD800  }
0x11: {  	[tilespmem:s3], [sflag:$0x1] =	stream.linear.gather [hbm4b:s6+s3], $0x1400, $0x38;
	[tilespmem:$0x7C00] =	vst v63  }
0x12: {  	_ =	swait.ge [sflag:s10], $0x1400  }
0x13: {  	[sflag:s10] =	ssyncset.done $0x0  }
0x14: {  	s14 =	simm.s32 $0x200;
	s15 =	simm.s32 $0x0;
	[sflag:s10] =	ssyncadd.s32 $0xFFFFEC00  }
.LBB2_2:
0x15: {  	p0 =	sne.s32 s14, $0xFE00;
	[tilespmem:s15+$0x1400] =	vst v0;
	s15 =	smov.u32 s14;
	s14 =	sadd.s32 $0x200, s14  }
.Ltmp0:
0x16: {  	(pc) =	sbr.rel @p0 .LBB2_2-.Ltmp0, $2  }
0x17: {  	_ =	sdelay $0x2  }
0x18: {  	s15 =	sshra.s32 s15, $0x2  }
0x19: {  	[tilespmem:s15+$0x1400] =	vst v0  }
0x1a: {  	s14 =	simm.s32 $0x0;
	[bflag:$0x0] =	sbarrier.arrive $0xFFFF  }
0x1b: {  	[spmem:s2] =	stream.indirect.scatter.add.f32 [tilespmem:s12], [sflag:$0x1], $0x10, s14, s11, $0xb8;
	[tilespmem:$0x7C00] =	vst v63  }
0x1c: {  	_ =	swait.ge [sflag:s10], $0x800  }
0x1d: {  	s14 =	simm.s32 $0x200;
	[sflag:s10] =	ssyncset.done $0x0  }
.LBB2_4:
0x1e: {  	s15 =	sshra.s32 s14, $0x2;
	[sflag:s10] =	ssyncadd.s32 $0xFFFFF800;
	p0 =	sne.s32 s14, $0x4E00  }
0x1f: {  	[spmem:s2] =	stream.indirect.scatter.add.f32 [tilespmem:s12], [sflag:$0x1], $0x10, s15, s11, $0xb8;
	[tilespmem:$0x7C00] =	vst v63  }
.Ltmp1:
0x20: {  	_ = 	snop;
	(pc) =	sbr.rel @p0 .LBB2_4-.Ltmp1, $4  }
0x21: {  	_ = 	snop  }
0x22: {  	s14 =	sadd.s32 $0x200, s14  }
0x23: {  	_ =	swait.ge [sflag:s10], $0x800  }
0x24: {  	[sflag:s10] =	ssyncset.done $0x0  }
0x25: {  	s13 =	sadd.s32 $0x1, s13  }
0x26: {  	[sflag:s10] =	ssyncadd.s32 $0xFFFFF800;
	p0 =	sne.s32 s13, s8  }
.Ltmp2:
0x27: {  	[bflag:$0x0] =	sbarrier.arrive $0xFFFF;
	(pc) =	sbr.rel @p0 .LBB2_1-.Ltmp2, $4  }
0x28: {  	[hbm:s7], [sflag:s5] =	dma.local [spmem:s9], $0x2800  }
0x29: {  	_ =	swait.ge [sflag:s10], $0x2800  }
0x2a: {  	[sflag:s10] =	ssyncset.done $0x0  }
0x2b: {  	[sflag:s10] =	ssyncadd.s32 $0xFFFFD800  }
0x2c: {  	_ =	sfence.sel $0x180000  }
0x2d: {  	[bflag:$0x0] =	sbarrier.arrive $0xFFFF  }
0x2e: {  	p0 =	sne.s32 s0, $0x0;
	_ =	strace $0x90000047  }
0x2f: {  	s0 =	sadd.s32 @!p0 $0x100000, s1;
	[bflag:$0x2] =	sbarrier.arrive $0xFFFF  }
0x30: {  	[sflag:s0] =	ssyncadd.tile.s32 @!p0 $0x1;
	_ =	shalt  }
.Lfunc_end2:
_tile_overlayer_lowered:
.L_overlay_start_2:
0x31: {  	(tag) =	ssettag $0x2  }
0x32: {  	s0 =	rddreg [dreg:$0x0];
	s2 =	stileid.u32  }
0x33: {  	s1 =	rddreg [dreg:$0x1];
	p0 =	sne.s32 s2, $0x0  }
0x34: {  	s3 =	rddreg [dreg:$0x2];
	[bflag:$0x3] =	sbarrier.arrive $0xFFFF;
	s2 =	simm.s32 @!p0 $0x1C01  }
0x35: {  	[timem:s3], [sflag:s2] =	dma.local @!p0 [hbm:s0], s1  }
0x36: {  	s0 =	simm.s32 @!p0 $0x1  }
0x37: {  	_ =	swait.ge @!p0 [sflag:s0], s1  }
0x38: {  	s1 =	ssub.s32 @!p0 $0x0, s1;
	[sflag:s0] =	ssyncset.done @!p0 $0x0  }
0x39: {  	[sflag:s0] =	ssyncadd.s32 @!p0 s1  }
0x3a: {  	[bflag:$0x3] =	sbarrier.arrive $0xFFFF  }
0x3b: {  	_ =	shalt  }

// kernel: kernel.16.cloned.1.call-start
scs
__scs_entry_jumppad:
0x0: {  	(pc) =	sbr.rel $0x88, $3  }
0x1: {  	(tag) =	ssettag $0x0;
	lr =	simm.s32 $0x1  }
0x2: {  	[smem:$0x3F92] =	sst lr;
	_ =	strace $0xD0000000  }
0x3: {  	_ = 	snop  }
0x4: {  	_ = 	snop  }
0x5: {  	_ = 	snop  }
0x6: {  	_ = 	snop  }
0x7: {  	_ = 	snop  }
__scs_overlays_trampoline_lowered:
0x8: {  	[smem:$0x3FA1] =	sst s0  }
0x9: {  	[smem:$0x3FA2] =	sst s1  }
0xa: {  	[smem:$0x3FA3] =	sst s2  }
0xb: {  	[smem:$0x3FA4] =	sst s3  }
0xc: {  	[smem:$0x3FA5] =	sst s4  }
0xd: {  	[smem:$0x3FA6] =	sst s5  }
0xe: {  	[smem:$0x3FA7] =	sst s6  }
0xf: {  	[smem:$0x3FA8] =	sst s7  }
0x10: {  	[smem:$0x3FA9] =	sst s8  }
0x11: {  	[smem:$0x3FAA] =	sst s9;
	s0 =	simm.s32 @!p0 $0x0  }
0x12: {  	s1 =	sld [smem:$0x3F90];
	s0 =	simm.s32 @p0 $0x1  }
0x13: {  	[smem:$0x3FAB] =	sst s0;
	s0 =	simm.s32 @!p1 $0x0  }
0x14: {  	s2 =	sld [smem:$0x3F8F];
	s0 =	simm.s32 @p1 $0x1  }
0x15: {  	[smem:$0x3FAC] =	sst s0;
	s0 =	simm.s32 @!p2 $0x0  }
0x16: {  	s3 =	sld [smem:$0x3FDB];
	s0 =	simm.s32 @p2 $0x1  }
0x17: {  	s4 =	simm.s32 $0x1BF5;
	[smem:$0x3FAE] =	sst s0  }
0x18: {  	s0 =	sld [smem:$0x3F91];
	_ =	swait.ge [sflag:s4], $0x0  }
0x19: {  	s7 =	sld [smem:$0x3F92]  }
0x1a: {  	s8 =	sadd.s32 $0xFFFFE003, lr  }
0x1b: {  	s9 =	sadd.s32 $0xFFFFFEF7, lr;
	s5 =	simm.s32 $0xFFFFFFFF;
	p2 =	slt.u32 s8, $0xFFFFF086  }
0x1c: {  	p1 =	slt.u32 s9, $0xF7A;
	s5 =	simm.s32 @!p2 $0x0  }
0x1d: {  	s5 =	simm.s32 @p1 $0x1;
	p0 =	seq.s32 s7, s2  }
0x1e: {  	s7 =	smul.u32 @!p0 $0xF7A, s2;
	p2 =	seq.s32 @!p0 s5, $0x0  }
0x1f: {  	s9 =	smul.u32 $0xF7A, s1;
	s8 =	simm.s32 @!p0 $0x1BF5;
	p2 =	por !p2, p0  }
0x20: {  	[sflag:s8] =	ssyncset.s32 @!p0 $0xFFFFF086;
	s6 =	sadd.s32 @!p0 s3, s7;
	s7 =	simm.s32 @!p0 $0x108  }
0x21: {  	s3 =	sadd.s32 s3, s9;
	s6 =	sadd.s32 @!p0 $0x88, s6;
	s7 =	simm.s32 @p2 $0x1082  }
0x22: {  	[simem:s7], [sflag:s8] =	dma.local @!p0 [hbm:s6], $0xF7A  }
0x23: {  	s9 =	sor.u32 $0xD0000000, s2;
	s6 =	simm.s32 $0x108;
	_ =	swait.ge @!p0 [sflag:s8], $0x0  }
0x24: {  	s3 =	sadd.s32 $0x88, s3;
	s6 =	simm.s32 @!p1 $0x1082;
	[sflag:s4] =	ssyncset.s32 $0xFFFFF086  }
0x25: {  	[simem:s6], [sflag:s4] =	dma.local [hbm:s3], $0xF7A  }
0x26: {  	[smem:$0x3F92] =	sst s1;
	(tag) =	ssettag s2;
	_ =	strace s9  }
0x27: {  	s1 =	sld [smem:$0x3FA2]  }
0x28: {  	s2 =	sld [smem:$0x3FA3]  }
0x29: {  	s4 =	sld [smem:$0x3FA5]  }
0x2a: {  	p0 =	seq.s32 s5, $0x0;
	s5 =	sld [smem:$0x3FA6]  }
0x2b: {  	s6 =	sld [smem:$0x3FA7]  }
0x2c: {  	s7 =	sld [smem:$0x3FA8]  }
0x2d: {  	s3 =	simm.s32 $0x108;
	s8 =	sld [smem:$0x3FA9]  }
0x2e: {  	s3 =	simm.s32 @!p0 $0x1082;
	s9 =	sld [smem:$0x3FAA]  }
0x2f: {  	lr =	sadd.s32 s0, s3;
	s0 =	sld [smem:$0x3FA1]  }
0x30: {  	s3 =	sld [smem:$0x3FA4]  }
0x31: {  	[smem:$0x3FAD] =	sst s10  }
0x32: {  	s10 =	sld [smem:$0x3FAB];
	_ =	sdelay $0x3  }
0x33: {  	p0 =	seq.s32 s10, $0x1;
	s10 =	sld [smem:$0x3FAD];
	_ =	sdelay $0x3  }
0x34: {  	[smem:$0x3FAD] =	sst s10  }
0x35: {  	s10 =	sld [smem:$0x3FAC];
	_ =	sdelay $0x3  }
0x36: {  	p1 =	seq.s32 s10, $0x1;
	s10 =	sld [smem:$0x3FAD];
	_ =	sdelay $0x3  }
0x37: {  	[smem:$0x3FAD] =	sst s10  }
0x38: {  	s10 =	sld [smem:$0x3FAE]  }
0x39: {  	_ = 	snop;
	(pc) =	sbr.ind lr, $3  }
0x3a: {  	_ = 	snop  }
0x3b: {  	_ = 	snop  }
0x3c: {  	p2 =	seq.s32 s10, $0x1;
	s10 =	sld [smem:$0x3FAD]  }
0x3d: {  	_ =	shalt  }
0x3e: {  	_ =	shalt  }
0x3f: {  	_ =	shalt  }
0x40: {  	_ =	shalt  }
0x41: {  	_ =	shalt  }
0x42: {  	_ =	shalt  }
0x43: {  	_ =	shalt  }
0x44: {  	_ =	shalt  }
0x45: {  	_ =	shalt  }
0x46: {  	_ =	shalt  }
0x47: {  	_ =	shalt  }
0x48: {  	_ =	shalt  }
0x49: {  	_ =	shalt  }
0x4a: {  	_ =	shalt  }
0x4b: {  	_ =	shalt  }
0x4c: {  	_ =	shalt  }
0x4d: {  	_ =	shalt  }
0x4e: {  	_ =	shalt  }
0x4f: {  	_ =	shalt  }
0x50: {  	_ =	shalt  }
0x51: {  	_ =	shalt  }
0x52: {  	_ =	shalt  }
0x53: {  	_ =	shalt  }
0x54: {  	_ =	shalt  }
0x55: {  	_ =	shalt  }
0x56: {  	_ =	shalt  }
0x57: {  	_ =	shalt  }
0x58: {  	_ =	shalt  }
0x59: {  	_ =	shalt  }
0x5a: {  	_ =	shalt  }
0x5b: {  	_ =	shalt  }
0x5c: {  	_ =	shalt  }
0x5d: {  	_ =	shalt  }
0x5e: {  	_ =	shalt  }
0x5f: {  	_ =	shalt  }
0x60: {  	_ =	shalt  }
0x61: {  	_ =	shalt  }
0x62: {  	_ =	shalt  }
0x63: {  	_ =	shalt  }
0x64: {  	_ =	shalt  }
0x65: {  	_ =	shalt  }
0x66: {  	_ =	shalt  }
0x67: {  	_ =	shalt  }
0x68: {  	_ =	shalt  }
0x69: {  	_ =	shalt  }
0x6a: {  	_ =	shalt  }
0x6b: {  	_ =	shalt  }
0x6c: {  	_ =	shalt  }
0x6d: {  	_ =	shalt  }
0x6e: {  	_ =	shalt  }
0x6f: {  	_ =	shalt  }
0x70: {  	_ =	shalt  }
0x71: {  	_ =	shalt  }
0x72: {  	_ =	shalt  }
0x73: {  	_ =	shalt  }
0x74: {  	_ =	shalt  }
0x75: {  	_ =	shalt  }
0x76: {  	_ =	shalt  }
0x77: {  	_ =	shalt  }
0x78: {  	_ =	shalt  }
0x79: {  	_ =	shalt  }
0x7a: {  	_ =	shalt  }
0x7b: {  	_ =	shalt  }
0x7c: {  	_ =	shalt  }
0x7d: {  	_ =	shalt  }
0x7e: {  	_ =	shalt  }
0x7f: {  	_ =	shalt  }
0x80: {  	_ =	shalt  }
0x81: {  	_ =	shalt  }
0x82: {  	_ =	shalt  }
0x83: {  	_ =	shalt  }
0x84: {  	_ =	shalt  }
0x85: {  	_ =	shalt  }
0x86: {  	_ =	shalt  }
0x87: {  	_ =	shalt  }
.Lfunc_end0:
.L_simem_size_0:
called_computation.1_lowered:
.L_overlay_start_0:
0x88: {  	s2 =	sld [smem:$0x3FD9]  }
0x89: {  	s3 =	sld [smem:$0x3FFE];
	_ =	sdelay $0x1  }
0x8a: {  	s1 =	srdreg.scid  }
0x8b: {  	s0 =	sand.u32 $0x1, s1  }
0x8c: {  	s16 =	sshll.u32 s0, $0xA;
	s2 =	sadd.s32 s3, s2  }
0x8d: {  	s2 =	sadd.s32 s2, s16  }
0x8e: {  	[smem:$0x3FB9] =	sst s2  }
0x8f: {  	_ = 	snop  }
0x90: {  	(tm) =	ssettm $0x1  }
0x91: {  	s17 =	sld [smem:$0x3FFB];
	_ =	sdelay $0x3  }
0x92: {  	_ =	strace s17  }
0x93: {  	s2 =	sld [smem:$0x3FFC];
	_ =	sdelay $0x3  }
0x94: {  	_ =	strace s2  }
0x95: {  	s2 =	sld [smem:$0x3FFD];
	_ =	sdelay $0x3  }
0x96: {  	_ =	strace s2  }
0x97: {  	_ =	strace $0x8FFFFFFF  }
0x98: {  	s18 =	sld [smem:$0x3FDB];
	_ =	sdelay $0x1  }
0x99: {  	s19 =	simm.s32 $_scs_section_size  }
0x9a: {  	s4 =	simm.s32 $_size__tile_overlayer_lowered;
	s5 =	simm.s32 $_tile_overlayer_lowered  }
0x9b: {  	s22 =	simm.s32 $0x1BFF;
	s21 =	sshll.u32 s5, $0x1;
	s2 =	sadd.s32 s19, s18  }
0x9c: {  	s6 =	simm.s32 $0x0;
	s20 =	sshll.u32 s4, $0x1;
	s4 =	sadd.s32 s21, s2  }
0x9d: {  	[timem:s6], [sflag:s22] =	dma.local [hbm:s4], s20  }
0x9e: {  	_ =	swait.ge [sflag:s22], s20  }
0x9f: {  	s3 =	ssub.s32 $0x0, s20;
	[sflag:s22] =	ssyncset.done $0x0  }
0xa0: {  	[sflag:s22] =	ssyncadd.s32 s3;
	_ =	sdelay $0x1  }
0xa1: {  	s23 =	simm.s32 $0x1B8B  }
0xa2: {  	_ =	swait.ge [sflag:s23], $0x1  }
0xa3: {  	[sflag:s23] =	ssyncset.done $0x0  }
0xa4: {  	s25 =	simm.s32 $0x1B8E;
	s24 =	sld [smem:$0x3FFE];
	[sflag:s23] =	ssyncadd.s32 $0xFFFFFFFF  }
0xa5: {  	s26 =	simm.s32 $execute0_lowered;
	[smem:$0x3FD2] =	sst s25  }
0xa6: {  	s4 =	sshll.u32 s26, $0x1;
	_ =	strace $0x80000049;
	[dreg:$0x1] =	wrdreg $0xFFFFFFFF  }
0xa7: {  	s28 =	simm.s32 $_size_execute0_lowered;
	s2 =	sadd.s32 s2, s4;
	[dreg:$0x0] =	wrdreg $0x0  }
0xa8: {  	s4 =	sshll.u32 s28, $0x1;
	[dreg:$0x2] =	wrdreg s2  }
0xa9: {  	[dreg:$0x3] =	wrdreg s4  }
0xaa: {  	[dreg:$0x4] =	wrdreg $0xC0  }
0xab: {  	_ =	task [dreg:s6], $0x5FFFF  }
0xac: {  	[dreg:$0x1] =	wrdreg $0xFFFFFFFF  }
0xad: {  	[dreg:$0x0] =	wrdreg $0x60  }
0xae: {  	[dreg:$0x2] =	wrdreg s24  }
0xaf: {  	[dreg:$0x3] =	wrdreg $0xA8000  }
0xb0: {  	[dreg:$0x4] =	wrdreg $0x9  }
0xb1: {  	_ =	task.clear_ibuf [dreg:s6], $0x5FFFF;
	_ =	strace $0x90000049  }
0xb2: {  	s29 =	simm.s32 $0x9;
	_ =	strace $0x8000004B  }
0xb3: {  	_ =	swait.ge [sflag:s29], $0x1  }
0xb4: {  	[sflag:s29] =	ssyncadd.s32 $0xFFFFFFFF  }
0xb5: {  	_ =	strace $0x9000004B  }
0xb6: {  	_ =	sfence  }
0xb7: {  	s30 =	sld [smem:$0x0];
	_ =	sdelay $0x2  }
0xb8: {  	s31 =	sshll.u32 s1, $0xD;
	s1 =	sshrl.u32 s1, $0x2  }
0xb9: {  	s3 =	sand.u32 $0x4000, s31;
	s1 =	sadd.s32 s1, s30  }
0xba: {  	s0 =	sor.u32 s3, s0;
	s1 =	sshll.u32 s1, $0x11  }
0xbb: {  	s0 =	sor.u32 s1, s0  }
0xbc: {  	s0 =	sadd.s32 $0x8F2B, s0  }
0xbd: {  	[sflag:s0] =	ssyncadd.remote.s32 $0x1  }
0xbe: {  	_ =	sfence.sel $0xFFFF  }
0xbf: {  	[dreg:$0x0] =	wrdreg $0xFFFFFFFF;
	(pc) =	sbr.abs _section_cstart, $3  }
0xc0: {  	[dreg:$0x1] =	wrdreg $0xFFFFFFFF  }
0xc1: {  	_ =	task.clear_ibuf [dreg:s6], $0x2FFFF;
	_ =	strace $0x9FFFFFFF  }
0xc2: {  	(tm) =	ssettm $0x7FFFFFFF  }
0xc3: {  	_ =	shalt  }
tec
execute0_lowered:
.L_overlay_start_1:
0x0: {  	(tag) =	ssettag $0x1  }
0x1: {  	s1 =	srdreg.scid;
	s7 =	rddreg [dreg:$0x0]  }
0x2: {  	s0 =	stileid.u32;
	s2 =	rddreg [dreg:$0x1]  }
0x3: {  	s3 =	simm.s32 $0x0;
	s14 =	simm.s32 $0x80;
	s15 =	simm.s32 $0x2800  }
0x4: {  	s16 =	simm.s32 $0x6800;
	s17 =	simm.s32 $0x1;
	s18 =	simm.s32 $0x0  }
0x5: {  	s6 =	sand.u32 $0x1, s1;
	s28 =	sshll.u32 s0, $0x1;
	s8 =	smul.u32 $0x14000, s0  }
0x6: {  	[smem:$0x7FF] =	sst s3;
	s10 =	smul.u32 $0x50000, s0;
	s31 =	sshll.u32 s0, $0x6  }
0x7: {  	s1 =	sor.u32 s6, s28;
	s5 =	smul.u32 $0x140000, s6;
	s6 =	ssub.s32 $0x2, s6  }
0x8: {  	s4 =	smul.u32 $0x280, s1;
	s1 =	rddreg [dreg:$0x2];
	_ =	strace $0x8000004A  }
0x9: {  	s29 =	sshrl.u32 s6, $0x1;
	s30 =	sshrl.u32 s10, $0x2;
	s5 =	sadd.s32 s8, s5  }
0xa: {  	s12 =	ssub.s32 s6, s29;
	s13 =	sadd.s32 s30, s2;
	s6 =	sor.u32 $0x1C02, s31  }
0xb: {  	s9 =	sadd.s32 s4, s7;
	s4 =	sadd.s32 $0xC600, s7;
	s8 =	sshrl.u32 s5, $0x3  }
0xc: {  	s5 =	sadd.s32 $0x5C600, s7;
	s10 =	smax.u32 s12, $0x1;
	s12 =	simm.s32 $0x2  }
0xd: {  	s11 =	sadd.s32 s8, s7;
	s7 =	sadd.s32 $0xAEE00, s9;
	s8 =	sadd.s32 $0x7600, s9  }
0xe: {  	s9 =	sadd.s32 $0x5EE00, s11;
	s11 =	sshrl.u32 s13, $0x3;
	s13 =	simm.s32 $0x1400  }
.LBB2_1:
0xf: {  	[spmem:s11], [sflag:s6] =	dma.local [hbm:s5], $0x2800  }
0x10: {  	_ =	swait.ge [sflag:s12], $0x2800  }
0x11: {  	[sflag:s12] =	ssyncset.done $0x0  }
0x12: {  	[sflag:s12] =	ssyncadd.s32 $0xFFFFD800  }
0x13: {  	[tilespmem:s3], [sflag:$0x2] =	stream.linear.gather [hbm4b:s7+s3], $0x1400, $0x38;
	[tilespmem:$0x1E800] =	vst v63  }
0x14: {  	_ =	swait.ge [sflag:s12], $0x1400  }
0x15: {  	[sflag:s12] =	ssyncset.done $0x0  }
0x16: {  	[sflag:s12] =	ssyncadd.s32 $0xFFFFEC00  }
0x17: {  	[tilespmem:s13], [sflag:$0x2] =	stream.linear.gather [hbm4b:s8+s3], $0x1400, $0x38;
	[tilespmem:$0x1E800] =	vst v63  }
0x18: {  	_ =	swait.ge [sflag:s12], $0x1400  }
0x19: {  	[sflag:s12] =	ssyncset.done $0x0  }
0x1a: {  	[sflag:s12] =	ssyncadd.s32 $0xFFFFEC00  }
0x1b: {  	s19 =	simm.s32 $0x0;
	[bflag:$0x0] =	sbarrier.arrive $0xFFFF  }
0x1c: {  	[tilespmem:s15], [sflag:$0x1] =	stream.indirect.gather [hbm4b:s4+s14], $0x80, s19, s14, $0xb8;
	[tilespmem:$0x1E800] =	vst v63  }
0x1d: {  	s29 =	simm.s32 $0x80  }
0x1e: {  	[tilespmem:s16], [sflag:$0x1] =	stream.indirect.gather [hbm4b:s4+s14], $0x80, s29, s14, $0xb8;
	[tilespmem:$0x1E800] =	vst v63  }
0x1f: {  	_ =	swait.ge [sflag:s17], $0x4000  }
0x20: {  	[sflag:s17] =	ssyncset.done $0x0  }
0x21: {  	[sflag:s17] =	ssyncadd.s32 $0xFFFFC000  }
0x22: {  	_ =	swait.ge [sflag:s17], $0x4000  }
0x23: {  	[sflag:s17] =	ssyncset.done $0x0  }
0x24: {  	s30 =	simm.s32 $0x1400;
	[sflag:s17] =	ssyncadd.s32 $0xFFFFC000  }
0x25: {  	[spmem:s2] =	stream.indirect.scatter.add.f32 [tilespmem:s15], [sflag:$0x2], $0x80, s30, s14, $0xb8;
	[tilespmem:$0x1E800] =	vst v63  }
0x26: {  	_ =	swait.ge [sflag:s12], $0x4000  }
0x27: {  	[sflag:s12] =	ssyncset.done $0x0  }
0x28: {  	s31 =	simm.s32 $0x1480;
	[sflag:s12] =	ssyncadd.s32 $0xFFFFC000  }
0x29: {  	[spmem:s2] =	stream.indirect.scatter.add.f32 [tilespmem:s16], [sflag:$0x2], $0x80, s31, s14, $0xb8;
	[tilespmem:$0x1E800] =	vst v63  }
0x2a: {  	_ =	swait.ge [sflag:s12], $0x4000  }
0x2b: {  	s20 =	simm.s32 $0x800;
	s19 =	simm.s32 $0x400;
	[sflag:s12] =	ssyncset.done $0x0  }
.LBB2_2:
0x2c: {  	s21 =	sshra.s32 s19, $0x2  }
0x2d: {  	[sflag:s12] =	ssyncadd.s32 $0xFFFFC000;
	s19 =	smov.u32 s20;
	s22 =	sadd.s32 $0x400, s20  }
0x2e: {  	[tilespmem:s15], [sflag:$0x1] =	stream.indirect.gather [hbm4b:s4+s14], $0x80, s21, s14, $0xb8;
	[tilespmem:$0x1E800] =	vst v63  }
0x2f: {  	p0 =	sne.s32 s20, $0x4C00;
	s20 =	sadd.s32 $0x80, s21  }
0x30: {  	[tilespmem:s16], [sflag:$0x1] =	stream.indirect.gather [hbm4b:s4+s14], $0x80, s20, s14, $0xb8;
	[tilespmem:$0x1E800] =	vst v63  }
0x31: {  	_ =	swait.ge [sflag:s17], $0x4000  }
0x32: {  	[sflag:s17] =	ssyncset.done $0x0  }
0x33: {  	[sflag:s17] =	ssyncadd.s32 $0xFFFFC000  }
0x34: {  	_ =	swait.ge [sflag:s17], $0x4000  }
0x35: {  	[sflag:s17] =	ssyncset.done $0x0  }
0x36: {  	s20 =	sadd.s32 $0x1400, s21;
	[sflag:s17] =	ssyncadd.s32 $0xFFFFC000  }
0x37: {  	[spmem:s2] =	stream.indirect.scatter.add.f32 [tilespmem:s15], [sflag:$0x2], $0x80, s20, s14, $0xb8;
	[tilespmem:$0x1E800] =	vst v63  }
0x38: {  	_ =	swait.ge [sflag:s12], $0x4000  }
.Ltmp0:
0x39: {  	[sflag:s12] =	ssyncset.done $0x0;
	(pc) =	sbr.rel @p0 .LBB2_2-.Ltmp0, $4  }
0x3a: {  	s20 =	sadd.s32 $0x1480, s21;
	[sflag:s12] =	ssyncadd.s32 $0xFFFFC000  }
0x3b: {  	[spmem:s2] =	stream.indirect.scatter.add.f32 [tilespmem:s16], [sflag:$0x2], $0x80, s20, s14, $0xb8;
	[tilespmem:$0x1E800] =	vst v63  }
0x3c: {  	_ =	swait.ge [sflag:s12], $0x4000  }
0x3d: {  	s20 =	smov.u32 s22;
	[sflag:s12] =	ssyncset.done $0x0  }
0x3e: {  	s19 =	sshra.s32 s19, $0x2;
	[sflag:s12] =	ssyncadd.s32 $0xFFFFC000  }
0x3f: {  	[tilespmem:s15], [sflag:$0x1] =	stream.indirect.gather [hbm4b:s4+s14], $0x80, s19, s14, $0xb8;
	[tilespmem:$0x1E800] =	vst v63  }
0x40: {  	s20 =	sadd.s32 $0x80, s19  }
0x41: {  	[tilespmem:s16], [sflag:$0x1] =	stream.indirect.gather [hbm4b:s4+s14], $0x80, s20, s14, $0xb8;
	[tilespmem:$0x1E800] =	vst v63  }
0x42: {  	_ =	swait.ge [sflag:s17], $0x4000  }
0x43: {  	[sflag:s17] =	ssyncset.done $0x0  }
0x44: {  	[sflag:s17] =	ssyncadd.s32 $0xFFFFC000  }
0x45: {  	_ =	swait.ge [sflag:s17], $0x4000  }
0x46: {  	[sflag:s17] =	ssyncset.done $0x0  }
0x47: {  	s31 =	sadd.s32 $0x1400, s19;
	[sflag:s17] =	ssyncadd.s32 $0xFFFFC000  }
0x48: {  	[spmem:s2] =	stream.indirect.scatter.add.f32 [tilespmem:s15], [sflag:$0x2], $0x80, s31, s14, $0xb8;
	[tilespmem:$0x1E800] =	vst v63  }
0x49: {  	_ =	swait.ge [sflag:s12], $0x4000  }
0x4a: {  	[sflag:s12] =	ssyncset.done $0x0  }
0x4b: {  	s19 =	sadd.s32 $0x1480, s19;
	[sflag:s12] =	ssyncadd.s32 $0xFFFFC000  }
0x4c: {  	[spmem:s2] =	stream.indirect.scatter.add.f32 [tilespmem:s16], [sflag:$0x2], $0x80, s19, s14, $0xb8;
	[tilespmem:$0x1E800] =	vst v63  }
0x4d: {  	_ =	swait.ge [sflag:s12], $0x4000  }
0x4e: {  	s18 =	sadd.s32 $0x1, s18;
	[sflag:s12] =	ssyncset.done $0x0  }
0x4f: {  	p0 =	sne.s32 s18, s10;
	[sflag:s12] =	ssyncadd.s32 $0xFFFFC000  }
.Ltmp1:
0x50: {  	[bflag:$0x0] =	sbarrier.arrive $0xFFFF;
	(pc) =	sbr.rel @p0 .LBB2_1-.Ltmp1, $4  }
0x51: {  	[hbm:s9], [sflag:s6] =	dma.local [spmem:s11], $0x2800  }
0x52: {  	_ =	swait.ge [sflag:s12], $0x2800  }
0x53: {  	[sflag:s12] =	ssyncset.done $0x0  }
0x54: {  	[sflag:s12] =	ssyncadd.s32 $0xFFFFD800  }
0x55: {  	_ =	sfence.sel $0x180000  }
0x56: {  	[bflag:$0x0] =	sbarrier.arrive $0xFFFF  }
0x57: {  	p0 =	sne.s32 s0, $0x0;
	_ =	strace $0x9000004A  }
0x58: {  	s0 =	sadd.s32 @!p0 $0x100000, s1;
	[bflag:$0x2] =	sbarrier.arrive $0xFFFF  }
0x59: {  	[sflag:s0] =	ssyncadd.tile.s32 @!p0 $0x1;
	_ =	shalt  }
.Lfunc_end2:
_tile_overlayer_lowered:
.L_overlay_start_2:
0x5a: {  	(tag) =	ssettag $0x2  }
0x5b: {  	s0 =	rddreg [dreg:$0x0];
	s2 =	stileid.u32  }
0x5c: {  	s1 =	rddreg [dreg:$0x1];
	p0 =	sne.s32 s2, $0x0  }
0x5d: {  	s3 =	rddreg [dreg:$0x2];
	[bflag:$0x3] =	sbarrier.arrive $0xFFFF;
	s2 =	simm.s32 @!p0 $0x1C02  }
0x5e: {  	[timem:s3], [sflag:s2] =	dma.local @!p0 [hbm:s0], s1  }
0x5f: {  	s0 =	simm.s32 @!p0 $0x2  }
0x60: {  	_ =	swait.ge @!p0 [sflag:s0], s1  }
0x61: {  	s1 =	ssub.s32 @!p0 $0x0, s1;
	[sflag:s0] =	ssyncset.done @!p0 $0x0  }
0x62: {  	[sflag:s0] =	ssyncadd.s32 @!p0 s1  }
0x63: {  	[bflag:$0x3] =	sbarrier.arrive $0xFFFF  }
0x64: {  	_ =	shalt  }

// kernel: kernel.19.cloned.1.call-start
scs
__scs_entry_jumppad:
0x0: {  	(pc) =	sbr.rel $0x88, $3  }
0x1: {  	(tag) =	ssettag $0x0;
	lr =	simm.s32 $0x1  }
0x2: {  	[smem:$0x3F92] =	sst lr;
	_ =	strace $0xD0000000  }
0x3: {  	_ = 	snop  }
0x4: {  	_ = 	snop  }
0x5: {  	_ = 	snop  }
0x6: {  	_ = 	snop  }
0x7: {  	_ = 	snop  }
__scs_overlays_trampoline_lowered:
0x8: {  	[smem:$0x3FA1] =	sst s0  }
0x9: {  	[smem:$0x3FA2] =	sst s1  }
0xa: {  	[smem:$0x3FA3] =	sst s2  }
0xb: {  	[smem:$0x3FA4] =	sst s3  }
0xc: {  	[smem:$0x3FA5] =	sst s4  }
0xd: {  	[smem:$0x3FA6] =	sst s5  }
0xe: {  	[smem:$0x3FA7] =	sst s6  }
0xf: {  	[smem:$0x3FA8] =	sst s7  }
0x10: {  	[smem:$0x3FA9] =	sst s8  }
0x11: {  	[smem:$0x3FAA] =	sst s9;
	s0 =	simm.s32 @!p0 $0x0  }
0x12: {  	s1 =	sld [smem:$0x3F90];
	s0 =	simm.s32 @p0 $0x1  }
0x13: {  	[smem:$0x3FAB] =	sst s0;
	s0 =	simm.s32 @!p1 $0x0  }
0x14: {  	s2 =	sld [smem:$0x3F8F];
	s0 =	simm.s32 @p1 $0x1  }
0x15: {  	[smem:$0x3FAC] =	sst s0;
	s0 =	simm.s32 @!p2 $0x0  }
0x16: {  	s3 =	sld [smem:$0x3FDB];
	s0 =	simm.s32 @p2 $0x1  }
0x17: {  	s4 =	simm.s32 $0x1BF5;
	[smem:$0x3FAE] =	sst s0  }
0x18: {  	s0 =	sld [smem:$0x3F91];
	_ =	swait.ge [sflag:s4], $0x0  }
0x19: {  	s7 =	sld [smem:$0x3F92]  }
0x1a: {  	s8 =	sadd.s32 $0xFFFFE003, lr  }
0x1b: {  	s9 =	sadd.s32 $0xFFFFFEF7, lr;
	s5 =	simm.s32 $0xFFFFFFFF;
	p2 =	slt.u32 s8, $0xFFFFF086  }
0x1c: {  	p1 =	slt.u32 s9, $0xF7A;
	s5 =	simm.s32 @!p2 $0x0  }
0x1d: {  	s5 =	simm.s32 @p1 $0x1;
	p0 =	seq.s32 s7, s2  }
0x1e: {  	s7 =	smul.u32 @!p0 $0xF7A, s2;
	p2 =	seq.s32 @!p0 s5, $0x0  }
0x1f: {  	s9 =	smul.u32 $0xF7A, s1;
	s8 =	simm.s32 @!p0 $0x1BF5;
	p2 =	por !p2, p0  }
0x20: {  	[sflag:s8] =	ssyncset.s32 @!p0 $0xFFFFF086;
	s6 =	sadd.s32 @!p0 s3, s7;
	s7 =	simm.s32 @!p0 $0x108  }
0x21: {  	s3 =	sadd.s32 s3, s9;
	s6 =	sadd.s32 @!p0 $0x88, s6;
	s7 =	simm.s32 @p2 $0x1082  }
0x22: {  	[simem:s7], [sflag:s8] =	dma.local @!p0 [hbm:s6], $0xF7A  }
0x23: {  	s9 =	sor.u32 $0xD0000000, s2;
	s6 =	simm.s32 $0x108;
	_ =	swait.ge @!p0 [sflag:s8], $0x0  }
0x24: {  	s3 =	sadd.s32 $0x88, s3;
	s6 =	simm.s32 @!p1 $0x1082;
	[sflag:s4] =	ssyncset.s32 $0xFFFFF086  }
0x25: {  	[simem:s6], [sflag:s4] =	dma.local [hbm:s3], $0xF7A  }
0x26: {  	[smem:$0x3F92] =	sst s1;
	(tag) =	ssettag s2;
	_ =	strace s9  }
0x27: {  	s1 =	sld [smem:$0x3FA2]  }
0x28: {  	s2 =	sld [smem:$0x3FA3]  }
0x29: {  	s4 =	sld [smem:$0x3FA5]  }
0x2a: {  	p0 =	seq.s32 s5, $0x0;
	s5 =	sld [smem:$0x3FA6]  }
0x2b: {  	s6 =	sld [smem:$0x3FA7]  }
0x2c: {  	s7 =	sld [smem:$0x3FA8]  }
0x2d: {  	s3 =	simm.s32 $0x108;
	s8 =	sld [smem:$0x3FA9]  }
0x2e: {  	s3 =	simm.s32 @!p0 $0x1082;
	s9 =	sld [smem:$0x3FAA]  }
0x2f: {  	lr =	sadd.s32 s0, s3;
	s0 =	sld [smem:$0x3FA1]  }
0x30: {  	s3 =	sld [smem:$0x3FA4]  }
0x31: {  	[smem:$0x3FAD] =	sst s10  }
0x32: {  	s10 =	sld [smem:$0x3FAB];
	_ =	sdelay $0x3  }
0x33: {  	p0 =	seq.s32 s10, $0x1;
	s10 =	sld [smem:$0x3FAD];
	_ =	sdelay $0x3  }
0x34: {  	[smem:$0x3FAD] =	sst s10  }
0x35: {  	s10 =	sld [smem:$0x3FAC];
	_ =	sdelay $0x3  }
0x36: {  	p1 =	seq.s32 s10, $0x1;
	s10 =	sld [smem:$0x3FAD];
	_ =	sdelay $0x3  }
0x37: {  	[smem:$0x3FAD] =	sst s10  }
0x38: {  	s10 =	sld [smem:$0x3FAE]  }
0x39: {  	_ = 	snop;
	(pc) =	sbr.ind lr, $3  }
0x3a: {  	_ = 	snop  }
0x3b: {  	_ = 	snop  }
0x3c: {  	p2 =	seq.s32 s10, $0x1;
	s10 =	sld [smem:$0x3FAD]  }
0x3d: {  	_ =	shalt  }
0x3e: {  	_ =	shalt  }
0x3f: {  	_ =	shalt  }
0x40: {  	_ =	shalt  }
0x41: {  	_ =	shalt  }
0x42: {  	_ =	shalt  }
0x43: {  	_ =	shalt  }
0x44: {  	_ =	shalt  }
0x45: {  	_ =	shalt  }
0x46: {  	_ =	shalt  }
0x47: {  	_ =	shalt  }
0x48: {  	_ =	shalt  }
0x49: {  	_ =	shalt  }
0x4a: {  	_ =	shalt  }
0x4b: {  	_ =	shalt  }
0x4c: {  	_ =	shalt  }
0x4d: {  	_ =	shalt  }
0x4e: {  	_ =	shalt  }
0x4f: {  	_ =	shalt  }
0x50: {  	_ =	shalt  }
0x51: {  	_ =	shalt  }
0x52: {  	_ =	shalt  }
0x53: {  	_ =	shalt  }
0x54: {  	_ =	shalt  }
0x55: {  	_ =	shalt  }
0x56: {  	_ =	shalt  }
0x57: {  	_ =	shalt  }
0x58: {  	_ =	shalt  }
0x59: {  	_ =	shalt  }
0x5a: {  	_ =	shalt  }
0x5b: {  	_ =	shalt  }
0x5c: {  	_ =	shalt  }
0x5d: {  	_ =	shalt  }
0x5e: {  	_ =	shalt  }
0x5f: {  	_ =	shalt  }
0x60: {  	_ =	shalt  }
0x61: {  	_ =	shalt  }
0x62: {  	_ =	shalt  }
0x63: {  	_ =	shalt  }
0x64: {  	_ =	shalt  }
0x65: {  	_ =	shalt  }
0x66: {  	_ =	shalt  }
0x67: {  	_ =	shalt  }
0x68: {  	_ =	shalt  }
0x69: {  	_ =	shalt  }
0x6a: {  	_ =	shalt  }
0x6b: {  	_ =	shalt  }
0x6c: {  	_ =	shalt  }
0x6d: {  	_ =	shalt  }
0x6e: {  	_ =	shalt  }
0x6f: {  	_ =	shalt  }
0x70: {  	_ =	shalt  }
0x71: {  	_ =	shalt  }
0x72: {  	_ =	shalt  }
0x73: {  	_ =	shalt  }
0x74: {  	_ =	shalt  }
0x75: {  	_ =	shalt  }
0x76: {  	_ =	shalt  }
0x77: {  	_ =	shalt  }
0x78: {  	_ =	shalt  }
0x79: {  	_ =	shalt  }
0x7a: {  	_ =	shalt  }
0x7b: {  	_ =	shalt  }
0x7c: {  	_ =	shalt  }
0x7d: {  	_ =	shalt  }
0x7e: {  	_ =	shalt  }
0x7f: {  	_ =	shalt  }
0x80: {  	_ =	shalt  }
0x81: {  	_ =	shalt  }
0x82: {  	_ =	shalt  }
0x83: {  	_ =	shalt  }
0x84: {  	_ =	shalt  }
0x85: {  	_ =	shalt  }
0x86: {  	_ =	shalt  }
0x87: {  	_ =	shalt  }
.Lfunc_end0:
.L_simem_size_0:
called_computation.2_lowered:
.L_overlay_start_0:
0x88: {  	s2 =	sld [smem:$0x3FD9]  }
0x89: {  	s3 =	sld [smem:$0x3FFE];
	_ =	sdelay $0x1  }
0x8a: {  	s1 =	srdreg.scid  }
0x8b: {  	s0 =	sand.u32 $0x1, s1  }
0x8c: {  	s16 =	sshll.u32 s0, $0xA;
	s2 =	sadd.s32 s3, s2  }
0x8d: {  	s2 =	sadd.s32 s2, s16  }
0x8e: {  	[smem:$0x3FB9] =	sst s2  }
0x8f: {  	_ = 	snop  }
0x90: {  	(tm) =	ssettm $0x1  }
0x91: {  	s17 =	sld [smem:$0x3FFB];
	_ =	sdelay $0x3  }
0x92: {  	_ =	strace s17  }
0x93: {  	s2 =	sld [smem:$0x3FFC];
	_ =	sdelay $0x3  }
0x94: {  	_ =	strace s2  }
0x95: {  	s2 =	sld [smem:$0x3FFD];
	_ =	sdelay $0x3  }
0x96: {  	_ =	strace s2  }
0x97: {  	_ =	strace $0x8FFFFFFF  }
0x98: {  	s18 =	sld [smem:$0x3FDB];
	_ =	sdelay $0x1  }
0x99: {  	s19 =	simm.s32 $_scs_section_size  }
0x9a: {  	s4 =	simm.s32 $_size__tile_overlayer_lowered;
	s5 =	simm.s32 $_tile_overlayer_lowered  }
0x9b: {  	s22 =	simm.s32 $0x1BFF;
	s21 =	sshll.u32 s5, $0x1;
	s2 =	sadd.s32 s19, s18  }
0x9c: {  	s6 =	simm.s32 $0x0;
	s20 =	sshll.u32 s4, $0x1;
	s4 =	sadd.s32 s21, s2  }
0x9d: {  	[timem:s6], [sflag:s22] =	dma.local [hbm:s4], s20  }
0x9e: {  	_ =	swait.ge [sflag:s22], s20  }
0x9f: {  	s3 =	ssub.s32 $0x0, s20;
	[sflag:s22] =	ssyncset.done $0x0  }
0xa0: {  	[sflag:s22] =	ssyncadd.s32 s3;
	_ =	sdelay $0x1  }
0xa1: {  	s23 =	simm.s32 $0x1B8B  }
0xa2: {  	_ =	swait.ge [sflag:s23], $0x1  }
0xa3: {  	[sflag:s23] =	ssyncset.done $0x0  }
0xa4: {  	s25 =	simm.s32 $0x1B8E;
	s24 =	sld [smem:$0x3FFE];
	[sflag:s23] =	ssyncadd.s32 $0xFFFFFFFF  }
0xa5: {  	s26 =	simm.s32 $execute0_lowered;
	[smem:$0x3FD2] =	sst s25  }
0xa6: {  	s4 =	sshll.u32 s26, $0x1;
	_ =	strace $0x8000004C;
	[dreg:$0x1] =	wrdreg $0xFFFFFFFF  }
0xa7: {  	s28 =	simm.s32 $_size_execute0_lowered;
	s2 =	sadd.s32 s2, s4;
	[dreg:$0x0] =	wrdreg $0x0  }
0xa8: {  	s4 =	sshll.u32 s28, $0x1;
	[dreg:$0x2] =	wrdreg s2  }
0xa9: {  	[dreg:$0x3] =	wrdreg s4  }
0xaa: {  	[dreg:$0x4] =	wrdreg $0xC0  }
0xab: {  	_ =	task [dreg:s6], $0x5FFFF  }
0xac: {  	[dreg:$0x1] =	wrdreg $0xFFFFFFFF  }
0xad: {  	[dreg:$0x0] =	wrdreg $0x60  }
0xae: {  	[dreg:$0x2] =	wrdreg s24  }
0xaf: {  	[dreg:$0x3] =	wrdreg $0xA8000  }
0xb0: {  	[dreg:$0x4] =	wrdreg $0x9  }
0xb1: {  	_ =	task.clear_ibuf [dreg:s6], $0x5FFFF;
	_ =	strace $0x9000004C  }
0xb2: {  	s29 =	simm.s32 $0x9;
	_ =	strace $0x8000004E  }
0xb3: {  	_ =	swait.ge [sflag:s29], $0x1  }
0xb4: {  	[sflag:s29] =	ssyncadd.s32 $0xFFFFFFFF  }
0xb5: {  	_ =	strace $0x9000004E  }
0xb6: {  	_ =	sfence  }
0xb7: {  	s30 =	sld [smem:$0x0];
	_ =	sdelay $0x2  }
0xb8: {  	s31 =	sshll.u32 s1, $0xD;
	s1 =	sshrl.u32 s1, $0x2  }
0xb9: {  	s3 =	sand.u32 $0x4000, s31;
	s1 =	sadd.s32 s1, s30  }
0xba: {  	s0 =	sor.u32 s3, s0;
	s1 =	sshll.u32 s1, $0x11  }
0xbb: {  	s0 =	sor.u32 s1, s0  }
0xbc: {  	s0 =	sadd.s32 $0x8F2B, s0  }
0xbd: {  	[sflag:s0] =	ssyncadd.remote.s32 $0x1  }
0xbe: {  	_ =	sfence.sel $0xFFFF  }
0xbf: {  	[dreg:$0x0] =	wrdreg $0xFFFFFFFF;
	(pc) =	sbr.abs _section_cstart, $3  }
0xc0: {  	[dreg:$0x1] =	wrdreg $0xFFFFFFFF  }
0xc1: {  	_ =	task.clear_ibuf [dreg:s6], $0x2FFFF;
	_ =	strace $0x9FFFFFFF  }
0xc2: {  	(tm) =	ssettm $0x7FFFFFFF  }
0xc3: {  	_ =	shalt  }
tec
execute0_lowered:
.L_overlay_start_1:
0x0: {  	(tag) =	ssettag $0x1  }
0x1: {  	s1 =	srdreg.scid;
	s7 =	rddreg [dreg:$0x0]  }
0x2: {  	s0 =	stileid.u32;
	s2 =	rddreg [dreg:$0x1]  }
0x3: {  	s3 =	simm.s32 $0x0;
	s14 =	simm.s32 $0x80;
	s15 =	simm.s32 $0x2800  }
0x4: {  	s16 =	simm.s32 $0x6800;
	s17 =	simm.s32 $0x1;
	s18 =	simm.s32 $0x0  }
0x5: {  	s6 =	sand.u32 $0x1, s1;
	s28 =	sshll.u32 s0, $0x1;
	s8 =	smul.u32 $0x14000, s0  }
0x6: {  	[smem:$0x7FF] =	sst s3;
	s10 =	smul.u32 $0x50000, s0;
	s31 =	sshll.u32 s0, $0x6  }
0x7: {  	s1 =	sor.u32 s6, s28;
	s5 =	smul.u32 $0x140000, s6;
	s6 =	ssub.s32 $0x2, s6  }
0x8: {  	s4 =	smul.u32 $0x280, s1;
	s1 =	rddreg [dreg:$0x2];
	_ =	strace $0x8000004D  }
0x9: {  	s29 =	sshrl.u32 s6, $0x1;
	s30 =	sshrl.u32 s10, $0x2;
	s5 =	sadd.s32 s8, s5  }
0xa: {  	s12 =	ssub.s32 s6, s29;
	s13 =	sadd.s32 s30, s2;
	s6 =	sor.u32 $0x1C02, s31  }
0xb: {  	s9 =	sadd.s32 s4, s7;
	s4 =	sadd.s32 $0xC600, s7;
	s8 =	sshrl.u32 s5, $0x3  }
0xc: {  	s5 =	sadd.s32 $0x5C600, s7;
	s10 =	smax.u32 s12, $0x1;
	s12 =	simm.s32 $0x2  }
0xd: {  	s11 =	sadd.s32 s8, s7;
	s7 =	sadd.s32 $0xAEE00, s9;
	s8 =	sadd.s32 $0x7600, s9  }
0xe: {  	s9 =	sadd.s32 $0x5EE00, s11;
	s11 =	sshrl.u32 s13, $0x3;
	s13 =	simm.s32 $0x1400  }
.LBB2_1:
0xf: {  	[spmem:s11], [sflag:s6] =	dma.local [hbm:s5], $0x2800  }
0x10: {  	_ =	swait.ge [sflag:s12], $0x2800  }
0x11: {  	[sflag:s12] =	ssyncset.done $0x0  }
0x12: {  	[sflag:s12] =	ssyncadd.s32 $0xFFFFD800  }
0x13: {  	[tilespmem:s3], [sflag:$0x2] =	stream.linear.gather [hbm4b:s7+s3], $0x1400, $0x38;
	[tilespmem:$0x1E800] =	vst v63  }
0x14: {  	_ =	swait.ge [sflag:s12], $0x1400  }
0x15: {  	[sflag:s12] =	ssyncset.done $0x0  }
0x16: {  	[sflag:s12] =	ssyncadd.s32 $0xFFFFEC00  }
0x17: {  	[tilespmem:s13], [sflag:$0x2] =	stream.linear.gather [hbm4b:s8+s3], $0x1400, $0x38;
	[tilespmem:$0x1E800] =	vst v63  }
0x18: {  	_ =	swait.ge [sflag:s12], $0x1400  }
0x19: {  	[sflag:s12] =	ssyncset.done $0x0  }
0x1a: {  	[sflag:s12] =	ssyncadd.s32 $0xFFFFEC00  }
0x1b: {  	s19 =	simm.s32 $0x0;
	[bflag:$0x0] =	sbarrier.arrive $0xFFFF  }
0x1c: {  	[tilespmem:s15], [sflag:$0x1] =	stream.indirect.gather [hbm4b:s4+s14], $0x80, s19, s14, $0xb8;
	[tilespmem:$0x1E800] =	vst v63  }
0x1d: {  	s29 =	simm.s32 $0x80  }
0x1e: {  	[tilespmem:s16], [sflag:$0x1] =	stream.indirect.gather [hbm4b:s4+s14], $0x80, s29, s14, $0xb8;
	[tilespmem:$0x1E800] =	vst v63  }
0x1f: {  	_ =	swait.ge [sflag:s17], $0x4000  }
0x20: {  	[sflag:s17] =	ssyncset.done $0x0  }
0x21: {  	[sflag:s17] =	ssyncadd.s32 $0xFFFFC000  }
0x22: {  	_ =	swait.ge [sflag:s17], $0x4000  }
0x23: {  	[sflag:s17] =	ssyncset.done $0x0  }
0x24: {  	s30 =	simm.s32 $0x1400;
	[sflag:s17] =	ssyncadd.s32 $0xFFFFC000  }
0x25: {  	[spmem:s2] =	stream.indirect.scatter.add.f32 [tilespmem:s15], [sflag:$0x2], $0x80, s30, s14, $0xb8;
	[tilespmem:$0x1E800] =	vst v63  }
0x26: {  	_ =	swait.ge [sflag:s12], $0x4000  }
0x27: {  	[sflag:s12] =	ssyncset.done $0x0  }
0x28: {  	s31 =	simm.s32 $0x1480;
	[sflag:s12] =	ssyncadd.s32 $0xFFFFC000  }
0x29: {  	[spmem:s2] =	stream.indirect.scatter.add.f32 [tilespmem:s16], [sflag:$0x2], $0x80, s31, s14, $0xb8;
	[tilespmem:$0x1E800] =	vst v63  }
0x2a: {  	_ =	swait.ge [sflag:s12], $0x4000  }
0x2b: {  	s20 =	simm.s32 $0x800;
	s19 =	simm.s32 $0x400;
	[sflag:s12] =	ssyncset.done $0x0  }
.LBB2_2:
0x2c: {  	s21 =	sshra.s32 s19, $0x2  }
0x2d: {  	[sflag:s12] =	ssyncadd.s32 $0xFFFFC000;
	s19 =	smov.u32 s20;
	s22 =	sadd.s32 $0x400, s20  }
0x2e: {  	[tilespmem:s15], [sflag:$0x1] =	stream.indirect.gather [hbm4b:s4+s14], $0x80, s21, s14, $0xb8;
	[tilespmem:$0x1E800] =	vst v63  }
0x2f: {  	p0 =	sne.s32 s20, $0x4C00;
	s20 =	sadd.s32 $0x80, s21  }
0x30: {  	[tilespmem:s16], [sflag:$0x1] =	stream.indirect.gather [hbm4b:s4+s14], $0x80, s20, s14, $0xb8;
	[tilespmem:$0x1E800] =	vst v63  }
0x31: {  	_ =	swait.ge [sflag:s17], $0x4000  }
0x32: {  	[sflag:s17] =	ssyncset.done $0x0  }
0x33: {  	[sflag:s17] =	ssyncadd.s32 $0xFFFFC000  }
0x34: {  	_ =	swait.ge [sflag:s17], $0x4000  }
0x35: {  	[sflag:s17] =	ssyncset.done $0x0  }
0x36: {  	s20 =	sadd.s32 $0x1400, s21;
	[sflag:s17] =	ssyncadd.s32 $0xFFFFC000  }
0x37: {  	[spmem:s2] =	stream.indirect.scatter.add.f32 [tilespmem:s15], [sflag:$0x2], $0x80, s20, s14, $0xb8;
	[tilespmem:$0x1E800] =	vst v63  }
0x38: {  	_ =	swait.ge [sflag:s12], $0x4000  }
.Ltmp0:
0x39: {  	[sflag:s12] =	ssyncset.done $0x0;
	(pc) =	sbr.rel @p0 .LBB2_2-.Ltmp0, $4  }
0x3a: {  	s20 =	sadd.s32 $0x1480, s21;
	[sflag:s12] =	ssyncadd.s32 $0xFFFFC000  }
0x3b: {  	[spmem:s2] =	stream.indirect.scatter.add.f32 [tilespmem:s16], [sflag:$0x2], $0x80, s20, s14, $0xb8;
	[tilespmem:$0x1E800] =	vst v63  }
0x3c: {  	_ =	swait.ge [sflag:s12], $0x4000  }
0x3d: {  	s20 =	smov.u32 s22;
	[sflag:s12] =	ssyncset.done $0x0  }
0x3e: {  	s19 =	sshra.s32 s19, $0x2;
	[sflag:s12] =	ssyncadd.s32 $0xFFFFC000  }
0x3f: {  	[tilespmem:s15], [sflag:$0x1] =	stream.indirect.gather [hbm4b:s4+s14], $0x80, s19, s14, $0xb8;
	[tilespmem:$0x1E800] =	vst v63  }
0x40: {  	s20 =	sadd.s32 $0x80, s19  }
0x41: {  	[tilespmem:s16], [sflag:$0x1] =	stream.indirect.gather [hbm4b:s4+s14], $0x80, s20, s14, $0xb8;
	[tilespmem:$0x1E800] =	vst v63  }
0x42: {  	_ =	swait.ge [sflag:s17], $0x4000  }
0x43: {  	[sflag:s17] =	ssyncset.done $0x0  }
0x44: {  	[sflag:s17] =	ssyncadd.s32 $0xFFFFC000  }
0x45: {  	_ =	swait.ge [sflag:s17], $0x4000  }
0x46: {  	[sflag:s17] =	ssyncset.done $0x0  }
0x47: {  	s31 =	sadd.s32 $0x1400, s19;
	[sflag:s17] =	ssyncadd.s32 $0xFFFFC000  }
0x48: {  	[spmem:s2] =	stream.indirect.scatter.add.f32 [tilespmem:s15], [sflag:$0x2], $0x80, s31, s14, $0xb8;
	[tilespmem:$0x1E800] =	vst v63  }
0x49: {  	_ =	swait.ge [sflag:s12], $0x4000  }
0x4a: {  	[sflag:s12] =	ssyncset.done $0x0  }
0x4b: {  	s19 =	sadd.s32 $0x1480, s19;
	[sflag:s12] =	ssyncadd.s32 $0xFFFFC000  }
0x4c: {  	[spmem:s2] =	stream.indirect.scatter.add.f32 [tilespmem:s16], [sflag:$0x2], $0x80, s19, s14, $0xb8;
	[tilespmem:$0x1E800] =	vst v63  }
0x4d: {  	_ =	swait.ge [sflag:s12], $0x4000  }
0x4e: {  	s18 =	sadd.s32 $0x1, s18;
	[sflag:s12] =	ssyncset.done $0x0  }
0x4f: {  	p0 =	sne.s32 s18, s10;
	[sflag:s12] =	ssyncadd.s32 $0xFFFFC000  }
.Ltmp1:
0x50: {  	[bflag:$0x0] =	sbarrier.arrive $0xFFFF;
	(pc) =	sbr.rel @p0 .LBB2_1-.Ltmp1, $4  }
0x51: {  	[hbm:s9], [sflag:s6] =	dma.local [spmem:s11], $0x2800  }
0x52: {  	_ =	swait.ge [sflag:s12], $0x2800  }
0x53: {  	[sflag:s12] =	ssyncset.done $0x0  }
0x54: {  	[sflag:s12] =	ssyncadd.s32 $0xFFFFD800  }
0x55: {  	_ =	sfence.sel $0x180000  }
0x56: {  	[bflag:$0x0] =	sbarrier.arrive $0xFFFF  }
0x57: {  	p0 =	sne.s32 s0, $0x0;
	_ =	strace $0x9000004D  }
0x58: {  	s0 =	sadd.s32 @!p0 $0x100000, s1;
	[bflag:$0x2] =	sbarrier.arrive $0xFFFF  }
0x59: {  	[sflag:s0] =	ssyncadd.tile.s32 @!p0 $0x1;
	_ =	shalt  }
.Lfunc_end2:
_tile_overlayer_lowered:
.L_overlay_start_2:
0x5a: {  	(tag) =	ssettag $0x2  }
0x5b: {  	s0 =	rddreg [dreg:$0x0];
	s2 =	stileid.u32  }
0x5c: {  	s1 =	rddreg [dreg:$0x1];
	p0 =	sne.s32 s2, $0x0  }
0x5d: {  	s3 =	rddreg [dreg:$0x2];
	[bflag:$0x3] =	sbarrier.arrive $0xFFFF;
	s2 =	simm.s32 @!p0 $0x1C02  }
0x5e: {  	[timem:s3], [sflag:s2] =	dma.local @!p0 [hbm:s0], s1  }
0x5f: {  	s0 =	simm.s32 @!p0 $0x2  }
0x60: {  	_ =	swait.ge @!p0 [sflag:s0], s1  }
0x61: {  	s1 =	ssub.s32 @!p0 $0x0, s1;
	[sflag:s0] =	ssyncset.done @!p0 $0x0  }
0x62: {  	[sflag:s0] =	ssyncadd.s32 @!p0 s1  }
0x63: {  	[bflag:$0x3] =	sbarrier.arrive $0xFFFF  }
0x64: {  	_ =	shalt  }

// kernel: kernel.22.cloned.1.call-start
scs
__scs_entry_jumppad:
0x0: {  	(pc) =	sbr.rel $0x88, $3  }
0x1: {  	(tag) =	ssettag $0x0;
	lr =	simm.s32 $0x1  }
0x2: {  	[smem:$0x3F92] =	sst lr;
	_ =	strace $0xD0000000  }
0x3: {  	_ = 	snop  }
0x4: {  	_ = 	snop  }
0x5: {  	_ = 	snop  }
0x6: {  	_ = 	snop  }
0x7: {  	_ = 	snop  }
__scs_overlays_trampoline_lowered:
0x8: {  	[smem:$0x3FA1] =	sst s0  }
0x9: {  	[smem:$0x3FA2] =	sst s1  }
0xa: {  	[smem:$0x3FA3] =	sst s2  }
0xb: {  	[smem:$0x3FA4] =	sst s3  }
0xc: {  	[smem:$0x3FA5] =	sst s4  }
0xd: {  	[smem:$0x3FA6] =	sst s5  }
0xe: {  	[smem:$0x3FA7] =	sst s6  }
0xf: {  	[smem:$0x3FA8] =	sst s7  }
0x10: {  	[smem:$0x3FA9] =	sst s8  }
0x11: {  	[smem:$0x3FAA] =	sst s9;
	s0 =	simm.s32 @!p0 $0x0  }
0x12: {  	s1 =	sld [smem:$0x3F90];
	s0 =	simm.s32 @p0 $0x1  }
0x13: {  	[smem:$0x3FAB] =	sst s0;
	s0 =	simm.s32 @!p1 $0x0  }
0x14: {  	s2 =	sld [smem:$0x3F8F];
	s0 =	simm.s32 @p1 $0x1  }
0x15: {  	[smem:$0x3FAC] =	sst s0;
	s0 =	simm.s32 @!p2 $0x0  }
0x16: {  	s3 =	sld [smem:$0x3FDB];
	s0 =	simm.s32 @p2 $0x1  }
0x17: {  	s4 =	simm.s32 $0x1BF5;
	[smem:$0x3FAE] =	sst s0  }
0x18: {  	s0 =	sld [smem:$0x3F91];
	_ =	swait.ge [sflag:s4], $0x0  }
0x19: {  	s7 =	sld [smem:$0x3F92]  }
0x1a: {  	s8 =	sadd.s32 $0xFFFFE003, lr  }
0x1b: {  	s9 =	sadd.s32 $0xFFFFFEF7, lr;
	s5 =	simm.s32 $0xFFFFFFFF;
	p2 =	slt.u32 s8, $0xFFFFF086  }
0x1c: {  	p1 =	slt.u32 s9, $0xF7A;
	s5 =	simm.s32 @!p2 $0x0  }
0x1d: {  	s5 =	simm.s32 @p1 $0x1;
	p0 =	seq.s32 s7, s2  }
0x1e: {  	s7 =	smul.u32 @!p0 $0xF7A, s2;
	p2 =	seq.s32 @!p0 s5, $0x0  }
0x1f: {  	s9 =	smul.u32 $0xF7A, s1;
	s8 =	simm.s32 @!p0 $0x1BF5;
	p2 =	por !p2, p0  }
0x20: {  	[sflag:s8] =	ssyncset.s32 @!p0 $0xFFFFF086;
	s6 =	sadd.s32 @!p0 s3, s7;
	s7 =	simm.s32 @!p0 $0x108  }
0x21: {  	s3 =	sadd.s32 s3, s9;
	s6 =	sadd.s32 @!p0 $0x88, s6;
	s7 =	simm.s32 @p2 $0x1082  }
0x22: {  	[simem:s7], [sflag:s8] =	dma.local @!p0 [hbm:s6], $0xF7A  }
0x23: {  	s9 =	sor.u32 $0xD0000000, s2;
	s6 =	simm.s32 $0x108;
	_ =	swait.ge @!p0 [sflag:s8], $0x0  }
0x24: {  	s3 =	sadd.s32 $0x88, s3;
	s6 =	simm.s32 @!p1 $0x1082;
	[sflag:s4] =	ssyncset.s32 $0xFFFFF086  }
0x25: {  	[simem:s6], [sflag:s4] =	dma.local [hbm:s3], $0xF7A  }
0x26: {  	[smem:$0x3F92] =	sst s1;
	(tag) =	ssettag s2;
	_ =	strace s9  }
0x27: {  	s1 =	sld [smem:$0x3FA2]  }
0x28: {  	s2 =	sld [smem:$0x3FA3]  }
0x29: {  	s4 =	sld [smem:$0x3FA5]  }
0x2a: {  	p0 =	seq.s32 s5, $0x0;
	s5 =	sld [smem:$0x3FA6]  }
0x2b: {  	s6 =	sld [smem:$0x3FA7]  }
0x2c: {  	s7 =	sld [smem:$0x3FA8]  }
0x2d: {  	s3 =	simm.s32 $0x108;
	s8 =	sld [smem:$0x3FA9]  }
0x2e: {  	s3 =	simm.s32 @!p0 $0x1082;
	s9 =	sld [smem:$0x3FAA]  }
0x2f: {  	lr =	sadd.s32 s0, s3;
	s0 =	sld [smem:$0x3FA1]  }
0x30: {  	s3 =	sld [smem:$0x3FA4]  }
0x31: {  	[smem:$0x3FAD] =	sst s10  }
0x32: {  	s10 =	sld [smem:$0x3FAB];
	_ =	sdelay $0x3  }
0x33: {  	p0 =	seq.s32 s10, $0x1;
	s10 =	sld [smem:$0x3FAD];
	_ =	sdelay $0x3  }
0x34: {  	[smem:$0x3FAD] =	sst s10  }
0x35: {  	s10 =	sld [smem:$0x3FAC];
	_ =	sdelay $0x3  }
0x36: {  	p1 =	seq.s32 s10, $0x1;
	s10 =	sld [smem:$0x3FAD];
	_ =	sdelay $0x3  }
0x37: {  	[smem:$0x3FAD] =	sst s10  }
0x38: {  	s10 =	sld [smem:$0x3FAE]  }
0x39: {  	_ = 	snop;
	(pc) =	sbr.ind lr, $3  }
0x3a: {  	_ = 	snop  }
0x3b: {  	_ = 	snop  }
0x3c: {  	p2 =	seq.s32 s10, $0x1;
	s10 =	sld [smem:$0x3FAD]  }
0x3d: {  	_ =	shalt  }
0x3e: {  	_ =	shalt  }
0x3f: {  	_ =	shalt  }
0x40: {  	_ =	shalt  }
0x41: {  	_ =	shalt  }
0x42: {  	_ =	shalt  }
0x43: {  	_ =	shalt  }
0x44: {  	_ =	shalt  }
0x45: {  	_ =	shalt  }
0x46: {  	_ =	shalt  }
0x47: {  	_ =	shalt  }
0x48: {  	_ =	shalt  }
0x49: {  	_ =	shalt  }
0x4a: {  	_ =	shalt  }
0x4b: {  	_ =	shalt  }
0x4c: {  	_ =	shalt  }
0x4d: {  	_ =	shalt  }
0x4e: {  	_ =	shalt  }
0x4f: {  	_ =	shalt  }
0x50: {  	_ =	shalt  }
0x51: {  	_ =	shalt  }
0x52: {  	_ =	shalt  }
0x53: {  	_ =	shalt  }
0x54: {  	_ =	shalt  }
0x55: {  	_ =	shalt  }
0x56: {  	_ =	shalt  }
0x57: {  	_ =	shalt  }
0x58: {  	_ =	shalt  }
0x59: {  	_ =	shalt  }
0x5a: {  	_ =	shalt  }
0x5b: {  	_ =	shalt  }
0x5c: {  	_ =	shalt  }
0x5d: {  	_ =	shalt  }
0x5e: {  	_ =	shalt  }
0x5f: {  	_ =	shalt  }
0x60: {  	_ =	shalt  }
0x61: {  	_ =	shalt  }
0x62: {  	_ =	shalt  }
0x63: {  	_ =	shalt  }
0x64: {  	_ =	shalt  }
0x65: {  	_ =	shalt  }
0x66: {  	_ =	shalt  }
0x67: {  	_ =	shalt  }
0x68: {  	_ =	shalt  }
0x69: {  	_ =	shalt  }
0x6a: {  	_ =	shalt  }
0x6b: {  	_ =	shalt  }
0x6c: {  	_ =	shalt  }
0x6d: {  	_ =	shalt  }
0x6e: {  	_ =	shalt  }
0x6f: {  	_ =	shalt  }
0x70: {  	_ =	shalt  }
0x71: {  	_ =	shalt  }
0x72: {  	_ =	shalt  }
0x73: {  	_ =	shalt  }
0x74: {  	_ =	shalt  }
0x75: {  	_ =	shalt  }
0x76: {  	_ =	shalt  }
0x77: {  	_ =	shalt  }
0x78: {  	_ =	shalt  }
0x79: {  	_ =	shalt  }
0x7a: {  	_ =	shalt  }
0x7b: {  	_ =	shalt  }
0x7c: {  	_ =	shalt  }
0x7d: {  	_ =	shalt  }
0x7e: {  	_ =	shalt  }
0x7f: {  	_ =	shalt  }
0x80: {  	_ =	shalt  }
0x81: {  	_ =	shalt  }
0x82: {  	_ =	shalt  }
0x83: {  	_ =	shalt  }
0x84: {  	_ =	shalt  }
0x85: {  	_ =	shalt  }
0x86: {  	_ =	shalt  }
0x87: {  	_ =	shalt  }
.Lfunc_end0:
.L_simem_size_0:
called_computation.3_lowered:
.L_overlay_start_0:
0x88: {  	s2 =	sld [smem:$0x3FD9]  }
0x89: {  	s3 =	sld [smem:$0x3FFE];
	_ =	sdelay $0x1  }
0x8a: {  	s1 =	srdreg.scid  }
0x8b: {  	s0 =	sand.u32 $0x1, s1  }
0x8c: {  	s16 =	sshll.u32 s0, $0xA;
	s2 =	sadd.s32 s3, s2  }
0x8d: {  	s2 =	sadd.s32 s2, s16  }
0x8e: {  	[smem:$0x3FB9] =	sst s2  }
0x8f: {  	_ = 	snop  }
0x90: {  	(tm) =	ssettm $0x1  }
0x91: {  	s17 =	sld [smem:$0x3FFB];
	_ =	sdelay $0x3  }
0x92: {  	_ =	strace s17  }
0x93: {  	s2 =	sld [smem:$0x3FFC];
	_ =	sdelay $0x3  }
0x94: {  	_ =	strace s2  }
0x95: {  	s2 =	sld [smem:$0x3FFD];
	_ =	sdelay $0x3  }
0x96: {  	_ =	strace s2  }
0x97: {  	_ =	strace $0x8FFFFFFF  }
0x98: {  	s18 =	sld [smem:$0x3FDB];
	_ =	sdelay $0x1  }
0x99: {  	s19 =	simm.s32 $_scs_section_size  }
0x9a: {  	s4 =	simm.s32 $_size__tile_overlayer_lowered;
	s5 =	simm.s32 $_tile_overlayer_lowered  }
0x9b: {  	s22 =	simm.s32 $0x1BFF;
	s21 =	sshll.u32 s5, $0x1;
	s2 =	sadd.s32 s19, s18  }
0x9c: {  	s6 =	simm.s32 $0x0;
	s20 =	sshll.u32 s4, $0x1;
	s4 =	sadd.s32 s21, s2  }
0x9d: {  	[timem:s6], [sflag:s22] =	dma.local [hbm:s4], s20  }
0x9e: {  	_ =	swait.ge [sflag:s22], s20  }
0x9f: {  	s3 =	ssub.s32 $0x0, s20;
	[sflag:s22] =	ssyncset.done $0x0  }
0xa0: {  	[sflag:s22] =	ssyncadd.s32 s3;
	_ =	sdelay $0x1  }
0xa1: {  	s23 =	simm.s32 $0x1B8B  }
0xa2: {  	_ =	swait.ge [sflag:s23], $0x1  }
0xa3: {  	[sflag:s23] =	ssyncset.done $0x0  }
0xa4: {  	s25 =	simm.s32 $0x1B8E;
	s24 =	sld [smem:$0x3FFE];
	[sflag:s23] =	ssyncadd.s32 $0xFFFFFFFF  }
0xa5: {  	s26 =	simm.s32 $execute0_lowered;
	[smem:$0x3FD2] =	sst s25  }
0xa6: {  	s4 =	sshll.u32 s26, $0x1;
	_ =	strace $0x8000004F;
	[dreg:$0x1] =	wrdreg $0xFFFFFFFF  }
0xa7: {  	s28 =	simm.s32 $_size_execute0_lowered;
	s2 =	sadd.s32 s2, s4;
	[dreg:$0x0] =	wrdreg $0x0  }
0xa8: {  	s4 =	sshll.u32 s28, $0x1;
	[dreg:$0x2] =	wrdreg s2  }
0xa9: {  	[dreg:$0x3] =	wrdreg s4  }
0xaa: {  	[dreg:$0x4] =	wrdreg $0xC0  }
0xab: {  	_ =	task [dreg:s6], $0x5FFFF  }
0xac: {  	[dreg:$0x1] =	wrdreg $0xFFFFFFFF  }
0xad: {  	[dreg:$0x0] =	wrdreg $0x60  }
0xae: {  	[dreg:$0x2] =	wrdreg s24  }
0xaf: {  	[dreg:$0x3] =	wrdreg $0xA8000  }
0xb0: {  	[dreg:$0x4] =	wrdreg $0x9  }
0xb1: {  	_ =	task.clear_ibuf [dreg:s6], $0x5FFFF;
	_ =	strace $0x9000004F  }
0xb2: {  	s29 =	simm.s32 $0x9;
	_ =	strace $0x80000051  }
0xb3: {  	_ =	swait.ge [sflag:s29], $0x1  }
0xb4: {  	[sflag:s29] =	ssyncadd.s32 $0xFFFFFFFF  }
0xb5: {  	_ =	strace $0x90000051  }
0xb6: {  	_ =	sfence  }
0xb7: {  	s30 =	sld [smem:$0x0];
	_ =	sdelay $0x2  }
0xb8: {  	s31 =	sshll.u32 s1, $0xD;
	s1 =	sshrl.u32 s1, $0x2  }
0xb9: {  	s3 =	sand.u32 $0x4000, s31;
	s1 =	sadd.s32 s1, s30  }
0xba: {  	s0 =	sor.u32 s3, s0;
	s1 =	sshll.u32 s1, $0x11  }
0xbb: {  	s0 =	sor.u32 s1, s0  }
0xbc: {  	s0 =	sadd.s32 $0x8F2B, s0  }
0xbd: {  	[sflag:s0] =	ssyncadd.remote.s32 $0x1  }
0xbe: {  	_ =	sfence.sel $0xFFFF  }
0xbf: {  	[dreg:$0x0] =	wrdreg $0xFFFFFFFF;
	(pc) =	sbr.abs _section_cstart, $3  }
0xc0: {  	[dreg:$0x1] =	wrdreg $0xFFFFFFFF  }
0xc1: {  	_ =	task.clear_ibuf [dreg:s6], $0x2FFFF;
	_ =	strace $0x9FFFFFFF  }
0xc2: {  	(tm) =	ssettm $0x7FFFFFFF  }
0xc3: {  	_ =	shalt  }
tec
execute0_lowered:
.L_overlay_start_1:
0x0: {  	(tag) =	ssettag $0x1  }
0x1: {  	s1 =	srdreg.scid;
	s7 =	rddreg [dreg:$0x0]  }
0x2: {  	s0 =	stileid.u32;
	s2 =	rddreg [dreg:$0x1]  }
0x3: {  	s3 =	simm.s32 $0x0;
	s14 =	simm.s32 $0x80;
	s15 =	simm.s32 $0x2800  }
0x4: {  	s16 =	simm.s32 $0x6800;
	s17 =	simm.s32 $0x1;
	s18 =	simm.s32 $0x0  }
0x5: {  	s6 =	sand.u32 $0x1, s1;
	s28 =	sshll.u32 s0, $0x1;
	s8 =	smul.u32 $0x14000, s0  }
0x6: {  	[smem:$0x7FF] =	sst s3;
	s10 =	smul.u32 $0x50000, s0;
	s31 =	sshll.u32 s0, $0x6  }
0x7: {  	s1 =	sor.u32 s6, s28;
	s5 =	smul.u32 $0x140000, s6;
	s6 =	ssub.s32 $0x2, s6  }
0x8: {  	s4 =	smul.u32 $0x280, s1;
	s1 =	rddreg [dreg:$0x2];
	_ =	strace $0x80000050  }
0x9: {  	s29 =	sshrl.u32 s6, $0x1;
	s30 =	sshrl.u32 s10, $0x2;
	s5 =	sadd.s32 s8, s5  }
0xa: {  	s12 =	ssub.s32 s6, s29;
	s13 =	sadd.s32 s30, s2;
	s6 =	sor.u32 $0x1C02, s31  }
0xb: {  	s9 =	sadd.s32 s4, s7;
	s4 =	sadd.s32 $0xC600, s7;
	s8 =	sshrl.u32 s5, $0x3  }
0xc: {  	s5 =	sadd.s32 $0x5C600, s7;
	s10 =	smax.u32 s12, $0x1;
	s12 =	simm.s32 $0x2  }
0xd: {  	s11 =	sadd.s32 s8, s7;
	s7 =	sadd.s32 $0xAEE00, s9;
	s8 =	sadd.s32 $0x7600, s9  }
0xe: {  	s9 =	sadd.s32 $0x5EE00, s11;
	s11 =	sshrl.u32 s13, $0x3;
	s13 =	simm.s32 $0x1400  }
.LBB2_1:
0xf: {  	[spmem:s11], [sflag:s6] =	dma.local [hbm:s5], $0x2800  }
0x10: {  	_ =	swait.ge [sflag:s12], $0x2800  }
0x11: {  	[sflag:s12] =	ssyncset.done $0x0  }
0x12: {  	[sflag:s12] =	ssyncadd.s32 $0xFFFFD800  }
0x13: {  	[tilespmem:s3], [sflag:$0x2] =	stream.linear.gather [hbm4b:s7+s3], $0x1400, $0x38;
	[tilespmem:$0x1E800] =	vst v63  }
0x14: {  	_ =	swait.ge [sflag:s12], $0x1400  }
0x15: {  	[sflag:s12] =	ssyncset.done $0x0  }
0x16: {  	[sflag:s12] =	ssyncadd.s32 $0xFFFFEC00  }
0x17: {  	[tilespmem:s13], [sflag:$0x2] =	stream.linear.gather [hbm4b:s8+s3], $0x1400, $0x38;
	[tilespmem:$0x1E800] =	vst v63  }
0x18: {  	_ =	swait.ge [sflag:s12], $0x1400  }
0x19: {  	[sflag:s12] =	ssyncset.done $0x0  }
0x1a: {  	[sflag:s12] =	ssyncadd.s32 $0xFFFFEC00  }
0x1b: {  	s19 =	simm.s32 $0x0;
	[bflag:$0x0] =	sbarrier.arrive $0xFFFF  }
0x1c: {  	[tilespmem:s15], [sflag:$0x1] =	stream.indirect.gather [hbm4b:s4+s14], $0x80, s19, s14, $0xb8;
	[tilespmem:$0x1E800] =	vst v63  }
0x1d: {  	s29 =	simm.s32 $0x80  }
0x1e: {  	[tilespmem:s16], [sflag:$0x1] =	stream.indirect.gather [hbm4b:s4+s14], $0x80, s29, s14, $0xb8;
	[tilespmem:$0x1E800] =	vst v63  }
0x1f: {  	_ =	swait.ge [sflag:s17], $0x4000  }
0x20: {  	[sflag:s17] =	ssyncset.done $0x0  }
0x21: {  	[sflag:s17] =	ssyncadd.s32 $0xFFFFC000  }
0x22: {  	_ =	swait.ge [sflag:s17], $0x4000  }
0x23: {  	[sflag:s17] =	ssyncset.done $0x0  }
0x24: {  	s30 =	simm.s32 $0x1400;
	[sflag:s17] =	ssyncadd.s32 $0xFFFFC000  }
0x25: {  	[spmem:s2] =	stream.indirect.scatter.add.f32 [tilespmem:s15], [sflag:$0x2], $0x80, s30, s14, $0xb8;
	[tilespmem:$0x1E800] =	vst v63  }
0x26: {  	_ =	swait.ge [sflag:s12], $0x4000  }
0x27: {  	[sflag:s12] =	ssyncset.done $0x0  }
0x28: {  	s31 =	simm.s32 $0x1480;
	[sflag:s12] =	ssyncadd.s32 $0xFFFFC000  }
0x29: {  	[spmem:s2] =	stream.indirect.scatter.add.f32 [tilespmem:s16], [sflag:$0x2], $0x80, s31, s14, $0xb8;
	[tilespmem:$0x1E800] =	vst v63  }
0x2a: {  	_ =	swait.ge [sflag:s12], $0x4000  }
0x2b: {  	s20 =	simm.s32 $0x800;
	s19 =	simm.s32 $0x400;
	[sflag:s12] =	ssyncset.done $0x0  }
.LBB2_2:
0x2c: {  	s21 =	sshra.s32 s19, $0x2  }
0x2d: {  	[sflag:s12] =	ssyncadd.s32 $0xFFFFC000;
	s19 =	smov.u32 s20;
	s22 =	sadd.s32 $0x400, s20  }
0x2e: {  	[tilespmem:s15], [sflag:$0x1] =	stream.indirect.gather [hbm4b:s4+s14], $0x80, s21, s14, $0xb8;
	[tilespmem:$0x1E800] =	vst v63  }
0x2f: {  	p0 =	sne.s32 s20, $0x4C00;
	s20 =	sadd.s32 $0x80, s21  }
0x30: {  	[tilespmem:s16], [sflag:$0x1] =	stream.indirect.gather [hbm4b:s4+s14], $0x80, s20, s14, $0xb8;
	[tilespmem:$0x1E800] =	vst v63  }
0x31: {  	_ =	swait.ge [sflag:s17], $0x4000  }
0x32: {  	[sflag:s17] =	ssyncset.done $0x0  }
0x33: {  	[sflag:s17] =	ssyncadd.s32 $0xFFFFC000  }
0x34: {  	_ =	swait.ge [sflag:s17], $0x4000  }
0x35: {  	[sflag:s17] =	ssyncset.done $0x0  }
0x36: {  	s20 =	sadd.s32 $0x1400, s21;
	[sflag:s17] =	ssyncadd.s32 $0xFFFFC000  }
0x37: {  	[spmem:s2] =	stream.indirect.scatter.add.f32 [tilespmem:s15], [sflag:$0x2], $0x80, s20, s14, $0xb8;
	[tilespmem:$0x1E800] =	vst v63  }
0x38: {  	_ =	swait.ge [sflag:s12], $0x4000  }
.Ltmp0:
0x39: {  	[sflag:s12] =	ssyncset.done $0x0;
	(pc) =	sbr.rel @p0 .LBB2_2-.Ltmp0, $4  }
0x3a: {  	s20 =	sadd.s32 $0x1480, s21;
	[sflag:s12] =	ssyncadd.s32 $0xFFFFC000  }
0x3b: {  	[spmem:s2] =	stream.indirect.scatter.add.f32 [tilespmem:s16], [sflag:$0x2], $0x80, s20, s14, $0xb8;
	[tilespmem:$0x1E800] =	vst v63  }
0x3c: {  	_ =	swait.ge [sflag:s12], $0x4000  }
0x3d: {  	s20 =	smov.u32 s22;
	[sflag:s12] =	ssyncset.done $0x0  }
0x3e: {  	s19 =	sshra.s32 s19, $0x2;
	[sflag:s12] =	ssyncadd.s32 $0xFFFFC000  }
0x3f: {  	[tilespmem:s15], [sflag:$0x1] =	stream.indirect.gather [hbm4b:s4+s14], $0x80, s19, s14, $0xb8;
	[tilespmem:$0x1E800] =	vst v63  }
0x40: {  	s20 =	sadd.s32 $0x80, s19  }
0x41: {  	[tilespmem:s16], [sflag:$0x1] =	stream.indirect.gather [hbm4b:s4+s14], $0x80, s20, s14, $0xb8;
	[tilespmem:$0x1E800] =	vst v63  }
0x42: {  	_ =	swait.ge [sflag:s17], $0x4000  }
0x43: {  	[sflag:s17] =	ssyncset.done $0x0  }
0x44: {  	[sflag:s17] =	ssyncadd.s32 $0xFFFFC000  }
0x45: {  	_ =	swait.ge [sflag:s17], $0x4000  }
0x46: {  	[sflag:s17] =	ssyncset.done $0x0  }
0x47: {  	s31 =	sadd.s32 $0x1400, s19;
	[sflag:s17] =	ssyncadd.s32 $0xFFFFC000  }
0x48: {  	[spmem:s2] =	stream.indirect.scatter.add.f32 [tilespmem:s15], [sflag:$0x2], $0x80, s31, s14, $0xb8;
	[tilespmem:$0x1E800] =	vst v63  }
0x49: {  	_ =	swait.ge [sflag:s12], $0x4000  }
0x4a: {  	[sflag:s12] =	ssyncset.done $0x0  }
0x4b: {  	s19 =	sadd.s32 $0x1480, s19;
	[sflag:s12] =	ssyncadd.s32 $0xFFFFC000  }
0x4c: {  	[spmem:s2] =	stream.indirect.scatter.add.f32 [tilespmem:s16], [sflag:$0x2], $0x80, s19, s14, $0xb8;
	[tilespmem:$0x1E800] =	vst v63  }
0x4d: {  	_ =	swait.ge [sflag:s12], $0x4000  }
0x4e: {  	s18 =	sadd.s32 $0x1, s18;
	[sflag:s12] =	ssyncset.done $0x0  }
0x4f: {  	p0 =	sne.s32 s18, s10;
	[sflag:s12] =	ssyncadd.s32 $0xFFFFC000  }
.Ltmp1:
0x50: {  	[bflag:$0x0] =	sbarrier.arrive $0xFFFF;
	(pc) =	sbr.rel @p0 .LBB2_1-.Ltmp1, $4  }
0x51: {  	[hbm:s9], [sflag:s6] =	dma.local [spmem:s11], $0x2800  }
0x52: {  	_ =	swait.ge [sflag:s12], $0x2800  }
0x53: {  	[sflag:s12] =	ssyncset.done $0x0  }
0x54: {  	[sflag:s12] =	ssyncadd.s32 $0xFFFFD800  }
0x55: {  	_ =	sfence.sel $0x180000  }
0x56: {  	[bflag:$0x0] =	sbarrier.arrive $0xFFFF  }
0x57: {  	p0 =	sne.s32 s0, $0x0;
	_ =	strace $0x90000050  }
0x58: {  	s0 =	sadd.s32 @!p0 $0x100000, s1;
	[bflag:$0x2] =	sbarrier.arrive $0xFFFF  }
0x59: {  	[sflag:s0] =	ssyncadd.tile.s32 @!p0 $0x1;
	_ =	shalt  }
.Lfunc_end2:
_tile_overlayer_lowered:
.L_overlay_start_2:
0x5a: {  	(tag) =	ssettag $0x2  }
0x5b: {  	s0 =	rddreg [dreg:$0x0];
	s2 =	stileid.u32  }
0x5c: {  	s1 =	rddreg [dreg:$0x1];
	p0 =	sne.s32 s2, $0x0  }
0x5d: {  	s3 =	rddreg [dreg:$0x2];
	[bflag:$0x3] =	sbarrier.arrive $0xFFFF;
	s2 =	simm.s32 @!p0 $0x1C02  }
0x5e: {  	[timem:s3], [sflag:s2] =	dma.local @!p0 [hbm:s0], s1  }
0x5f: {  	s0 =	simm.s32 @!p0 $0x2  }
0x60: {  	_ =	swait.ge @!p0 [sflag:s0], s1  }
0x61: {  	s1 =	ssub.s32 @!p0 $0x0, s1;
	[sflag:s0] =	ssyncset.done @!p0 $0x0  }
0x62: {  	[sflag:s0] =	ssyncadd.s32 @!p0 s1  }
0x63: {  	[bflag:$0x3] =	sbarrier.arrive $0xFFFF  }
0x64: {  	_ =	shalt  }

// kernel: kernel.25.cloned.1.call-start
scs
__scs_entry_jumppad:
0x0: {  	(pc) =	sbr.rel $0x88, $3  }
0x1: {  	(tag) =	ssettag $0x0;
	lr =	simm.s32 $0x1  }
0x2: {  	[smem:$0x3F92] =	sst lr;
	_ =	strace $0xD0000000  }
0x3: {  	_ = 	snop  }
0x4: {  	_ = 	snop  }
0x5: {  	_ = 	snop  }
0x6: {  	_ = 	snop  }
0x7: {  	_ = 	snop  }
__scs_overlays_trampoline_lowered:
0x8: {  	[smem:$0x3FA1] =	sst s0  }
0x9: {  	[smem:$0x3FA2] =	sst s1  }
0xa: {  	[smem:$0x3FA3] =	sst s2  }
0xb: {  	[smem:$0x3FA4] =	sst s3  }
0xc: {  	[smem:$0x3FA5] =	sst s4  }
0xd: {  	[smem:$0x3FA6] =	sst s5  }
0xe: {  	[smem:$0x3FA7] =	sst s6  }
0xf: {  	[smem:$0x3FA8] =	sst s7  }
0x10: {  	[smem:$0x3FA9] =	sst s8  }
0x11: {  	[smem:$0x3FAA] =	sst s9;
	s0 =	simm.s32 @!p0 $0x0  }
0x12: {  	s1 =	sld [smem:$0x3F90];
	s0 =	simm.s32 @p0 $0x1  }
0x13: {  	[smem:$0x3FAB] =	sst s0;
	s0 =	simm.s32 @!p1 $0x0  }
0x14: {  	s2 =	sld [smem:$0x3F8F];
	s0 =	simm.s32 @p1 $0x1  }
0x15: {  	[smem:$0x3FAC] =	sst s0;
	s0 =	simm.s32 @!p2 $0x0  }
0x16: {  	s3 =	sld [smem:$0x3FDB];
	s0 =	simm.s32 @p2 $0x1  }
0x17: {  	s4 =	simm.s32 $0x1BF5;
	[smem:$0x3FAE] =	sst s0  }
0x18: {  	s0 =	sld [smem:$0x3F91];
	_ =	swait.ge [sflag:s4], $0x0  }
0x19: {  	s7 =	sld [smem:$0x3F92]  }
0x1a: {  	s8 =	sadd.s32 $0xFFFFE003, lr  }
0x1b: {  	s9 =	sadd.s32 $0xFFFFFEF7, lr;
	s5 =	simm.s32 $0xFFFFFFFF;
	p2 =	slt.u32 s8, $0xFFFFF086  }
0x1c: {  	p1 =	slt.u32 s9, $0xF7A;
	s5 =	simm.s32 @!p2 $0x0  }
0x1d: {  	s5 =	simm.s32 @p1 $0x1;
	p0 =	seq.s32 s7, s2  }
0x1e: {  	s7 =	smul.u32 @!p0 $0xF7A, s2;
	p2 =	seq.s32 @!p0 s5, $0x0  }
0x1f: {  	s9 =	smul.u32 $0xF7A, s1;
	s8 =	simm.s32 @!p0 $0x1BF5;
	p2 =	por !p2, p0  }
0x20: {  	[sflag:s8] =	ssyncset.s32 @!p0 $0xFFFFF086;
	s6 =	sadd.s32 @!p0 s3, s7;
	s7 =	simm.s32 @!p0 $0x108  }
0x21: {  	s3 =	sadd.s32 s3, s9;
	s6 =	sadd.s32 @!p0 $0x88, s6;
	s7 =	simm.s32 @p2 $0x1082  }
0x22: {  	[simem:s7], [sflag:s8] =	dma.local @!p0 [hbm:s6], $0xF7A  }
0x23: {  	s9 =	sor.u32 $0xD0000000, s2;
	s6 =	simm.s32 $0x108;
	_ =	swait.ge @!p0 [sflag:s8], $0x0  }
0x24: {  	s3 =	sadd.s32 $0x88, s3;
	s6 =	simm.s32 @!p1 $0x1082;
	[sflag:s4] =	ssyncset.s32 $0xFFFFF086  }
0x25: {  	[simem:s6], [sflag:s4] =	dma.local [hbm:s3], $0xF7A  }
0x26: {  	[smem:$0x3F92] =	sst s1;
	(tag) =	ssettag s2;
	_ =	strace s9  }
0x27: {  	s1 =	sld [smem:$0x3FA2]  }
0x28: {  	s2 =	sld [smem:$0x3FA3]  }
0x29: {  	s4 =	sld [smem:$0x3FA5]  }
0x2a: {  	p0 =	seq.s32 s5, $0x0;
	s5 =	sld [smem:$0x3FA6]  }
0x2b: {  	s6 =	sld [smem:$0x3FA7]  }
0x2c: {  	s7 =	sld [smem:$0x3FA8]  }
0x2d: {  	s3 =	simm.s32 $0x108;
	s8 =	sld [smem:$0x3FA9]  }
0x2e: {  	s3 =	simm.s32 @!p0 $0x1082;
	s9 =	sld [smem:$0x3FAA]  }
0x2f: {  	lr =	sadd.s32 s0, s3;
	s0 =	sld [smem:$0x3FA1]  }
0x30: {  	s3 =	sld [smem:$0x3FA4]  }
0x31: {  	[smem:$0x3FAD] =	sst s10  }
0x32: {  	s10 =	sld [smem:$0x3FAB];
	_ =	sdelay $0x3  }
0x33: {  	p0 =	seq.s32 s10, $0x1;
	s10 =	sld [smem:$0x3FAD];
	_ =	sdelay $0x3  }
0x34: {  	[smem:$0x3FAD] =	sst s10  }
0x35: {  	s10 =	sld [smem:$0x3FAC];
	_ =	sdelay $0x3  }
0x36: {  	p1 =	seq.s32 s10, $0x1;
	s10 =	sld [smem:$0x3FAD];
	_ =	sdelay $0x3  }
0x37: {  	[smem:$0x3FAD] =	sst s10  }
0x38: {  	s10 =	sld [smem:$0x3FAE]  }
0x39: {  	_ = 	snop;
	(pc) =	sbr.ind lr, $3  }
0x3a: {  	_ = 	snop  }
0x3b: {  	_ = 	snop  }
0x3c: {  	p2 =	seq.s32 s10, $0x1;
	s10 =	sld [smem:$0x3FAD]  }
0x3d: {  	_ =	shalt  }
0x3e: {  	_ =	shalt  }
0x3f: {  	_ =	shalt  }
0x40: {  	_ =	shalt  }
0x41: {  	_ =	shalt  }
0x42: {  	_ =	shalt  }
0x43: {  	_ =	shalt  }
0x44: {  	_ =	shalt  }
0x45: {  	_ =	shalt  }
0x46: {  	_ =	shalt  }
0x47: {  	_ =	shalt  }
0x48: {  	_ =	shalt  }
0x49: {  	_ =	shalt  }
0x4a: {  	_ =	shalt  }
0x4b: {  	_ =	shalt  }
0x4c: {  	_ =	shalt  }
0x4d: {  	_ =	shalt  }
0x4e: {  	_ =	shalt  }
0x4f: {  	_ =	shalt  }
0x50: {  	_ =	shalt  }
0x51: {  	_ =	shalt  }
0x52: {  	_ =	shalt  }
0x53: {  	_ =	shalt  }
0x54: {  	_ =	shalt  }
0x55: {  	_ =	shalt  }
0x56: {  	_ =	shalt  }
0x57: {  	_ =	shalt  }
0x58: {  	_ =	shalt  }
0x59: {  	_ =	shalt  }
0x5a: {  	_ =	shalt  }
0x5b: {  	_ =	shalt  }
0x5c: {  	_ =	shalt  }
0x5d: {  	_ =	shalt  }
0x5e: {  	_ =	shalt  }
0x5f: {  	_ =	shalt  }
0x60: {  	_ =	shalt  }
0x61: {  	_ =	shalt  }
0x62: {  	_ =	shalt  }
0x63: {  	_ =	shalt  }
0x64: {  	_ =	shalt  }
0x65: {  	_ =	shalt  }
0x66: {  	_ =	shalt  }
0x67: {  	_ =	shalt  }
0x68: {  	_ =	shalt  }
0x69: {  	_ =	shalt  }
0x6a: {  	_ =	shalt  }
0x6b: {  	_ =	shalt  }
0x6c: {  	_ =	shalt  }
0x6d: {  	_ =	shalt  }
0x6e: {  	_ =	shalt  }
0x6f: {  	_ =	shalt  }
0x70: {  	_ =	shalt  }
0x71: {  	_ =	shalt  }
0x72: {  	_ =	shalt  }
0x73: {  	_ =	shalt  }
0x74: {  	_ =	shalt  }
0x75: {  	_ =	shalt  }
0x76: {  	_ =	shalt  }
0x77: {  	_ =	shalt  }
0x78: {  	_ =	shalt  }
0x79: {  	_ =	shalt  }
0x7a: {  	_ =	shalt  }
0x7b: {  	_ =	shalt  }
0x7c: {  	_ =	shalt  }
0x7d: {  	_ =	shalt  }
0x7e: {  	_ =	shalt  }
0x7f: {  	_ =	shalt  }
0x80: {  	_ =	shalt  }
0x81: {  	_ =	shalt  }
0x82: {  	_ =	shalt  }
0x83: {  	_ =	shalt  }
0x84: {  	_ =	shalt  }
0x85: {  	_ =	shalt  }
0x86: {  	_ =	shalt  }
0x87: {  	_ =	shalt  }
.Lfunc_end0:
.L_simem_size_0:
called_computation.4_lowered:
.L_overlay_start_0:
0x88: {  	s2 =	sld [smem:$0x3FD9]  }
0x89: {  	s3 =	sld [smem:$0x3FFE];
	_ =	sdelay $0x1  }
0x8a: {  	s1 =	srdreg.scid  }
0x8b: {  	s0 =	sand.u32 $0x1, s1  }
0x8c: {  	s16 =	sshll.u32 s0, $0xA;
	s2 =	sadd.s32 s3, s2  }
0x8d: {  	s2 =	sadd.s32 s2, s16  }
0x8e: {  	[smem:$0x3FB9] =	sst s2  }
0x8f: {  	_ = 	snop  }
0x90: {  	(tm) =	ssettm $0x1  }
0x91: {  	s17 =	sld [smem:$0x3FFB];
	_ =	sdelay $0x3  }
0x92: {  	_ =	strace s17  }
0x93: {  	s2 =	sld [smem:$0x3FFC];
	_ =	sdelay $0x3  }
0x94: {  	_ =	strace s2  }
0x95: {  	s2 =	sld [smem:$0x3FFD];
	_ =	sdelay $0x3  }
0x96: {  	_ =	strace s2  }
0x97: {  	_ =	strace $0x8FFFFFFF  }
0x98: {  	s18 =	sld [smem:$0x3FDB];
	_ =	sdelay $0x1  }
0x99: {  	s19 =	simm.s32 $_scs_section_size  }
0x9a: {  	s4 =	simm.s32 $_size__tile_overlayer_lowered;
	s5 =	simm.s32 $_tile_overlayer_lowered  }
0x9b: {  	s22 =	simm.s32 $0x1BFF;
	s21 =	sshll.u32 s5, $0x1;
	s2 =	sadd.s32 s19, s18  }
0x9c: {  	s6 =	simm.s32 $0x0;
	s20 =	sshll.u32 s4, $0x1;
	s4 =	sadd.s32 s21, s2  }
0x9d: {  	[timem:s6], [sflag:s22] =	dma.local [hbm:s4], s20  }
0x9e: {  	_ =	swait.ge [sflag:s22], s20  }
0x9f: {  	s3 =	ssub.s32 $0x0, s20;
	[sflag:s22] =	ssyncset.done $0x0  }
0xa0: {  	[sflag:s22] =	ssyncadd.s32 s3;
	_ =	sdelay $0x1  }
0xa1: {  	s23 =	simm.s32 $0x1B8B  }
0xa2: {  	_ =	swait.ge [sflag:s23], $0x1  }
0xa3: {  	[sflag:s23] =	ssyncset.done $0x0  }
0xa4: {  	s25 =	simm.s32 $0x1B8E;
	s24 =	sld [smem:$0x3FFE];
	[sflag:s23] =	ssyncadd.s32 $0xFFFFFFFF  }
0xa5: {  	s26 =	simm.s32 $execute0_lowered;
	[smem:$0x3FD2] =	sst s25  }
0xa6: {  	s4 =	sshll.u32 s26, $0x1;
	_ =	strace $0x80000052;
	[dreg:$0x1] =	wrdreg $0xFFFFFFFF  }
0xa7: {  	s28 =	simm.s32 $_size_execute0_lowered;
	s2 =	sadd.s32 s2, s4;
	[dreg:$0x0] =	wrdreg $0x0  }
0xa8: {  	s4 =	sshll.u32 s28, $0x1;
	[dreg:$0x2] =	wrdreg s2  }
0xa9: {  	[dreg:$0x3] =	wrdreg s4  }
0xaa: {  	[dreg:$0x4] =	wrdreg $0xC0  }
0xab: {  	_ =	task [dreg:s6], $0x5FFFF  }
0xac: {  	[dreg:$0x1] =	wrdreg $0xFFFFFFFF  }
0xad: {  	[dreg:$0x0] =	wrdreg $0x60  }
0xae: {  	[dreg:$0x2] =	wrdreg s24  }
0xaf: {  	[dreg:$0x3] =	wrdreg $0xA8000  }
0xb0: {  	[dreg:$0x4] =	wrdreg $0x9  }
0xb1: {  	_ =	task.clear_ibuf [dreg:s6], $0x5FFFF;
	_ =	strace $0x90000052  }
0xb2: {  	s29 =	simm.s32 $0x9;
	_ =	strace $0x80000054  }
0xb3: {  	_ =	swait.ge [sflag:s29], $0x1  }
0xb4: {  	[sflag:s29] =	ssyncadd.s32 $0xFFFFFFFF  }
0xb5: {  	_ =	strace $0x90000054  }
0xb6: {  	_ =	sfence  }
0xb7: {  	s30 =	sld [smem:$0x0];
	_ =	sdelay $0x2  }
0xb8: {  	s31 =	sshll.u32 s1, $0xD;
	s1 =	sshrl.u32 s1, $0x2  }
0xb9: {  	s3 =	sand.u32 $0x4000, s31;
	s1 =	sadd.s32 s1, s30  }
0xba: {  	s0 =	sor.u32 s3, s0;
	s1 =	sshll.u32 s1, $0x11  }
0xbb: {  	s0 =	sor.u32 s1, s0  }
0xbc: {  	s0 =	sadd.s32 $0x8F2B, s0  }
0xbd: {  	[sflag:s0] =	ssyncadd.remote.s32 $0x1  }
0xbe: {  	_ =	sfence.sel $0xFFFF  }
0xbf: {  	[dreg:$0x0] =	wrdreg $0xFFFFFFFF;
	(pc) =	sbr.abs _section_cstart, $3  }
0xc0: {  	[dreg:$0x1] =	wrdreg $0xFFFFFFFF  }
0xc1: {  	_ =	task.clear_ibuf [dreg:s6], $0x2FFFF;
	_ =	strace $0x9FFFFFFF  }
0xc2: {  	(tm) =	ssettm $0x7FFFFFFF  }
0xc3: {  	_ =	shalt  }
tec
execute0_lowered:
.L_overlay_start_1:
0x0: {  	(tag) =	ssettag $0x1  }
0x1: {  	s1 =	srdreg.scid;
	s7 =	rddreg [dreg:$0x0]  }
0x2: {  	s0 =	stileid.u32;
	s2 =	rddreg [dreg:$0x1]  }
0x3: {  	s3 =	simm.s32 $0x0;
	s14 =	simm.s32 $0x80;
	s15 =	simm.s32 $0x2800  }
0x4: {  	s16 =	simm.s32 $0x6800;
	s17 =	simm.s32 $0x1;
	s18 =	simm.s32 $0x0  }
0x5: {  	s6 =	sand.u32 $0x1, s1;
	s28 =	sshll.u32 s0, $0x1;
	s8 =	smul.u32 $0x14000, s0  }
0x6: {  	[smem:$0x7FF] =	sst s3;
	s10 =	smul.u32 $0x50000, s0;
	s31 =	sshll.u32 s0, $0x6  }
0x7: {  	s1 =	sor.u32 s6, s28;
	s5 =	smul.u32 $0x140000, s6;
	s6 =	ssub.s32 $0x2, s6  }
0x8: {  	s4 =	smul.u32 $0x280, s1;
	s1 =	rddreg [dreg:$0x2];
	_ =	strace $0x80000053  }
0x9: {  	s29 =	sshrl.u32 s6, $0x1;
	s30 =	sshrl.u32 s10, $0x2;
	s5 =	sadd.s32 s8, s5  }
0xa: {  	s12 =	ssub.s32 s6, s29;
	s13 =	sadd.s32 s30, s2;
	s6 =	sor.u32 $0x1C02, s31  }
0xb: {  	s9 =	sadd.s32 s4, s7;
	s4 =	sadd.s32 $0xC600, s7;
	s8 =	sshrl.u32 s5, $0x3  }
0xc: {  	s5 =	sadd.s32 $0x5C600, s7;
	s10 =	smax.u32 s12, $0x1;
	s12 =	simm.s32 $0x2  }
0xd: {  	s11 =	sadd.s32 s8, s7;
	s7 =	sadd.s32 $0xAEE00, s9;
	s8 =	sadd.s32 $0x7600, s9  }
0xe: {  	s9 =	sadd.s32 $0x5EE00, s11;
	s11 =	sshrl.u32 s13, $0x3;
	s13 =	simm.s32 $0x1400  }
.LBB2_1:
0xf: {  	[spmem:s11], [sflag:s6] =	dma.local [hbm:s5], $0x2800  }
0x10: {  	_ =	swait.ge [sflag:s12], $0x2800  }
0x11: {  	[sflag:s12] =	ssyncset.done $0x0  }
0x12: {  	[sflag:s12] =	ssyncadd.s32 $0xFFFFD800  }
0x13: {  	[tilespmem:s3], [sflag:$0x2] =	stream.linear.gather [hbm4b:s7+s3], $0x1400, $0x38;
	[tilespmem:$0x1E800] =	vst v63  }
0x14: {  	_ =	swait.ge [sflag:s12], $0x1400  }
0x15: {  	[sflag:s12] =	ssyncset.done $0x0  }
0x16: {  	[sflag:s12] =	ssyncadd.s32 $0xFFFFEC00  }
0x17: {  	[tilespmem:s13], [sflag:$0x2] =	stream.linear.gather [hbm4b:s8+s3], $0x1400, $0x38;
	[tilespmem:$0x1E800] =	vst v63  }
0x18: {  	_ =	swait.ge [sflag:s12], $0x1400  }
0x19: {  	[sflag:s12] =	ssyncset.done $0x0  }
0x1a: {  	[sflag:s12] =	ssyncadd.s32 $0xFFFFEC00  }
0x1b: {  	s19 =	simm.s32 $0x0;
	[bflag:$0x0] =	sbarrier.arrive $0xFFFF  }
0x1c: {  	[tilespmem:s15], [sflag:$0x1] =	stream.indirect.gather [hbm4b:s4+s14], $0x80, s19, s14, $0xb8;
	[tilespmem:$0x1E800] =	vst v63  }
0x1d: {  	s29 =	simm.s32 $0x80  }
0x1e: {  	[tilespmem:s16], [sflag:$0x1] =	stream.indirect.gather [hbm4b:s4+s14], $0x80, s29, s14, $0xb8;
	[tilespmem:$0x1E800] =	vst v63  }
0x1f: {  	_ =	swait.ge [sflag:s17], $0x4000  }
0x20: {  	[sflag:s17] =	ssyncset.done $0x0  }
0x21: {  	[sflag:s17] =	ssyncadd.s32 $0xFFFFC000  }
0x22: {  	_ =	swait.ge [sflag:s17], $0x4000  }
0x23: {  	[sflag:s17] =	ssyncset.done $0x0  }
0x24: {  	s30 =	simm.s32 $0x1400;
	[sflag:s17] =	ssyncadd.s32 $0xFFFFC000  }
0x25: {  	[spmem:s2] =	stream.indirect.scatter.add.f32 [tilespmem:s15], [sflag:$0x2], $0x80, s30, s14, $0xb8;
	[tilespmem:$0x1E800] =	vst v63  }
0x26: {  	_ =	swait.ge [sflag:s12], $0x4000  }
0x27: {  	[sflag:s12] =	ssyncset.done $0x0  }
0x28: {  	s31 =	simm.s32 $0x1480;
	[sflag:s12] =	ssyncadd.s32 $0xFFFFC000  }
0x29: {  	[spmem:s2] =	stream.indirect.scatter.add.f32 [tilespmem:s16], [sflag:$0x2], $0x80, s31, s14, $0xb8;
	[tilespmem:$0x1E800] =	vst v63  }
0x2a: {  	_ =	swait.ge [sflag:s12], $0x4000  }
0x2b: {  	s20 =	simm.s32 $0x800;
	s19 =	simm.s32 $0x400;
	[sflag:s12] =	ssyncset.done $0x0  }
.LBB2_2:
0x2c: {  	s21 =	sshra.s32 s19, $0x2  }
0x2d: {  	[sflag:s12] =	ssyncadd.s32 $0xFFFFC000;
	s19 =	smov.u32 s20;
	s22 =	sadd.s32 $0x400, s20  }
0x2e: {  	[tilespmem:s15], [sflag:$0x1] =	stream.indirect.gather [hbm4b:s4+s14], $0x80, s21, s14, $0xb8;
	[tilespmem:$0x1E800] =	vst v63  }
0x2f: {  	p0 =	sne.s32 s20, $0x4C00;
	s20 =	sadd.s32 $0x80, s21  }
0x30: {  	[tilespmem:s16], [sflag:$0x1] =	stream.indirect.gather [hbm4b:s4+s14], $0x80, s20, s14, $0xb8;
	[tilespmem:$0x1E800] =	vst v63  }
0x31: {  	_ =	swait.ge [sflag:s17], $0x4000  }
0x32: {  	[sflag:s17] =	ssyncset.done $0x0  }
0x33: {  	[sflag:s17] =	ssyncadd.s32 $0xFFFFC000  }
0x34: {  	_ =	swait.ge [sflag:s17], $0x4000  }
0x35: {  	[sflag:s17] =	ssyncset.done $0x0  }
0x36: {  	s20 =	sadd.s32 $0x1400, s21;
	[sflag:s17] =	ssyncadd.s32 $0xFFFFC000  }
0x37: {  	[spmem:s2] =	stream.indirect.scatter.add.f32 [tilespmem:s15], [sflag:$0x2], $0x80, s20, s14, $0xb8;
	[tilespmem:$0x1E800] =	vst v63  }
0x38: {  	_ =	swait.ge [sflag:s12], $0x4000  }
.Ltmp0:
0x39: {  	[sflag:s12] =	ssyncset.done $0x0;
	(pc) =	sbr.rel @p0 .LBB2_2-.Ltmp0, $4  }
0x3a: {  	s20 =	sadd.s32 $0x1480, s21;
	[sflag:s12] =	ssyncadd.s32 $0xFFFFC000  }
0x3b: {  	[spmem:s2] =	stream.indirect.scatter.add.f32 [tilespmem:s16], [sflag:$0x2], $0x80, s20, s14, $0xb8;
	[tilespmem:$0x1E800] =	vst v63  }
0x3c: {  	_ =	swait.ge [sflag:s12], $0x4000  }
0x3d: {  	s20 =	smov.u32 s22;
	[sflag:s12] =	ssyncset.done $0x0  }
0x3e: {  	s19 =	sshra.s32 s19, $0x2;
	[sflag:s12] =	ssyncadd.s32 $0xFFFFC000  }
0x3f: {  	[tilespmem:s15], [sflag:$0x1] =	stream.indirect.gather [hbm4b:s4+s14], $0x80, s19, s14, $0xb8;
	[tilespmem:$0x1E800] =	vst v63  }
0x40: {  	s20 =	sadd.s32 $0x80, s19  }
0x41: {  	[tilespmem:s16], [sflag:$0x1] =	stream.indirect.gather [hbm4b:s4+s14], $0x80, s20, s14, $0xb8;
	[tilespmem:$0x1E800] =	vst v63  }
0x42: {  	_ =	swait.ge [sflag:s17], $0x4000  }
0x43: {  	[sflag:s17] =	ssyncset.done $0x0  }
0x44: {  	[sflag:s17] =	ssyncadd.s32 $0xFFFFC000  }
0x45: {  	_ =	swait.ge [sflag:s17], $0x4000  }
0x46: {  	[sflag:s17] =	ssyncset.done $0x0  }
0x47: {  	s31 =	sadd.s32 $0x1400, s19;
	[sflag:s17] =	ssyncadd.s32 $0xFFFFC000  }
0x48: {  	[spmem:s2] =	stream.indirect.scatter.add.f32 [tilespmem:s15], [sflag:$0x2], $0x80, s31, s14, $0xb8;
	[tilespmem:$0x1E800] =	vst v63  }
0x49: {  	_ =	swait.ge [sflag:s12], $0x4000  }
0x4a: {  	[sflag:s12] =	ssyncset.done $0x0  }
0x4b: {  	s19 =	sadd.s32 $0x1480, s19;
	[sflag:s12] =	ssyncadd.s32 $0xFFFFC000  }
0x4c: {  	[spmem:s2] =	stream.indirect.scatter.add.f32 [tilespmem:s16], [sflag:$0x2], $0x80, s19, s14, $0xb8;
	[tilespmem:$0x1E800] =	vst v63  }
0x4d: {  	_ =	swait.ge [sflag:s12], $0x4000  }
0x4e: {  	s18 =	sadd.s32 $0x1, s18;
	[sflag:s12] =	ssyncset.done $0x0  }
0x4f: {  	p0 =	sne.s32 s18, s10;
	[sflag:s12] =	ssyncadd.s32 $0xFFFFC000  }
.Ltmp1:
0x50: {  	[bflag:$0x0] =	sbarrier.arrive $0xFFFF;
	(pc) =	sbr.rel @p0 .LBB2_1-.Ltmp1, $4  }
0x51: {  	[hbm:s9], [sflag:s6] =	dma.local [spmem:s11], $0x2800  }
0x52: {  	_ =	swait.ge [sflag:s12], $0x2800  }
0x53: {  	[sflag:s12] =	ssyncset.done $0x0  }
0x54: {  	[sflag:s12] =	ssyncadd.s32 $0xFFFFD800  }
0x55: {  	_ =	sfence.sel $0x180000  }
0x56: {  	[bflag:$0x0] =	sbarrier.arrive $0xFFFF  }
0x57: {  	p0 =	sne.s32 s0, $0x0;
	_ =	strace $0x90000053  }
0x58: {  	s0 =	sadd.s32 @!p0 $0x100000, s1;
	[bflag:$0x2] =	sbarrier.arrive $0xFFFF  }
0x59: {  	[sflag:s0] =	ssyncadd.tile.s32 @!p0 $0x1;
	_ =	shalt  }
.Lfunc_end2:
_tile_overlayer_lowered:
.L_overlay_start_2:
0x5a: {  	(tag) =	ssettag $0x2  }
0x5b: {  	s0 =	rddreg [dreg:$0x0];
	s2 =	stileid.u32  }
0x5c: {  	s1 =	rddreg [dreg:$0x1];
	p0 =	sne.s32 s2, $0x0  }
0x5d: {  	s3 =	rddreg [dreg:$0x2];
	[bflag:$0x3] =	sbarrier.arrive $0xFFFF;
	s2 =	simm.s32 @!p0 $0x1C02  }
0x5e: {  	[timem:s3], [sflag:s2] =	dma.local @!p0 [hbm:s0], s1  }
0x5f: {  	s0 =	simm.s32 @!p0 $0x2  }
0x60: {  	_ =	swait.ge @!p0 [sflag:s0], s1  }
0x61: {  	s1 =	ssub.s32 @!p0 $0x0, s1;
	[sflag:s0] =	ssyncset.done @!p0 $0x0  }
0x62: {  	[sflag:s0] =	ssyncadd.s32 @!p0 s1  }
0x63: {  	[bflag:$0x3] =	sbarrier.arrive $0xFFFF  }
0x64: {  	_ =	shalt  }

</sc_bundles>
